<compile_context>
chip_gen: v7x
topology: tpu7x:2x2x1
jax: 0.10.2.dev20260603
libtpu: 0.0.44.dev20260713+nightly
codegen_flags: <defaults>
</compile_context>

<pallas_src>
import functools

import jax
import jax.numpy as jnp
from jax import lax
from jax.experimental import pallas as pl
from jax.experimental.pallas import tpu as pltpu
from jax.experimental.pallas import tpu_sc as plsc

EMB_DIM = 64
CTX = 10
B_POS = 16384
B_NEG = 81920
B_TOT = B_POS + B_NEG
TROWS = 199999
NC = 2
NS = 16
NW = NC * NS
POS_PER_W = B_POS // NW
NEG_PER_W = B_NEG // NW
CA = 64
NPOS_CHUNK_A = POS_PER_W // CA
NNEG_CHUNK_A = NEG_PER_W // CA
NCHUNK_A = NPOS_CHUNK_A + NNEG_CHUNK_A
CB = 128
NPOS_CHUNK_B = POS_PER_W // CB
NNEG_CHUNK_B = NEG_PER_W // CB
NCHUNK_B = NPOS_CHUNK_B + NNEG_CHUNK_B
ITEMS_PER_W = POS_PER_W + NEG_PER_W
NBUF = 2
ACC_LEN = B_TOT * EMB_DIM
OUT_LEN = B_TOT * 16
R128 = OUT_LEN // 128
POS_CTX_LEN = POS_PER_W * CTX



def _prep_idx_body(pvt_ref, nvt_ref, opv_ref, onv_ref):
    opv_ref[...] = jnp.pad(pvt_ref[...], ((0, 16 - CTX), (0, 0)))
    onv_ref[...] = jnp.pad(nvt_ref[...], ((0, 16 - CTX), (0, 0)))


_prep_idx = pl.pallas_call(
    _prep_idx_body,
    out_shape=[
        jax.ShapeDtypeStruct((16, B_POS), jnp.int32),
        jax.ShapeDtypeStruct((16, B_NEG), jnp.int32),
    ],
)


def _chunk_off(wid, j, c_sz, npos_chunk):
    return jnp.where(
        j < npos_chunk,
        wid * POS_PER_W + j * c_sz,
        B_POS + wid * NEG_PER_W + (j - npos_chunk) * c_sz)



def _sc_ctx_body(u_emb, pvt, nvt, out,
                 idx_v_all, rows_v0, rows_v1, parts0, parts1,
                 semg0, semg1, semo0, semo1):
    rows_v = (rows_v0, rows_v1)
    parts = (parts0, parts1)
    semg = (semg0, semg1)
    semo = (semo0, semo1)

    wid = lax.axis_index("s") * NC + lax.axis_index("c")
    idx_cps = []
    for c in range(CTX):
        idx_cps.append(pltpu.async_copy(
            pvt.at[c, pl.ds(wid * POS_PER_W, POS_PER_W)],
            idx_v_all.at[pl.ds(c * POS_PER_W, POS_PER_W)], semg0))
        idx_cps.append(pltpu.async_copy(
            nvt.at[c, pl.ds(wid * NEG_PER_W, NEG_PER_W)],
            idx_v_all.at[pl.ds(POS_CTX_LEN + c * NEG_PER_W, NEG_PER_W)],
            semg0))
    for cp in idx_cps:
        cp.wait()

    def issue(j, b):
        jp = jnp.minimum(j, NPOS_CHUNK_A - 1)
        jn_ = jnp.maximum(j - NPOS_CHUNK_A, 0)
        is_pos = j < NPOS_CHUNK_A
        for c in range(CTX):
            off = jnp.where(is_pos, c * POS_PER_W + jp * CA,
                            POS_CTX_LEN + c * NEG_PER_W + jn_ * CA)
            pltpu.async_copy(
                u_emb.at[idx_v_all.at[pl.ds(off, CA)]],
                rows_v[b].at[pl.ds(c * CA, CA)], semg[b])

    def drain_gathers(b):
        pltpu.make_async_copy(
            u_emb.at[pl.ds(0, CA * CTX)], rows_v[b], semg[b]).wait()

    def compute(b):
        rv, pt = rows_v[b], parts[b]

        def item_body(i, carry):
            for d in range(4):
                acc = rv[i, pl.ds(d * 16, 16)]
                for c in range(1, CTX):
                    acc = acc + rv[c * CA + i, pl.ds(d * 16, 16)]
                pt[pl.ds(i * EMB_DIM + d * 16, 16)] = acc
            return carry

        lax.fori_loop(0, CA, item_body, 0)

    issue(0, 0)

    def outer(g, carry):
        for b in range(NBUF):
            j = g * NBUF + b
            jn = j + 1

            @pl.when(jn < NCHUNK_A)
            def _():
                issue(jn, b ^ 1)

            drain_gathers(b)

            @pl.when(j >= NBUF)
            def _():
                pltpu.make_async_copy(
                    parts[b], out.at[pl.ds(0, CA * EMB_DIM)], semo[b]).wait()

            compute(b)
            off = _chunk_off(wid, j, CA, NPOS_CHUNK_A)
            pltpu.async_copy(
                parts[b], out.at[pl.ds(off * EMB_DIM, CA * EMB_DIM)], semo[b])
        return carry

    lax.fori_loop(0, NCHUNK_A // NBUF, outer, 0)
    for b in range(NBUF):
        pltpu.make_async_copy(
            parts[b], out.at[pl.ds(0, CA * EMB_DIM)], semo[b]).wait()


_sc_ctx = functools.partial(
    pl.kernel,
    out_type=jax.ShapeDtypeStruct((ACC_LEN,), jnp.float32),
    mesh=plsc.VectorSubcoreMesh(core_axis_name="c", subcore_axis_name="s"),
    scratch_types=[
        pltpu.VMEM((ITEMS_PER_W * CTX,), jnp.int32),
        pltpu.VMEM((CA * CTX, EMB_DIM), jnp.float32),
        pltpu.VMEM((CA * CTX, EMB_DIM), jnp.float32),
        pltpu.VMEM((CA * EMB_DIM,), jnp.float32),
        pltpu.VMEM((CA * EMB_DIM,), jnp.float32),
        pltpu.SemaphoreType.DMA,
        pltpu.SemaphoreType.DMA,
        pltpu.SemaphoreType.DMA,
        pltpu.SemaphoreType.DMA,
    ],
    compiler_params=pltpu.CompilerParams(use_tc_tiling_on_sc=False),
)(_sc_ctx_body)



def _sc_dot_body(v_emb, pos_u, neg_u, accs, out,
                 idx_u_all, acc_v0, acc_v1, rows_u0, rows_u1,
                 parts0, parts1, semg0, semg1, semo0, semo1):
    acc_v = (acc_v0, acc_v1)
    rows_u = (rows_u0, rows_u1)
    parts = (parts0, parts1)
    semg = (semg0, semg1)
    semo = (semo0, semo1)

    wid = lax.axis_index("s") * NC + lax.axis_index("c")
    cp0 = pltpu.async_copy(pos_u.at[pl.ds(wid * POS_PER_W, POS_PER_W)],
                           idx_u_all.at[pl.ds(0, POS_PER_W)], semg0)
    cp1 = pltpu.async_copy(neg_u.at[pl.ds(wid * NEG_PER_W, NEG_PER_W)],
                           idx_u_all.at[pl.ds(POS_PER_W, NEG_PER_W)], semg0)
    cp0.wait()
    cp1.wait()

    def issue(j, b):
        pltpu.async_copy(
            v_emb.at[idx_u_all.at[pl.ds(j * CB, CB)]], rows_u[b], semg[b])
        off = _chunk_off(wid, j, CB, NPOS_CHUNK_B)
        pltpu.async_copy(
            accs.at[pl.ds(off * EMB_DIM, CB * EMB_DIM)], acc_v[b], semg[b])

    def drain_gathers(b):
        pltpu.make_async_copy(v_emb.at[pl.ds(0, CB)], rows_u[b], semg[b]).wait()
        pltpu.make_async_copy(
            accs.at[pl.ds(0, CB * EMB_DIM)], acc_v[b], semg[b]).wait()

    def compute(b):
        av, ru, pt = acc_v[b], rows_u[b], parts[b]

        def item_body(i, carry):
            part = av[pl.ds(i * EMB_DIM, 16)] * ru[i, pl.ds(0, 16)]
            for d in range(1, 4):
                part = part + (av[pl.ds(i * EMB_DIM + d * 16, 16)]
                               * ru[i, pl.ds(d * 16, 16)])
            pt[pl.ds(i * 16, 16)] = part
            return carry

        lax.fori_loop(0, CB, item_body, 0)

    issue(0, 0)

    def outer(g, carry):
        for b in range(NBUF):
            j = g * NBUF + b
            jn = j + 1

            @pl.when(jn < NCHUNK_B)
            def _():
                issue(jn, b ^ 1)

            drain_gathers(b)

            @pl.when(j >= NBUF)
            def _():
                pltpu.make_async_copy(
                    parts[b], out.at[pl.ds(0, CB * 16)], semo[b]).wait()

            compute(b)
            off = _chunk_off(wid, j, CB, NPOS_CHUNK_B)
            pltpu.async_copy(
                parts[b], out.at[pl.ds(off * 16, CB * 16)], semo[b])
        return carry

    lax.fori_loop(0, NCHUNK_B // NBUF, outer, 0)
    for b in range(NBUF):
        pltpu.make_async_copy(
            parts[b], out.at[pl.ds(0, CB * 16)], semo[b]).wait()


_sc_dot = functools.partial(
    pl.kernel,
    out_type=jax.ShapeDtypeStruct((OUT_LEN,), jnp.float32),
    mesh=plsc.VectorSubcoreMesh(core_axis_name="c", subcore_axis_name="s"),
    scratch_types=[
        pltpu.VMEM((ITEMS_PER_W,), jnp.int32),
        pltpu.VMEM((CB * EMB_DIM,), jnp.float32),
        pltpu.VMEM((CB * EMB_DIM,), jnp.float32),
        pltpu.VMEM((CB, EMB_DIM), jnp.float32),
        pltpu.VMEM((CB, EMB_DIM), jnp.float32),
        pltpu.VMEM((CB * 16,), jnp.float32),
        pltpu.VMEM((CB * 16,), jnp.float32),
        pltpu.SemaphoreType.DMA,
        pltpu.SemaphoreType.DMA,
        pltpu.SemaphoreType.DMA,
        pltpu.SemaphoreType.DMA,
    ],
    compiler_params=pltpu.CompilerParams(use_tc_tiling_on_sc=False),
)(_sc_dot_body)



def _tc_body(parts_ref, o_ref):
    x = parts_ref[...]
    sel = (lax.broadcasted_iota(jnp.int32, (128, 8), 0) // 16
           == lax.broadcasted_iota(jnp.int32, (128, 8), 1)).astype(jnp.float32)
    s = jnp.dot(x, sel, preferred_element_type=jnp.float32)
    row = lax.broadcasted_iota(jnp.int32, (R128, 8), 0)
    sign = jnp.where(row < B_POS // 8, 1.0, -1.0)
    t = s * sign
    ls = jnp.minimum(t, 0.0) - jnp.log(1.0 + jnp.exp(-jnp.abs(t)))
    o_ref[0, 0] = -jnp.sum(ls)


_tc_finish = pl.pallas_call(
    _tc_body,
    out_shape=jax.ShapeDtypeStruct((1, 1), jnp.float32),
    out_specs=pl.BlockSpec(memory_space=pltpu.SMEM),
)


def kernel(pos_u, pos_v, neg_u, neg_v, u_emb, v_emb):
    pvt, nvt = _prep_idx(pos_v.astype(jnp.int32).T, neg_v.astype(jnp.int32).T)
    accs = _sc_ctx(u_emb, pvt, nvt)
    parts = _sc_dot(v_emb, pos_u.astype(jnp.int32), neg_u.astype(jnp.int32),
                    accs)
    loss = _tc_finish(parts.reshape(R128, 128))
    return loss[0, 0]

# --- scband reference (transcript-rebuilt; emitter-appended) ---
"""Pipeline reference for scband-cbowmodel-42949672960880 (READ-ONLY COPY).

The authoritative reference and input builder live on the scoring server;
editing this copy changes nothing except your own understanding.
"""

import jax, jax.numpy as jnp
import numpy as np

EMB_SIZE = 100000
EMB_DIM = 64
TABLE_ROWS = 2 * EMB_SIZE - 1
B_POS = 16384
B_NEG = 81920
CTX = 10


def setup_inputs(seed: int = 0) -> dict:
    key = jax.random.key(seed)
    k1, k2, k3, k4, k5, k6 = jax.random.split(key, 6)
    pos_u = jax.random.randint(k1, (B_POS,), 0, TABLE_ROWS, dtype=jnp.int64 if jax.config.jax_enable_x64 else jnp.int32)
    pos_v = jax.random.randint(k2, (B_POS, CTX), 0, TABLE_ROWS, dtype=jnp.int64 if jax.config.jax_enable_x64 else jnp.int32)
    neg_u = jax.random.randint(k3, (B_NEG,), 0, TABLE_ROWS, dtype=jnp.int64 if jax.config.jax_enable_x64 else jnp.int32)
    neg_v = jax.random.randint(k4, (B_NEG, CTX), 0, TABLE_ROWS, dtype=jnp.int64 if jax.config.jax_enable_x64 else jnp.int32)
    initrange = 0.5 / EMB_DIM
    u_emb = jax.random.uniform(k5, (TABLE_ROWS, EMB_DIM), dtype=jnp.float32, minval=-initrange, maxval=initrange)
    v_emb = jax.random.normal(k6, (TABLE_ROWS, EMB_DIM), dtype=jnp.float32) * 0.01
    return {"pos_u": pos_u, "pos_v": pos_v, "neg_u": neg_u, "neg_v": neg_v, "u_emb": u_emb, "v_emb": v_emb}


def reference(pos_u, pos_v, neg_u, neg_v, u_emb, v_emb):
    # Positive pairs: sum context embeddings (u table), target embedding (v table)
    emb_v = jnp.sum(jnp.take(u_emb, pos_v, axis=0), axis=1)   # [B_POS, D]
    emb_u = jnp.take(v_emb, pos_u, axis=0)                    # [B_POS, D]
    score = jnp.sum(emb_u * emb_v, axis=1)
    score = jax.nn.log_sigmoid(score)
    loss_pos = jnp.sum(score)
    # Negative pairs
    neg_emb_v = jnp.sum(jnp.take(u_emb, neg_v, axis=0), axis=1)  # [B_NEG, D]
    neg_emb_u = jnp.take(v_emb, neg_u, axis=0)                   # [B_NEG, D]
    neg_score = jnp.sum(neg_emb_u * neg_emb_v, axis=1)
    neg_score = jax.nn.log_sigmoid(-1.0 * neg_score)
    loss_neg = jnp.sum(neg_score)
    return -1.0 * (loss_pos + loss_neg)

if __name__ == "__main__":
    import jax
    _d = setup_inputs()
    print(jax.jit(kernel)(*tuple(_d.values())))

</pallas_src>

<mosaic_0001>
#map = affine_map<(d0, d1) -> (0, 0)>
#map1 = affine_map<(d0, d1) -> (0)>
module attributes {stable_mosaic.version = 14 : i64} {
  func.func @_sc_dot_body(%arg0: i32, %arg1: i32, %arg2: memref<199999x64xf32, #tpu.memory_space<hbm>>, %arg3: memref<16384xi32, #tpu.memory_space<hbm>>, %arg4: memref<81920xi32, #tpu.memory_space<hbm>>, %arg5: memref<6291456xf32, #tpu.memory_space<hbm>>, %arg6: memref<1572864xf32, #tpu.memory_space<hbm>>, %arg7: memref<3072xi32, #tpu.memory_space<vmem>>, %arg8: memref<8192xf32, #tpu.memory_space<vmem>>, %arg9: memref<8192xf32, #tpu.memory_space<vmem>>, %arg10: memref<128x64xf32, #tpu.memory_space<vmem>>, %arg11: memref<128x64xf32, #tpu.memory_space<vmem>>, %arg12: memref<2048xf32, #tpu.memory_space<vmem>>, %arg13: memref<2048xf32, #tpu.memory_space<vmem>>, %arg14: memref<!tpu.dma_semaphore, #tpu.memory_space<semaphore_mem>>, %arg15: memref<!tpu.dma_semaphore, #tpu.memory_space<semaphore_mem>>, %arg16: memref<!tpu.dma_semaphore, #tpu.memory_space<semaphore_mem>>, %arg17: memref<!tpu.dma_semaphore, #tpu.memory_space<semaphore_mem>>) attributes {dimension_semantics = [#tpu.dimension_semantics<core_parallel>, #tpu.dimension_semantics<subcore_parallel>], iteration_bounds = array<i64: 2, 16>, scalar_prefetch = 0 : i64, scratch_operands = 11 : i64, tpu.core_type = #tpu.core_type<sc_vector_subcore>, window_params = [{transform_indices = #map}, {transform_indices = #map1}, {transform_indices = #map1}, {transform_indices = #map1}, {transform_indices = #map1}]} {
    %mul3A = arith.constant 2 : i32
    %mul3A_0 = arith.muli %arg1, %mul3A : i32
    %add3A = arith.addi %mul3A_0, %arg0 : i32
    %mul3A_1 = arith.constant 512 : i32
    %mul3A_2 = arith.muli %add3A, %mul3A_1 : i32
    %dma_start3A = arith.constant 0 : i32
    %dma_start3A_3 = tpu.memref_slice %arg7[%dma_start3A] : memref<3072xi32, #tpu.memory_space<vmem>> -> memref<512xi32, #tpu.memory_space<vmem>>
    %dma_start3A_4 = tpu.memref_slice %arg3[%mul3A_2] : memref<16384xi32, #tpu.memory_space<hbm>> -> memref<512xi32, #tpu.memory_space<hbm>>
    %dma_start3A_5 = arith.constant 0 : i32
    %dma_start3A_6 = tpu.memref_slice %arg7[%dma_start3A_5] : memref<3072xi32, #tpu.memory_space<vmem>> -> memref<512xi32, #tpu.memory_space<vmem>>
    %dma_start3A_7 = tpu.memref_slice %arg3[%mul3A_2] : memref<16384xi32, #tpu.memory_space<hbm>> -> memref<512xi32, #tpu.memory_space<hbm>>
    tpu.enqueue_dma source(%dma_start3A_7 : memref<512xi32, #tpu.memory_space<hbm>>) target(%dma_start3A_6 : memref<512xi32, #tpu.memory_space<vmem>>) target_semaphore(%arg14 : memref<!tpu.dma_semaphore, #tpu.memory_space<semaphore_mem>>)
    %mul3A_8 = arith.constant 2560 : i32
    %mul3A_9 = arith.muli %add3A, %mul3A_8 : i32
    %dma_start3A_10 = arith.constant 512 : i32
    %dma_start3A_11 = tpu.memref_slice %arg7[%dma_start3A_10] : memref<3072xi32, #tpu.memory_space<vmem>> -> memref<2560xi32, #tpu.memory_space<vmem>>
    %dma_start3A_12 = tpu.memref_slice %arg4[%mul3A_9] : memref<81920xi32, #tpu.memory_space<hbm>> -> memref<2560xi32, #tpu.memory_space<hbm>>
    %dma_start3A_13 = arith.constant 512 : i32
    %dma_start3A_14 = tpu.memref_slice %arg7[%dma_start3A_13] : memref<3072xi32, #tpu.memory_space<vmem>> -> memref<2560xi32, #tpu.memory_space<vmem>>
    %dma_start3A_15 = tpu.memref_slice %arg4[%mul3A_9] : memref<81920xi32, #tpu.memory_space<hbm>> -> memref<2560xi32, #tpu.memory_space<hbm>>
    tpu.enqueue_dma source(%dma_start3A_15 : memref<2560xi32, #tpu.memory_space<hbm>>) target(%dma_start3A_14 : memref<2560xi32, #tpu.memory_space<vmem>>) target_semaphore(%arg14 : memref<!tpu.dma_semaphore, #tpu.memory_space<semaphore_mem>>)
    %dma_wait3A = arith.constant 0 : i32
    %dma_wait3A_16 = tpu.memref_slice %arg7[%dma_wait3A] : memref<3072xi32, #tpu.memory_space<vmem>> -> memref<512xi32, #tpu.memory_space<vmem>>
    %dma_wait3A_17 = tpu.memref_slice %arg3[%mul3A_2] : memref<16384xi32, #tpu.memory_space<hbm>> -> memref<512xi32, #tpu.memory_space<hbm>>
    %dma_wait3A_18 = arith.constant 0 : i32
    %dma_wait3A_19 = tpu.memref_slice %arg7[%dma_wait3A_18] : memref<3072xi32, #tpu.memory_space<vmem>> -> memref<512xi32, #tpu.memory_space<vmem>>
    %dma_wait3A_20 = tpu.memref_slice %arg3[%mul3A_2] : memref<16384xi32, #tpu.memory_space<hbm>> -> memref<512xi32, #tpu.memory_space<hbm>>
    tpu.wait_dma2 semaphore(%arg14 : memref<!tpu.dma_semaphore, #tpu.memory_space<semaphore_mem>>) src(%dma_wait3A_20 : memref<512xi32, #tpu.memory_space<hbm>>) dst(%dma_wait3A_19 : memref<512xi32, #tpu.memory_space<vmem>>)
    %dma_wait3A_21 = arith.constant 512 : i32
    %dma_wait3A_22 = tpu.memref_slice %arg7[%dma_wait3A_21] : memref<3072xi32, #tpu.memory_space<vmem>> -> memref<2560xi32, #tpu.memory_space<vmem>>
    %dma_wait3A_23 = tpu.memref_slice %arg4[%mul3A_9] : memref<81920xi32, #tpu.memory_space<hbm>> -> memref<2560xi32, #tpu.memory_space<hbm>>
    %dma_wait3A_24 = arith.constant 512 : i32
    %dma_wait3A_25 = tpu.memref_slice %arg7[%dma_wait3A_24] : memref<3072xi32, #tpu.memory_space<vmem>> -> memref<2560xi32, #tpu.memory_space<vmem>>
    %dma_wait3A_26 = tpu.memref_slice %arg4[%mul3A_9] : memref<81920xi32, #tpu.memory_space<hbm>> -> memref<2560xi32, #tpu.memory_space<hbm>>
    tpu.wait_dma2 semaphore(%arg14 : memref<!tpu.dma_semaphore, #tpu.memory_space<semaphore_mem>>) src(%dma_wait3A_26 : memref<2560xi32, #tpu.memory_space<hbm>>) dst(%dma_wait3A_25 : memref<2560xi32, #tpu.memory_space<vmem>>)
    %dma_start3A_27 = arith.constant 0 : i32
    %dma_start3A_28 = tpu.memref_slice %arg7[%dma_start3A_27] : memref<3072xi32, #tpu.memory_space<vmem>> -> memref<128xi32, #tpu.memory_space<vmem>>
    %dma_start3A_29 = arith.constant 0 : i32
    %dma_start3A_30 = arith.constant 0 : i32
    %dma_start3A_31 = tpu.memref_slice %arg2[%dma_start3A_29, %dma_start3A_30] : memref<199999x64xf32, #tpu.memory_space<hbm>> -> memref<199999x64xf32, #tpu.memory_space<hbm>>
    tpu.enqueue_indirect_dma source(%dma_start3A_31 : memref<199999x64xf32, #tpu.memory_space<hbm>>) target(%arg10 : memref<128x64xf32, #tpu.memory_space<vmem>>) offsets(%dma_start3A_28 : memref<128xi32, #tpu.memory_space<vmem>>) semaphore(%arg14 : memref<!tpu.dma_semaphore, #tpu.memory_space<semaphore_mem>>)
    %mul3A_32 = arith.constant 512 : i32
    %mul3A_33 = arith.muli %add3A, %mul3A_32 : i32
    %add3A_34 = arith.constant 0 : i32
    %add3A_35 = arith.addi %mul3A_33, %add3A_34 : i32
    %mul3A_36 = arith.constant 2560 : i32
    %mul3A_37 = arith.muli %add3A, %mul3A_36 : i32
    %add3A_38 = arith.constant 16384 : i32
    %add3A_39 = arith.addi %add3A_38, %mul3A_37 : i32
    %add3A_40 = arith.constant -512 : i32
    %add3A_41 = arith.addi %add3A_39, %add3A_40 : i32
    %jit3A = arith.constant true
    %select_n3A = arith.select %jit3A, %add3A_35, %add3A_41 : i32
    %mul3A_42 = arith.constant 64 : i32
    %mul3A_43 = arith.muli %select_n3A, %mul3A_42 : i32
    %dma_start3A_44 = tpu.memref_slice %arg5[%mul3A_43] : memref<6291456xf32, #tpu.memory_space<hbm>> -> memref<8192xf32, #tpu.memory_space<hbm>>
    %dma_start3A_45 = tpu.memref_slice %arg5[%mul3A_43] : memref<6291456xf32, #tpu.memory_space<hbm>> -> memref<8192xf32, #tpu.memory_space<hbm>>
    tpu.enqueue_dma source(%dma_start3A_45 : memref<8192xf32, #tpu.memory_space<hbm>>) target(%arg8 : memref<8192xf32, #tpu.memory_space<vmem>>) target_semaphore(%arg14 : memref<!tpu.dma_semaphore, #tpu.memory_space<semaphore_mem>>)
    %scan3A = arith.constant 0 : i32
    %scan3A_46 = arith.constant 0 : i32
    %scan3A_47 = arith.constant 12 : i32
    %scan3A_48 = arith.addi %scan3A_46, %scan3A_47 : i32
    %scan3A_49 = arith.constant 1 : i32
    scf.for %scan3A_59 = %scan3A_46 to %scan3A_48 step %scan3A_49  : i32 {
      %mul3A_60 = arith.constant 2 : i32
      %mul3A_61 = arith.muli %scan3A_59, %mul3A_60 : i32
      %add3A_62 = arith.constant 0 : i32
      %add3A_63 = arith.addi %mul3A_61, %add3A_62 : i32
      %add3A_64 = arith.constant 1 : i32
      %add3A_65 = arith.addi %add3A_63, %add3A_64 : i32
      %lt3A = arith.constant 24 : i32
      %lt3A_66 = arith.cmpi slt, %add3A_65, %lt3A : i32
      %convert_element_type3A = arith.extui %lt3A_66 : i1 to i32
      %cond3A = arith.constant 0 : i32
      %cond3A_67 = arith.cmpi ne, %convert_element_type3A, %cond3A : i32
      scf.if %cond3A_67 {
        %mul3A_161 = arith.constant 128 : i32
        %mul3A_162 = arith.muli %add3A_65, %mul3A_161 : i32
        %dma_start3A_163 = tpu.memref_slice %arg7[%mul3A_162] : memref<3072xi32, #tpu.memory_space<vmem>> -> memref<128xi32, #tpu.memory_space<vmem>>
        %dma_start3A_164 = arith.constant 0 : i32
        %dma_start3A_165 = arith.constant 0 : i32
        %dma_start3A_166 = tpu.memref_slice %arg2[%dma_start3A_164, %dma_start3A_165] : memref<199999x64xf32, #tpu.memory_space<hbm>> -> memref<199999x64xf32, #tpu.memory_space<hbm>>
        tpu.enqueue_indirect_dma source(%dma_start3A_166 : memref<199999x64xf32, #tpu.memory_space<hbm>>) target(%arg11 : memref<128x64xf32, #tpu.memory_space<vmem>>) offsets(%dma_start3A_163 : memref<128xi32, #tpu.memory_space<vmem>>) semaphore(%arg15 : memref<!tpu.dma_semaphore, #tpu.memory_space<semaphore_mem>>)
        %lt3A_167 = arith.constant 4 : i32
        %lt3A_168 = arith.cmpi slt, %add3A_65, %lt3A_167 : i32
        %mul3A_169 = arith.constant 512 : i32
        %mul3A_170 = arith.muli %add3A, %mul3A_169 : i32
        %mul3A_171 = arith.constant 128 : i32
        %mul3A_172 = arith.muli %add3A_65, %mul3A_171 : i32
        %add3A_173 = arith.addi %mul3A_170, %mul3A_172 : i32
        %mul3A_174 = arith.constant 2560 : i32
        %mul3A_175 = arith.muli %add3A, %mul3A_174 : i32
        %add3A_176 = arith.constant 16384 : i32
        %add3A_177 = arith.addi %add3A_176, %mul3A_175 : i32
        %sub3A_178 = arith.constant 4 : i32
        %sub3A_179 = arith.subi %add3A_65, %sub3A_178 : i32
        %mul3A_180 = arith.constant 128 : i32
        %mul3A_181 = arith.muli %sub3A_179, %mul3A_180 : i32
        %add3A_182 = arith.addi %add3A_177, %mul3A_181 : i32
        %select_n3A_183 = arith.select %lt3A_168, %add3A_173, %add3A_182 : i32
        %mul3A_184 = arith.constant 64 : i32
        %mul3A_185 = arith.muli %select_n3A_183, %mul3A_184 : i32
        %dma_start3A_186 = tpu.memref_slice %arg5[%mul3A_185] : memref<6291456xf32, #tpu.memory_space<hbm>> -> memref<8192xf32, #tpu.memory_space<hbm>>
        %dma_start3A_187 = tpu.memref_slice %arg5[%mul3A_185] : memref<6291456xf32, #tpu.memory_space<hbm>> -> memref<8192xf32, #tpu.memory_space<hbm>>
        tpu.enqueue_dma source(%dma_start3A_187 : memref<8192xf32, #tpu.memory_space<hbm>>) target(%arg9 : memref<8192xf32, #tpu.memory_space<vmem>>) target_semaphore(%arg15 : memref<!tpu.dma_semaphore, #tpu.memory_space<semaphore_mem>>)
      } else {
      }
      %dma_wait3A_68 = arith.constant 0 : i32
      %dma_wait3A_69 = arith.constant 0 : i32
      %dma_wait3A_70 = tpu.memref_slice %arg2[%dma_wait3A_68, %dma_wait3A_69] : memref<199999x64xf32, #tpu.memory_space<hbm>> -> memref<128x64xf32, #tpu.memory_space<hbm>>
      %dma_wait3A_71 = arith.constant 0 : i32
      %dma_wait3A_72 = arith.constant 0 : i32
      %dma_wait3A_73 = tpu.memref_slice %arg2[%dma_wait3A_71, %dma_wait3A_72] : memref<199999x64xf32, #tpu.memory_space<hbm>> -> memref<128x64xf32, #tpu.memory_space<hbm>>
      tpu.wait_dma2 semaphore(%arg14 : memref<!tpu.dma_semaphore, #tpu.memory_space<semaphore_mem>>) src(%dma_wait3A_73 : memref<128x64xf32, #tpu.memory_space<hbm>>) dst(%arg10 : memref<128x64xf32, #tpu.memory_space<vmem>>)
      %dma_wait3A_74 = arith.constant 0 : i32
      %dma_wait3A_75 = tpu.memref_slice %arg5[%dma_wait3A_74] : memref<6291456xf32, #tpu.memory_space<hbm>> -> memref<8192xf32, #tpu.memory_space<hbm>>
      %dma_wait3A_76 = arith.constant 0 : i32
      %dma_wait3A_77 = tpu.memref_slice %arg5[%dma_wait3A_76] : memref<6291456xf32, #tpu.memory_space<hbm>> -> memref<8192xf32, #tpu.memory_space<hbm>>
      tpu.wait_dma2 semaphore(%arg14 : memref<!tpu.dma_semaphore, #tpu.memory_space<semaphore_mem>>) src(%dma_wait3A_77 : memref<8192xf32, #tpu.memory_space<hbm>>) dst(%arg8 : memref<8192xf32, #tpu.memory_space<vmem>>)
      %ge3A = arith.constant 2 : i32
      %ge3A_78 = arith.cmpi sge, %add3A_63, %ge3A : i32
      %convert_element_type3A_79 = arith.extui %ge3A_78 : i1 to i32
      %cond3A_80 = arith.constant 0 : i32
      %cond3A_81 = arith.cmpi ne, %convert_element_type3A_79, %cond3A_80 : i32
      scf.if %cond3A_81 {
        %dma_wait3A_161 = arith.constant 0 : i32
        %dma_wait3A_162 = tpu.memref_slice %arg6[%dma_wait3A_161] : memref<1572864xf32, #tpu.memory_space<hbm>> -> memref<2048xf32, #tpu.memory_space<hbm>>
        %dma_wait3A_163 = arith.constant 0 : i32
        %dma_wait3A_164 = tpu.memref_slice %arg6[%dma_wait3A_163] : memref<1572864xf32, #tpu.memory_space<hbm>> -> memref<2048xf32, #tpu.memory_space<hbm>>
        tpu.wait_dma2 semaphore(%arg16 : memref<!tpu.dma_semaphore, #tpu.memory_space<semaphore_mem>>) src(%arg12 : memref<2048xf32, #tpu.memory_space<vmem>>) dst(%dma_wait3A_164 : memref<2048xf32, #tpu.memory_space<hbm>>)
      } else {
      }
      %scan3A_82 = arith.constant 0 : i32
      %scan3A_83 = arith.constant 0 : i32
      %scan3A_84 = arith.constant 128 : i32
      %scan3A_85 = arith.addi %scan3A_83, %scan3A_84 : i32
      %scan3A_86 = arith.constant 1 : i32
      scf.for %scan3A_161 = %scan3A_83 to %scan3A_85 step %scan3A_86  : i32 {
        %mul3A_162 = arith.constant 64 : i32
        %mul3A_163 = arith.muli %scan3A_161, %mul3A_162 : i32
        %get3A = arith.index_cast %mul3A_163 : i32 to index
        %get3A_164 = tpu.vector_load %arg8[%get3A] {strides = array<i32>} : memref<8192xf32, #tpu.memory_space<vmem>>, vector<16xf32>,
        %get3A_165 = vector.shape_cast %get3A_164 : vector<16xf32> to vector<16xf32>
        %get3A_166 = arith.index_cast %scan3A_161 : i32 to index
        %get3A_167 = arith.constant 0 : index
        %get3A_168 = tpu.vector_load %arg10[%get3A_166, %get3A_167] {strides = array<i32>} : memref<128x64xf32, #tpu.memory_space<vmem>>, vector<1x16xf32>,
        %get3A_169 = vector.shape_cast %get3A_168 : vector<1x16xf32> to vector<16xf32>
        %mul3A_170 = arith.mulf %get3A_165, %get3A_169 : vector<16xf32>
        %mul3A_171 = arith.constant 64 : i32
        %mul3A_172 = arith.muli %scan3A_161, %mul3A_171 : i32
        %add3A_173 = arith.constant 16 : i32
        %add3A_174 = arith.addi %mul3A_172, %add3A_173 : i32
        %get3A_175 = arith.index_cast %add3A_174 : i32 to index
        %get3A_176 = tpu.vector_load %arg8[%get3A_175] {strides = array<i32>} : memref<8192xf32, #tpu.memory_space<vmem>>, vector<16xf32>,
        %get3A_177 = vector.shape_cast %get3A_176 : vector<16xf32> to vector<16xf32>
        %get3A_178 = arith.index_cast %scan3A_161 : i32 to index
        %get3A_179 = arith.constant 16 : index
        %get3A_180 = tpu.vector_load %arg10[%get3A_178, %get3A_179] {strides = array<i32>} : memref<128x64xf32, #tpu.memory_space<vmem>>, vector<1x16xf32>,
        %get3A_181 = vector.shape_cast %get3A_180 : vector<1x16xf32> to vector<16xf32>
        %mul3A_182 = arith.mulf %get3A_177, %get3A_181 : vector<16xf32>
        %add3A_183 = arith.addf %mul3A_170, %mul3A_182 : vector<16xf32>
        %mul3A_184 = arith.constant 64 : i32
        %mul3A_185 = arith.muli %scan3A_161, %mul3A_184 : i32
        %add3A_186 = arith.constant 32 : i32
        %add3A_187 = arith.addi %mul3A_185, %add3A_186 : i32
        %get3A_188 = arith.index_cast %add3A_187 : i32 to index
        %get3A_189 = tpu.vector_load %arg8[%get3A_188] {strides = array<i32>} : memref<8192xf32, #tpu.memory_space<vmem>>, vector<16xf32>,
        %get3A_190 = vector.shape_cast %get3A_189 : vector<16xf32> to vector<16xf32>
        %get3A_191 = arith.index_cast %scan3A_161 : i32 to index
        %get3A_192 = arith.constant 32 : index
        %get3A_193 = tpu.vector_load %arg10[%get3A_191, %get3A_192] {strides = array<i32>} : memref<128x64xf32, #tpu.memory_space<vmem>>, vector<1x16xf32>,
        %get3A_194 = vector.shape_cast %get3A_193 : vector<1x16xf32> to vector<16xf32>
        %mul3A_195 = arith.mulf %get3A_190, %get3A_194 : vector<16xf32>
        %add3A_196 = arith.addf %add3A_183, %mul3A_195 : vector<16xf32>
        %mul3A_197 = arith.constant 64 : i32
        %mul3A_198 = arith.muli %scan3A_161, %mul3A_197 : i32
        %add3A_199 = arith.constant 48 : i32
        %add3A_200 = arith.addi %mul3A_198, %add3A_199 : i32
        %get3A_201 = arith.index_cast %add3A_200 : i32 to index
        %get3A_202 = tpu.vector_load %arg8[%get3A_201] {strides = array<i32>} : memref<8192xf32, #tpu.memory_space<vmem>>, vector<16xf32>,
        %get3A_203 = vector.shape_cast %get3A_202 : vector<16xf32> to vector<16xf32>
        %get3A_204 = arith.index_cast %scan3A_161 : i32 to index
        %get3A_205 = arith.constant 48 : index
        %get3A_206 = tpu.vector_load %arg10[%get3A_204, %get3A_205] {strides = array<i32>} : memref<128x64xf32, #tpu.memory_space<vmem>>, vector<1x16xf32>,
        %get3A_207 = vector.shape_cast %get3A_206 : vector<1x16xf32> to vector<16xf32>
        %mul3A_208 = arith.mulf %get3A_203, %get3A_207 : vector<16xf32>
        %add3A_209 = arith.addf %add3A_196, %mul3A_208 : vector<16xf32>
        %mul3A_210 = arith.constant 16 : i32
        %mul3A_211 = arith.muli %scan3A_161, %mul3A_210 : i32
        %swap3A = arith.index_cast %mul3A_211 : i32 to index
        %swap3A_212 = tpu.vector_load %arg12[%swap3A] {strides = array<i32>} : memref<2048xf32, #tpu.memory_space<vmem>>, vector<16xf32>,
        %swap3A_213 = vector.shape_cast %swap3A_212 : vector<16xf32> to vector<16xf32>
        %swap3A_214 = vector.shape_cast %add3A_209 : vector<16xf32> to vector<16xf32>
        tpu.vector_store %arg12[%swap3A], %swap3A_214 {strides = array<i32>} : memref<2048xf32, #tpu.memory_space<vmem>>, vector<16xf32>,
      }
      %scan3A_87 = arith.constant 128 : i32
      %lt3A_88 = arith.constant 4 : i32
      %lt3A_89 = arith.cmpi slt, %add3A_63, %lt3A_88 : i32
      %mul3A_90 = arith.constant 512 : i32
      %mul3A_91 = arith.muli %add3A, %mul3A_90 : i32
      %mul3A_92 = arith.constant 128 : i32
      %mul3A_93 = arith.muli %add3A_63, %mul3A_92 : i32
      %add3A_94 = arith.addi %mul3A_91, %mul3A_93 : i32
      %mul3A_95 = arith.constant 2560 : i32
      %mul3A_96 = arith.muli %add3A, %mul3A_95 : i32
      %add3A_97 = arith.constant 16384 : i32
      %add3A_98 = arith.addi %add3A_97, %mul3A_96 : i32
      %sub3A = arith.constant 4 : i32
      %sub3A_99 = arith.subi %add3A_63, %sub3A : i32
      %mul3A_100 = arith.constant 128 : i32
      %mul3A_101 = arith.muli %sub3A_99, %mul3A_100 : i32
      %add3A_102 = arith.addi %add3A_98, %mul3A_101 : i32
      %select_n3A_103 = arith.select %lt3A_89, %add3A_94, %add3A_102 : i32
      %mul3A_104 = arith.constant 16 : i32
      %mul3A_105 = arith.muli %select_n3A_103, %mul3A_104 : i32
      %dma_start3A_106 = tpu.memref_slice %arg6[%mul3A_105] : memref<1572864xf32, #tpu.memory_space<hbm>> -> memref<2048xf32, #tpu.memory_space<hbm>>
      %dma_start3A_107 = tpu.memref_slice %arg6[%mul3A_105] : memref<1572864xf32, #tpu.memory_space<hbm>> -> memref<2048xf32, #tpu.memory_space<hbm>>
      tpu.enqueue_dma source(%arg12 : memref<2048xf32, #tpu.memory_space<vmem>>) target(%dma_start3A_107 : memref<2048xf32, #tpu.memory_space<hbm>>) target_semaphore(%arg16 : memref<!tpu.dma_semaphore, #tpu.memory_space<semaphore_mem>>)
      %mul3A_108 = arith.constant 2 : i32
      %mul3A_109 = arith.muli %scan3A_59, %mul3A_108 : i32
      %add3A_110 = arith.constant 1 : i32
      %add3A_111 = arith.addi %mul3A_109, %add3A_110 : i32
      %add3A_112 = arith.constant 1 : i32
      %add3A_113 = arith.addi %add3A_111, %add3A_112 : i32
      %lt3A_114 = arith.constant 24 : i32
      %lt3A_115 = arith.cmpi slt, %add3A_113, %lt3A_114 : i32
      %convert_element_type3A_116 = arith.extui %lt3A_115 : i1 to i32
      %cond3A_117 = arith.constant 0 : i32
      %cond3A_118 = arith.cmpi ne, %convert_element_type3A_116, %cond3A_117 : i32
      scf.if %cond3A_118 {
        %mul3A_161 = arith.constant 128 : i32
        %mul3A_162 = arith.muli %add3A_113, %mul3A_161 : i32
        %dma_start3A_163 = tpu.memref_slice %arg7[%mul3A_162] : memref<3072xi32, #tpu.memory_space<vmem>> -> memref<128xi32, #tpu.memory_space<vmem>>
        %dma_start3A_164 = arith.constant 0 : i32
        %dma_start3A_165 = arith.constant 0 : i32
        %dma_start3A_166 = tpu.memref_slice %arg2[%dma_start3A_164, %dma_start3A_165] : memref<199999x64xf32, #tpu.memory_space<hbm>> -> memref<199999x64xf32, #tpu.memory_space<hbm>>
        tpu.enqueue_indirect_dma source(%dma_start3A_166 : memref<199999x64xf32, #tpu.memory_space<hbm>>) target(%arg10 : memref<128x64xf32, #tpu.memory_space<vmem>>) offsets(%dma_start3A_163 : memref<128xi32, #tpu.memory_space<vmem>>) semaphore(%arg14 : memref<!tpu.dma_semaphore, #tpu.memory_space<semaphore_mem>>)
        %lt3A_167 = arith.constant 4 : i32
        %lt3A_168 = arith.cmpi slt, %add3A_113, %lt3A_167 : i32
        %mul3A_169 = arith.constant 512 : i32
        %mul3A_170 = arith.muli %add3A, %mul3A_169 : i32
        %mul3A_171 = arith.constant 128 : i32
        %mul3A_172 = arith.muli %add3A_113, %mul3A_171 : i32
        %add3A_173 = arith.addi %mul3A_170, %mul3A_172 : i32
        %mul3A_174 = arith.constant 2560 : i32
        %mul3A_175 = arith.muli %add3A, %mul3A_174 : i32
        %add3A_176 = arith.constant 16384 : i32
        %add3A_177 = arith.addi %add3A_176, %mul3A_175 : i32
        %sub3A_178 = arith.constant 4 : i32
        %sub3A_179 = arith.subi %add3A_113, %sub3A_178 : i32
        %mul3A_180 = arith.constant 128 : i32
        %mul3A_181 = arith.muli %sub3A_179, %mul3A_180 : i32
        %add3A_182 = arith.addi %add3A_177, %mul3A_181 : i32
        %select_n3A_183 = arith.select %lt3A_168, %add3A_173, %add3A_182 : i32
        %mul3A_184 = arith.constant 64 : i32
        %mul3A_185 = arith.muli %select_n3A_183, %mul3A_184 : i32
        %dma_start3A_186 = tpu.memref_slice %arg5[%mul3A_185] : memref<6291456xf32, #tpu.memory_space<hbm>> -> memref<8192xf32, #tpu.memory_space<hbm>>
        %dma_start3A_187 = tpu.memref_slice %arg5[%mul3A_185] : memref<6291456xf32, #tpu.memory_space<hbm>> -> memref<8192xf32, #tpu.memory_space<hbm>>
        tpu.enqueue_dma source(%dma_start3A_187 : memref<8192xf32, #tpu.memory_space<hbm>>) target(%arg8 : memref<8192xf32, #tpu.memory_space<vmem>>) target_semaphore(%arg14 : memref<!tpu.dma_semaphore, #tpu.memory_space<semaphore_mem>>)
      } else {
      }
      %dma_wait3A_119 = arith.constant 0 : i32
      %dma_wait3A_120 = arith.constant 0 : i32
      %dma_wait3A_121 = tpu.memref_slice %arg2[%dma_wait3A_119, %dma_wait3A_120] : memref<199999x64xf32, #tpu.memory_space<hbm>> -> memref<128x64xf32, #tpu.memory_space<hbm>>
      %dma_wait3A_122 = arith.constant 0 : i32
      %dma_wait3A_123 = arith.constant 0 : i32
      %dma_wait3A_124 = tpu.memref_slice %arg2[%dma_wait3A_122, %dma_wait3A_123] : memref<199999x64xf32, #tpu.memory_space<hbm>> -> memref<128x64xf32, #tpu.memory_space<hbm>>
      tpu.wait_dma2 semaphore(%arg15 : memref<!tpu.dma_semaphore, #tpu.memory_space<semaphore_mem>>) src(%dma_wait3A_124 : memref<128x64xf32, #tpu.memory_space<hbm>>) dst(%arg11 : memref<128x64xf32, #tpu.memory_space<vmem>>)
      %dma_wait3A_125 = arith.constant 0 : i32
      %dma_wait3A_126 = tpu.memref_slice %arg5[%dma_wait3A_125] : memref<6291456xf32, #tpu.memory_space<hbm>> -> memref<8192xf32, #tpu.memory_space<hbm>>
      %dma_wait3A_127 = arith.constant 0 : i32
      %dma_wait3A_128 = tpu.memref_slice %arg5[%dma_wait3A_127] : memref<6291456xf32, #tpu.memory_space<hbm>> -> memref<8192xf32, #tpu.memory_space<hbm>>
      tpu.wait_dma2 semaphore(%arg15 : memref<!tpu.dma_semaphore, #tpu.memory_space<semaphore_mem>>) src(%dma_wait3A_128 : memref<8192xf32, #tpu.memory_space<hbm>>) dst(%arg9 : memref<8192xf32, #tpu.memory_space<vmem>>)
      %ge3A_129 = arith.constant 2 : i32
      %ge3A_130 = arith.cmpi sge, %add3A_111, %ge3A_129 : i32
      %convert_element_type3A_131 = arith.extui %ge3A_130 : i1 to i32
      %cond3A_132 = arith.constant 0 : i32
      %cond3A_133 = arith.cmpi ne, %convert_element_type3A_131, %cond3A_132 : i32
      scf.if %cond3A_133 {
        %dma_wait3A_161 = arith.constant 0 : i32
        %dma_wait3A_162 = tpu.memref_slice %arg6[%dma_wait3A_161] : memref<1572864xf32, #tpu.memory_space<hbm>> -> memref<2048xf32, #tpu.memory_space<hbm>>
        %dma_wait3A_163 = arith.constant 0 : i32
        %dma_wait3A_164 = tpu.memref_slice %arg6[%dma_wait3A_163] : memref<1572864xf32, #tpu.memory_space<hbm>> -> memref<2048xf32, #tpu.memory_space<hbm>>
        tpu.wait_dma2 semaphore(%arg17 : memref<!tpu.dma_semaphore, #tpu.memory_space<semaphore_mem>>) src(%arg13 : memref<2048xf32, #tpu.memory_space<vmem>>) dst(%dma_wait3A_164 : memref<2048xf32, #tpu.memory_space<hbm>>)
      } else {
      }
      %scan3A_134 = arith.constant 0 : i32
      %scan3A_135 = arith.constant 0 : i32
      %scan3A_136 = arith.constant 128 : i32
      %scan3A_137 = arith.addi %scan3A_135, %scan3A_136 : i32
      %scan3A_138 = arith.constant 1 : i32
      scf.for %scan3A_161 = %scan3A_135 to %scan3A_137 step %scan3A_138  : i32 {
        %mul3A_162 = arith.constant 64 : i32
        %mul3A_163 = arith.muli %scan3A_161, %mul3A_162 : i32
        %get3A = arith.index_cast %mul3A_163 : i32 to index
        %get3A_164 = tpu.vector_load %arg9[%get3A] {strides = array<i32>} : memref<8192xf32, #tpu.memory_space<vmem>>, vector<16xf32>,
        %get3A_165 = vector.shape_cast %get3A_164 : vector<16xf32> to vector<16xf32>
        %get3A_166 = arith.index_cast %scan3A_161 : i32 to index
        %get3A_167 = arith.constant 0 : index
        %get3A_168 = tpu.vector_load %arg11[%get3A_166, %get3A_167] {strides = array<i32>} : memref<128x64xf32, #tpu.memory_space<vmem>>, vector<1x16xf32>,
        %get3A_169 = vector.shape_cast %get3A_168 : vector<1x16xf32> to vector<16xf32>
        %mul3A_170 = arith.mulf %get3A_165, %get3A_169 : vector<16xf32>
        %mul3A_171 = arith.constant 64 : i32
        %mul3A_172 = arith.muli %scan3A_161, %mul3A_171 : i32
        %add3A_173 = arith.constant 16 : i32
        %add3A_174 = arith.addi %mul3A_172, %add3A_173 : i32
        %get3A_175 = arith.index_cast %add3A_174 : i32 to index
        %get3A_176 = tpu.vector_load %arg9[%get3A_175] {strides = array<i32>} : memref<8192xf32, #tpu.memory_space<vmem>>, vector<16xf32>,
        %get3A_177 = vector.shape_cast %get3A_176 : vector<16xf32> to vector<16xf32>
        %get3A_178 = arith.index_cast %scan3A_161 : i32 to index
        %get3A_179 = arith.constant 16 : index
        %get3A_180 = tpu.vector_load %arg11[%get3A_178, %get3A_179] {strides = array<i32>} : memref<128x64xf32, #tpu.memory_space<vmem>>, vector<1x16xf32>,
        %get3A_181 = vector.shape_cast %get3A_180 : vector<1x16xf32> to vector<16xf32>
        %mul3A_182 = arith.mulf %get3A_177, %get3A_181 : vector<16xf32>
        %add3A_183 = arith.addf %mul3A_170, %mul3A_182 : vector<16xf32>
        %mul3A_184 = arith.constant 64 : i32
        %mul3A_185 = arith.muli %scan3A_161, %mul3A_184 : i32
        %add3A_186 = arith.constant 32 : i32
        %add3A_187 = arith.addi %mul3A_185, %add3A_186 : i32
        %get3A_188 = arith.index_cast %add3A_187 : i32 to index
        %get3A_189 = tpu.vector_load %arg9[%get3A_188] {strides = array<i32>} : memref<8192xf32, #tpu.memory_space<vmem>>, vector<16xf32>,
        %get3A_190 = vector.shape_cast %get3A_189 : vector<16xf32> to vector<16xf32>
        %get3A_191 = arith.index_cast %scan3A_161 : i32 to index
        %get3A_192 = arith.constant 32 : index
        %get3A_193 = tpu.vector_load %arg11[%get3A_191, %get3A_192] {strides = array<i32>} : memref<128x64xf32, #tpu.memory_space<vmem>>, vector<1x16xf32>,
        %get3A_194 = vector.shape_cast %get3A_193 : vector<1x16xf32> to vector<16xf32>
        %mul3A_195 = arith.mulf %get3A_190, %get3A_194 : vector<16xf32>
        %add3A_196 = arith.addf %add3A_183, %mul3A_195 : vector<16xf32>
        %mul3A_197 = arith.constant 64 : i32
        %mul3A_198 = arith.muli %scan3A_161, %mul3A_197 : i32
        %add3A_199 = arith.constant 48 : i32
        %add3A_200 = arith.addi %mul3A_198, %add3A_199 : i32
        %get3A_201 = arith.index_cast %add3A_200 : i32 to index
        %get3A_202 = tpu.vector_load %arg9[%get3A_201] {strides = array<i32>} : memref<8192xf32, #tpu.memory_space<vmem>>, vector<16xf32>,
        %get3A_203 = vector.shape_cast %get3A_202 : vector<16xf32> to vector<16xf32>
        %get3A_204 = arith.index_cast %scan3A_161 : i32 to index
        %get3A_205 = arith.constant 48 : index
        %get3A_206 = tpu.vector_load %arg11[%get3A_204, %get3A_205] {strides = array<i32>} : memref<128x64xf32, #tpu.memory_space<vmem>>, vector<1x16xf32>,
        %get3A_207 = vector.shape_cast %get3A_206 : vector<1x16xf32> to vector<16xf32>
        %mul3A_208 = arith.mulf %get3A_203, %get3A_207 : vector<16xf32>
        %add3A_209 = arith.addf %add3A_196, %mul3A_208 : vector<16xf32>
        %mul3A_210 = arith.constant 16 : i32
        %mul3A_211 = arith.muli %scan3A_161, %mul3A_210 : i32
        %swap3A = arith.index_cast %mul3A_211 : i32 to index
        %swap3A_212 = tpu.vector_load %arg13[%swap3A] {strides = array<i32>} : memref<2048xf32, #tpu.memory_space<vmem>>, vector<16xf32>,
        %swap3A_213 = vector.shape_cast %swap3A_212 : vector<16xf32> to vector<16xf32>
        %swap3A_214 = vector.shape_cast %add3A_209 : vector<16xf32> to vector<16xf32>
        tpu.vector_store %arg13[%swap3A], %swap3A_214 {strides = array<i32>} : memref<2048xf32, #tpu.memory_space<vmem>>, vector<16xf32>,
      }
      %scan3A_139 = arith.constant 128 : i32
      %lt3A_140 = arith.constant 4 : i32
      %lt3A_141 = arith.cmpi slt, %add3A_111, %lt3A_140 : i32
      %mul3A_142 = arith.constant 512 : i32
      %mul3A_143 = arith.muli %add3A, %mul3A_142 : i32
      %mul3A_144 = arith.constant 128 : i32
      %mul3A_145 = arith.muli %add3A_111, %mul3A_144 : i32
      %add3A_146 = arith.addi %mul3A_143, %mul3A_145 : i32
      %mul3A_147 = arith.constant 2560 : i32
      %mul3A_148 = arith.muli %add3A, %mul3A_147 : i32
      %add3A_149 = arith.constant 16384 : i32
      %add3A_150 = arith.addi %add3A_149, %mul3A_148 : i32
      %sub3A_151 = arith.constant 4 : i32
      %sub3A_152 = arith.subi %add3A_111, %sub3A_151 : i32
      %mul3A_153 = arith.constant 128 : i32
      %mul3A_154 = arith.muli %sub3A_152, %mul3A_153 : i32
      %add3A_155 = arith.addi %add3A_150, %mul3A_154 : i32
      %select_n3A_156 = arith.select %lt3A_141, %add3A_146, %add3A_155 : i32
      %mul3A_157 = arith.constant 16 : i32
      %mul3A_158 = arith.muli %select_n3A_156, %mul3A_157 : i32
      %dma_start3A_159 = tpu.memref_slice %arg6[%mul3A_158] : memref<1572864xf32, #tpu.memory_space<hbm>> -> memref<2048xf32, #tpu.memory_space<hbm>>
      %dma_start3A_160 = tpu.memref_slice %arg6[%mul3A_158] : memref<1572864xf32, #tpu.memory_space<hbm>> -> memref<2048xf32, #tpu.memory_space<hbm>>
      tpu.enqueue_dma source(%arg13 : memref<2048xf32, #tpu.memory_space<vmem>>) target(%dma_start3A_160 : memref<2048xf32, #tpu.memory_space<hbm>>) target_semaphore(%arg17 : memref<!tpu.dma_semaphore, #tpu.memory_space<semaphore_mem>>)
    }
    %scan3A_50 = arith.constant 12 : i32
    %dma_wait3A_51 = arith.constant 0 : i32
    %dma_wait3A_52 = tpu.memref_slice %arg6[%dma_wait3A_51] : memref<1572864xf32, #tpu.memory_space<hbm>> -> memref<2048xf32, #tpu.memory_space<hbm>>
    %dma_wait3A_53 = arith.constant 0 : i32
    %dma_wait3A_54 = tpu.memref_slice %arg6[%dma_wait3A_53] : memref<1572864xf32, #tpu.memory_space<hbm>> -> memref<2048xf32, #tpu.memory_space<hbm>>
    tpu.wait_dma2 semaphore(%arg16 : memref<!tpu.dma_semaphore, #tpu.memory_space<semaphore_mem>>) src(%arg12 : memref<2048xf32, #tpu.memory_space<vmem>>) dst(%dma_wait3A_54 : memref<2048xf32, #tpu.memory_space<hbm>>)
    %dma_wait3A_55 = arith.constant 0 : i32
    %dma_wait3A_56 = tpu.memref_slice %arg6[%dma_wait3A_55] : memref<1572864xf32, #tpu.memory_space<hbm>> -> memref<2048xf32, #tpu.memory_space<hbm>>
    %dma_wait3A_57 = arith.constant 0 : i32
    %dma_wait3A_58 = tpu.memref_slice %arg6[%dma_wait3A_57] : memref<1572864xf32, #tpu.memory_space<hbm>> -> memref<2048xf32, #tpu.memory_space<hbm>>
    tpu.wait_dma2 semaphore(%arg17 : memref<!tpu.dma_semaphore, #tpu.memory_space<semaphore_mem>>) src(%arg13 : memref<2048xf32, #tpu.memory_space<vmem>>) dst(%dma_wait3A_58 : memref<2048xf32, #tpu.memory_space<hbm>>)
    return
  }
}

#map = affine_map<(d0, d1) -> (0, 0)>
#map1 = affine_map<(d0, d1) -> (0)>
module attributes {stable_mosaic.version = 14 : i64} {
  func.func @_sc_ctx_body(%arg0: i32, %arg1: i32, %arg2: memref<199999x64xf32, #tpu.memory_space<hbm>>, %arg3: memref<16x16384xi32, #tpu.memory_space<hbm>>, %arg4: memref<16x81920xi32, #tpu.memory_space<hbm>>, %arg5: memref<6291456xf32, #tpu.memory_space<hbm>>, %arg6: memref<30720xi32, #tpu.memory_space<vmem>>, %arg7: memref<640x64xf32, #tpu.memory_space<vmem>>, %arg8: memref<640x64xf32, #tpu.memory_space<vmem>>, %arg9: memref<4096xf32, #tpu.memory_space<vmem>>, %arg10: memref<4096xf32, #tpu.memory_space<vmem>>, %arg11: memref<!tpu.dma_semaphore, #tpu.memory_space<semaphore_mem>>, %arg12: memref<!tpu.dma_semaphore, #tpu.memory_space<semaphore_mem>>, %arg13: memref<!tpu.dma_semaphore, #tpu.memory_space<semaphore_mem>>, %arg14: memref<!tpu.dma_semaphore, #tpu.memory_space<semaphore_mem>>) attributes {dimension_semantics = [#tpu.dimension_semantics<core_parallel>, #tpu.dimension_semantics<subcore_parallel>], iteration_bounds = array<i64: 2, 16>, scalar_prefetch = 0 : i64, scratch_operands = 9 : i64, tpu.core_type = #tpu.core_type<sc_vector_subcore>, window_params = [{transform_indices = #map}, {transform_indices = #map}, {transform_indices = #map}, {transform_indices = #map1}]} {
    %mul3A = arith.constant 2 : i32
    %mul3A_0 = arith.muli %arg1, %mul3A : i32
    %add3A = arith.addi %mul3A_0, %arg0 : i32
    %mul3A_1 = arith.constant 512 : i32
    %mul3A_2 = arith.muli %add3A, %mul3A_1 : i32
    %dma_start3A = arith.constant 0 : i32
    %dma_start3A_3 = arith.constant 0 : i32
    %dma_start3A_4 = tpu.memref_slice %arg6[%dma_start3A_3] : memref<30720xi32, #tpu.memory_space<vmem>> -> memref<512xi32, #tpu.memory_space<vmem>>
    %dma_start3A_5 = tpu.memref_slice %arg3[%dma_start3A, %mul3A_2] : memref<16x16384xi32, #tpu.memory_space<hbm>> -> memref<1x512xi32, #tpu.memory_space<hbm>>
    %dma_start3A_6 = tpu.memref_squeeze %dma_start3A_5 : memref<1x512xi32, #tpu.memory_space<hbm>> -> memref<512xi32, #tpu.memory_space<hbm>>
    %dma_start3A_7 = arith.constant 0 : i32
    %dma_start3A_8 = tpu.memref_slice %arg6[%dma_start3A_7] : memref<30720xi32, #tpu.memory_space<vmem>> -> memref<512xi32, #tpu.memory_space<vmem>>
    %dma_start3A_9 = tpu.memref_slice %arg3[%dma_start3A, %mul3A_2] : memref<16x16384xi32, #tpu.memory_space<hbm>> -> memref<1x512xi32, #tpu.memory_space<hbm>>
    %dma_start3A_10 = tpu.memref_squeeze %dma_start3A_9 : memref<1x512xi32, #tpu.memory_space<hbm>> -> memref<512xi32, #tpu.memory_space<hbm>>
    tpu.enqueue_dma source(%dma_start3A_10 : memref<512xi32, #tpu.memory_space<hbm>>) target(%dma_start3A_8 : memref<512xi32, #tpu.memory_space<vmem>>) target_semaphore(%arg11 : memref<!tpu.dma_semaphore, #tpu.memory_space<semaphore_mem>>)
    %mul3A_11 = arith.constant 2560 : i32
    %mul3A_12 = arith.muli %add3A, %mul3A_11 : i32
    %dma_start3A_13 = arith.constant 0 : i32
    %dma_start3A_14 = arith.constant 5120 : i32
    %dma_start3A_15 = tpu.memref_slice %arg6[%dma_start3A_14] : memref<30720xi32, #tpu.memory_space<vmem>> -> memref<2560xi32, #tpu.memory_space<vmem>>
    %dma_start3A_16 = tpu.memref_slice %arg4[%dma_start3A_13, %mul3A_12] : memref<16x81920xi32, #tpu.memory_space<hbm>> -> memref<1x2560xi32, #tpu.memory_space<hbm>>
    %dma_start3A_17 = tpu.memref_squeeze %dma_start3A_16 : memref<1x2560xi32, #tpu.memory_space<hbm>> -> memref<2560xi32, #tpu.memory_space<hbm>>
    %dma_start3A_18 = arith.constant 5120 : i32
    %dma_start3A_19 = tpu.memref_slice %arg6[%dma_start3A_18] : memref<30720xi32, #tpu.memory_space<vmem>> -> memref<2560xi32, #tpu.memory_space<vmem>>
    %dma_start3A_20 = tpu.memref_slice %arg4[%dma_start3A_13, %mul3A_12] : memref<16x81920xi32, #tpu.memory_space<hbm>> -> memref<1x2560xi32, #tpu.memory_space<hbm>>
    %dma_start3A_21 = tpu.memref_squeeze %dma_start3A_20 : memref<1x2560xi32, #tpu.memory_space<hbm>> -> memref<2560xi32, #tpu.memory_space<hbm>>
    tpu.enqueue_dma source(%dma_start3A_21 : memref<2560xi32, #tpu.memory_space<hbm>>) target(%dma_start3A_19 : memref<2560xi32, #tpu.memory_space<vmem>>) target_semaphore(%arg11 : memref<!tpu.dma_semaphore, #tpu.memory_space<semaphore_mem>>)
    %mul3A_22 = arith.constant 512 : i32
    %mul3A_23 = arith.muli %add3A, %mul3A_22 : i32
    %dma_start3A_24 = arith.constant 1 : i32
    %dma_start3A_25 = arith.constant 512 : i32
    %dma_start3A_26 = tpu.memref_slice %arg6[%dma_start3A_25] : memref<30720xi32, #tpu.memory_space<vmem>> -> memref<512xi32, #tpu.memory_space<vmem>>
    %dma_start3A_27 = tpu.memref_slice %arg3[%dma_start3A_24, %mul3A_23] : memref<16x16384xi32, #tpu.memory_space<hbm>> -> memref<1x512xi32, #tpu.memory_space<hbm>>
    %dma_start3A_28 = tpu.memref_squeeze %dma_start3A_27 : memref<1x512xi32, #tpu.memory_space<hbm>> -> memref<512xi32, #tpu.memory_space<hbm>>
    %dma_start3A_29 = arith.constant 512 : i32
    %dma_start3A_30 = tpu.memref_slice %arg6[%dma_start3A_29] : memref<30720xi32, #tpu.memory_space<vmem>> -> memref<512xi32, #tpu.memory_space<vmem>>
    %dma_start3A_31 = tpu.memref_slice %arg3[%dma_start3A_24, %mul3A_23] : memref<16x16384xi32, #tpu.memory_space<hbm>> -> memref<1x512xi32, #tpu.memory_space<hbm>>
    %dma_start3A_32 = tpu.memref_squeeze %dma_start3A_31 : memref<1x512xi32, #tpu.memory_space<hbm>> -> memref<512xi32, #tpu.memory_space<hbm>>
    tpu.enqueue_dma source(%dma_start3A_32 : memref<512xi32, #tpu.memory_space<hbm>>) target(%dma_start3A_30 : memref<512xi32, #tpu.memory_space<vmem>>) target_semaphore(%arg11 : memref<!tpu.dma_semaphore, #tpu.memory_space<semaphore_mem>>)
    %mul3A_33 = arith.constant 2560 : i32
    %mul3A_34 = arith.muli %add3A, %mul3A_33 : i32
    %dma_start3A_35 = arith.constant 1 : i32
    %dma_start3A_36 = arith.constant 7680 : i32
    %dma_start3A_37 = tpu.memref_slice %arg6[%dma_start3A_36] : memref<30720xi32, #tpu.memory_space<vmem>> -> memref<2560xi32, #tpu.memory_space<vmem>>
    %dma_start3A_38 = tpu.memref_slice %arg4[%dma_start3A_35, %mul3A_34] : memref<16x81920xi32, #tpu.memory_space<hbm>> -> memref<1x2560xi32, #tpu.memory_space<hbm>>
    %dma_start3A_39 = tpu.memref_squeeze %dma_start3A_38 : memref<1x2560xi32, #tpu.memory_space<hbm>> -> memref<2560xi32, #tpu.memory_space<hbm>>
    %dma_start3A_40 = arith.constant 7680 : i32
    %dma_start3A_41 = tpu.memref_slice %arg6[%dma_start3A_40] : memref<30720xi32, #tpu.memory_space<vmem>> -> memref<2560xi32, #tpu.memory_space<vmem>>
    %dma_start3A_42 = tpu.memref_slice %arg4[%dma_start3A_35, %mul3A_34] : memref<16x81920xi32, #tpu.memory_space<hbm>> -> memref<1x2560xi32, #tpu.memory_space<hbm>>
    %dma_start3A_43 = tpu.memref_squeeze %dma_start3A_42 : memref<1x2560xi32, #tpu.memory_space<hbm>> -> memref<2560xi32, #tpu.memory_space<hbm>>
    tpu.enqueue_dma source(%dma_start3A_43 : memref<2560xi32, #tpu.memory_space<hbm>>) target(%dma_start3A_41 : memref<2560xi32, #tpu.memory_space<vmem>>) target_semaphore(%arg11 : memref<!tpu.dma_semaphore, #tpu.memory_space<semaphore_mem>>)
    %mul3A_44 = arith.constant 512 : i32
    %mul3A_45 = arith.muli %add3A, %mul3A_44 : i32
    %dma_start3A_46 = arith.constant 2 : i32
    %dma_start3A_47 = arith.constant 1024 : i32
    %dma_start3A_48 = tpu.memref_slice %arg6[%dma_start3A_47] : memref<30720xi32, #tpu.memory_space<vmem>> -> memref<512xi32, #tpu.memory_space<vmem>>
    %dma_start3A_49 = tpu.memref_slice %arg3[%dma_start3A_46, %mul3A_45] : memref<16x16384xi32, #tpu.memory_space<hbm>> -> memref<1x512xi32, #tpu.memory_space<hbm>>
    %dma_start3A_50 = tpu.memref_squeeze %dma_start3A_49 : memref<1x512xi32, #tpu.memory_space<hbm>> -> memref<512xi32, #tpu.memory_space<hbm>>
    %dma_start3A_51 = arith.constant 1024 : i32
    %dma_start3A_52 = tpu.memref_slice %arg6[%dma_start3A_51] : memref<30720xi32, #tpu.memory_space<vmem>> -> memref<512xi32, #tpu.memory_space<vmem>>
    %dma_start3A_53 = tpu.memref_slice %arg3[%dma_start3A_46, %mul3A_45] : memref<16x16384xi32, #tpu.memory_space<hbm>> -> memref<1x512xi32, #tpu.memory_space<hbm>>
    %dma_start3A_54 = tpu.memref_squeeze %dma_start3A_53 : memref<1x512xi32, #tpu.memory_space<hbm>> -> memref<512xi32, #tpu.memory_space<hbm>>
    tpu.enqueue_dma source(%dma_start3A_54 : memref<512xi32, #tpu.memory_space<hbm>>) target(%dma_start3A_52 : memref<512xi32, #tpu.memory_space<vmem>>) target_semaphore(%arg11 : memref<!tpu.dma_semaphore, #tpu.memory_space<semaphore_mem>>)
    %mul3A_55 = arith.constant 2560 : i32
    %mul3A_56 = arith.muli %add3A, %mul3A_55 : i32
    %dma_start3A_57 = arith.constant 2 : i32
    %dma_start3A_58 = arith.constant 10240 : i32
    %dma_start3A_59 = tpu.memref_slice %arg6[%dma_start3A_58] : memref<30720xi32, #tpu.memory_space<vmem>> -> memref<2560xi32, #tpu.memory_space<vmem>>
    %dma_start3A_60 = tpu.memref_slice %arg4[%dma_start3A_57, %mul3A_56] : memref<16x81920xi32, #tpu.memory_space<hbm>> -> memref<1x2560xi32, #tpu.memory_space<hbm>>
    %dma_start3A_61 = tpu.memref_squeeze %dma_start3A_60 : memref<1x2560xi32, #tpu.memory_space<hbm>> -> memref<2560xi32, #tpu.memory_space<hbm>>
    %dma_start3A_62 = arith.constant 10240 : i32
    %dma_start3A_63 = tpu.memref_slice %arg6[%dma_start3A_62] : memref<30720xi32, #tpu.memory_space<vmem>> -> memref<2560xi32, #tpu.memory_space<vmem>>
    %dma_start3A_64 = tpu.memref_slice %arg4[%dma_start3A_57, %mul3A_56] : memref<16x81920xi32, #tpu.memory_space<hbm>> -> memref<1x2560xi32, #tpu.memory_space<hbm>>
    %dma_start3A_65 = tpu.memref_squeeze %dma_start3A_64 : memref<1x2560xi32, #tpu.memory_space<hbm>> -> memref<2560xi32, #tpu.memory_space<hbm>>
    tpu.enqueue_dma source(%dma_start3A_65 : memref<2560xi32, #tpu.memory_space<hbm>>) target(%dma_start3A_63 : memref<2560xi32, #tpu.memory_space<vmem>>) target_semaphore(%arg11 : memref<!tpu.dma_semaphore, #tpu.memory_space<semaphore_mem>>)
    %mul3A_66 = arith.constant 512 : i32
    %mul3A_67 = arith.muli %add3A, %mul3A_66 : i32
    %dma_start3A_68 = arith.constant 3 : i32
    %dma_start3A_69 = arith.constant 1536 : i32
    %dma_start3A_70 = tpu.memref_slice %arg6[%dma_start3A_69] : memref<30720xi32, #tpu.memory_space<vmem>> -> memref<512xi32, #tpu.memory_space<vmem>>
    %dma_start3A_71 = tpu.memref_slice %arg3[%dma_start3A_68, %mul3A_67] : memref<16x16384xi32, #tpu.memory_space<hbm>> -> memref<1x512xi32, #tpu.memory_space<hbm>>
    %dma_start3A_72 = tpu.memref_squeeze %dma_start3A_71 : memref<1x512xi32, #tpu.memory_space<hbm>> -> memref<512xi32, #tpu.memory_space<hbm>>
    %dma_start3A_73 = arith.constant 1536 : i32
    %dma_start3A_74 = tpu.memref_slice %arg6[%dma_start3A_73] : memref<30720xi32, #tpu.memory_space<vmem>> -> memref<512xi32, #tpu.memory_space<vmem>>
    %dma_start3A_75 = tpu.memref_slice %arg3[%dma_start3A_68, %mul3A_67] : memref<16x16384xi32, #tpu.memory_space<hbm>> -> memref<1x512xi32, #tpu.memory_space<hbm>>
    %dma_start3A_76 = tpu.memref_squeeze %dma_start3A_75 : memref<1x512xi32, #tpu.memory_space<hbm>> -> memref<512xi32, #tpu.memory_space<hbm>>
    tpu.enqueue_dma source(%dma_start3A_76 : memref<512xi32, #tpu.memory_space<hbm>>) target(%dma_start3A_74 : memref<512xi32, #tpu.memory_space<vmem>>) target_semaphore(%arg11 : memref<!tpu.dma_semaphore, #tpu.memory_space<semaphore_mem>>)
    %mul3A_77 = arith.constant 2560 : i32
    %mul3A_78 = arith.muli %add3A, %mul3A_77 : i32
    %dma_start3A_79 = arith.constant 3 : i32
    %dma_start3A_80 = arith.constant 12800 : i32
    %dma_start3A_81 = tpu.memref_slice %arg6[%dma_start3A_80] : memref<30720xi32, #tpu.memory_space<vmem>> -> memref<2560xi32, #tpu.memory_space<vmem>>
    %dma_start3A_82 = tpu.memref_slice %arg4[%dma_start3A_79, %mul3A_78] : memref<16x81920xi32, #tpu.memory_space<hbm>> -> memref<1x2560xi32, #tpu.memory_space<hbm>>
    %dma_start3A_83 = tpu.memref_squeeze %dma_start3A_82 : memref<1x2560xi32, #tpu.memory_space<hbm>> -> memref<2560xi32, #tpu.memory_space<hbm>>
    %dma_start3A_84 = arith.constant 12800 : i32
    %dma_start3A_85 = tpu.memref_slice %arg6[%dma_start3A_84] : memref<30720xi32, #tpu.memory_space<vmem>> -> memref<2560xi32, #tpu.memory_space<vmem>>
    %dma_start3A_86 = tpu.memref_slice %arg4[%dma_start3A_79, %mul3A_78] : memref<16x81920xi32, #tpu.memory_space<hbm>> -> memref<1x2560xi32, #tpu.memory_space<hbm>>
    %dma_start3A_87 = tpu.memref_squeeze %dma_start3A_86 : memref<1x2560xi32, #tpu.memory_space<hbm>> -> memref<2560xi32, #tpu.memory_space<hbm>>
    tpu.enqueue_dma source(%dma_start3A_87 : memref<2560xi32, #tpu.memory_space<hbm>>) target(%dma_start3A_85 : memref<2560xi32, #tpu.memory_space<vmem>>) target_semaphore(%arg11 : memref<!tpu.dma_semaphore, #tpu.memory_space<semaphore_mem>>)
    %mul3A_88 = arith.constant 512 : i32
    %mul3A_89 = arith.muli %add3A, %mul3A_88 : i32
    %dma_start3A_90 = arith.constant 4 : i32
    %dma_start3A_91 = arith.constant 2048 : i32
    %dma_start3A_92 = tpu.memref_slice %arg6[%dma_start3A_91] : memref<30720xi32, #tpu.memory_space<vmem>> -> memref<512xi32, #tpu.memory_space<vmem>>
    %dma_start3A_93 = tpu.memref_slice %arg3[%dma_start3A_90, %mul3A_89] : memref<16x16384xi32, #tpu.memory_space<hbm>> -> memref<1x512xi32, #tpu.memory_space<hbm>>
    %dma_start3A_94 = tpu.memref_squeeze %dma_start3A_93 : memref<1x512xi32, #tpu.memory_space<hbm>> -> memref<512xi32, #tpu.memory_space<hbm>>
    %dma_start3A_95 = arith.constant 2048 : i32
    %dma_start3A_96 = tpu.memref_slice %arg6[%dma_start3A_95] : memref<30720xi32, #tpu.memory_space<vmem>> -> memref<512xi32, #tpu.memory_space<vmem>>
    %dma_start3A_97 = tpu.memref_slice %arg3[%dma_start3A_90, %mul3A_89] : memref<16x16384xi32, #tpu.memory_space<hbm>> -> memref<1x512xi32, #tpu.memory_space<hbm>>
    %dma_start3A_98 = tpu.memref_squeeze %dma_start3A_97 : memref<1x512xi32, #tpu.memory_space<hbm>> -> memref<512xi32, #tpu.memory_space<hbm>>
    tpu.enqueue_dma source(%dma_start3A_98 : memref<512xi32, #tpu.memory_space<hbm>>) target(%dma_start3A_96 : memref<512xi32, #tpu.memory_space<vmem>>) target_semaphore(%arg11 : memref<!tpu.dma_semaphore, #tpu.memory_space<semaphore_mem>>)
    %mul3A_99 = arith.constant 2560 : i32
    %mul3A_100 = arith.muli %add3A, %mul3A_99 : i32
    %dma_start3A_101 = arith.constant 4 : i32
    %dma_start3A_102 = arith.constant 15360 : i32
    %dma_start3A_103 = tpu.memref_slice %arg6[%dma_start3A_102] : memref<30720xi32, #tpu.memory_space<vmem>> -> memref<2560xi32, #tpu.memory_space<vmem>>
    %dma_start3A_104 = tpu.memref_slice %arg4[%dma_start3A_101, %mul3A_100] : memref<16x81920xi32, #tpu.memory_space<hbm>> -> memref<1x2560xi32, #tpu.memory_space<hbm>>
    %dma_start3A_105 = tpu.memref_squeeze %dma_start3A_104 : memref<1x2560xi32, #tpu.memory_space<hbm>> -> memref<2560xi32, #tpu.memory_space<hbm>>
    %dma_start3A_106 = arith.constant 15360 : i32
    %dma_start3A_107 = tpu.memref_slice %arg6[%dma_start3A_106] : memref<30720xi32, #tpu.memory_space<vmem>> -> memref<2560xi32, #tpu.memory_space<vmem>>
    %dma_start3A_108 = tpu.memref_slice %arg4[%dma_start3A_101, %mul3A_100] : memref<16x81920xi32, #tpu.memory_space<hbm>> -> memref<1x2560xi32, #tpu.memory_space<hbm>>
    %dma_start3A_109 = tpu.memref_squeeze %dma_start3A_108 : memref<1x2560xi32, #tpu.memory_space<hbm>> -> memref<2560xi32, #tpu.memory_space<hbm>>
    tpu.enqueue_dma source(%dma_start3A_109 : memref<2560xi32, #tpu.memory_space<hbm>>) target(%dma_start3A_107 : memref<2560xi32, #tpu.memory_space<vmem>>) target_semaphore(%arg11 : memref<!tpu.dma_semaphore, #tpu.memory_space<semaphore_mem>>)
    %mul3A_110 = arith.constant 512 : i32
    %mul3A_111 = arith.muli %add3A, %mul3A_110 : i32
    %dma_start3A_112 = arith.constant 5 : i32
    %dma_start3A_113 = arith.constant 2560 : i32
    %dma_start3A_114 = tpu.memref_slice %arg6[%dma_start3A_113] : memref<30720xi32, #tpu.memory_space<vmem>> -> memref<512xi32, #tpu.memory_space<vmem>>
    %dma_start3A_115 = tpu.memref_slice %arg3[%dma_start3A_112, %mul3A_111] : memref<16x16384xi32, #tpu.memory_space<hbm>> -> memref<1x512xi32, #tpu.memory_space<hbm>>
    %dma_start3A_116 = tpu.memref_squeeze %dma_start3A_115 : memref<1x512xi32, #tpu.memory_space<hbm>> -> memref<512xi32, #tpu.memory_space<hbm>>
    %dma_start3A_117 = arith.constant 2560 : i32
    %dma_start3A_118 = tpu.memref_slice %arg6[%dma_start3A_117] : memref<30720xi32, #tpu.memory_space<vmem>> -> memref<512xi32, #tpu.memory_space<vmem>>
    %dma_start3A_119 = tpu.memref_slice %arg3[%dma_start3A_112, %mul3A_111] : memref<16x16384xi32, #tpu.memory_space<hbm>> -> memref<1x512xi32, #tpu.memory_space<hbm>>
    %dma_start3A_120 = tpu.memref_squeeze %dma_start3A_119 : memref<1x512xi32, #tpu.memory_space<hbm>> -> memref<512xi32, #tpu.memory_space<hbm>>
    tpu.enqueue_dma source(%dma_start3A_120 : memref<512xi32, #tpu.memory_space<hbm>>) target(%dma_start3A_118 : memref<512xi32, #tpu.memory_space<vmem>>) target_semaphore(%arg11 : memref<!tpu.dma_semaphore, #tpu.memory_space<semaphore_mem>>)
    %mul3A_121 = arith.constant 2560 : i32
    %mul3A_122 = arith.muli %add3A, %mul3A_121 : i32
    %dma_start3A_123 = arith.constant 5 : i32
    %dma_start3A_124 = arith.constant 17920 : i32
    %dma_start3A_125 = tpu.memref_slice %arg6[%dma_start3A_124] : memref<30720xi32, #tpu.memory_space<vmem>> -> memref<2560xi32, #tpu.memory_space<vmem>>
    %dma_start3A_126 = tpu.memref_slice %arg4[%dma_start3A_123, %mul3A_122] : memref<16x81920xi32, #tpu.memory_space<hbm>> -> memref<1x2560xi32, #tpu.memory_space<hbm>>
    %dma_start3A_127 = tpu.memref_squeeze %dma_start3A_126 : memref<1x2560xi32, #tpu.memory_space<hbm>> -> memref<2560xi32, #tpu.memory_space<hbm>>
    %dma_start3A_128 = arith.constant 17920 : i32
    %dma_start3A_129 = tpu.memref_slice %arg6[%dma_start3A_128] : memref<30720xi32, #tpu.memory_space<vmem>> -> memref<2560xi32, #tpu.memory_space<vmem>>
    %dma_start3A_130 = tpu.memref_slice %arg4[%dma_start3A_123, %mul3A_122] : memref<16x81920xi32, #tpu.memory_space<hbm>> -> memref<1x2560xi32, #tpu.memory_space<hbm>>
    %dma_start3A_131 = tpu.memref_squeeze %dma_start3A_130 : memref<1x2560xi32, #tpu.memory_space<hbm>> -> memref<2560xi32, #tpu.memory_space<hbm>>
    tpu.enqueue_dma source(%dma_start3A_131 : memref<2560xi32, #tpu.memory_space<hbm>>) target(%dma_start3A_129 : memref<2560xi32, #tpu.memory_space<vmem>>) target_semaphore(%arg11 : memref<!tpu.dma_semaphore, #tpu.memory_space<semaphore_mem>>)
    %mul3A_132 = arith.constant 512 : i32
    %mul3A_133 = arith.muli %add3A, %mul3A_132 : i32
    %dma_start3A_134 = arith.constant 6 : i32
    %dma_start3A_135 = arith.constant 3072 : i32
    %dma_start3A_136 = tpu.memref_slice %arg6[%dma_start3A_135] : memref<30720xi32, #tpu.memory_space<vmem>> -> memref<512xi32, #tpu.memory_space<vmem>>
    %dma_start3A_137 = tpu.memref_slice %arg3[%dma_start3A_134, %mul3A_133] : memref<16x16384xi32, #tpu.memory_space<hbm>> -> memref<1x512xi32, #tpu.memory_space<hbm>>
    %dma_start3A_138 = tpu.memref_squeeze %dma_start3A_137 : memref<1x512xi32, #tpu.memory_space<hbm>> -> memref<512xi32, #tpu.memory_space<hbm>>
    %dma_start3A_139 = arith.constant 3072 : i32
    %dma_start3A_140 = tpu.memref_slice %arg6[%dma_start3A_139] : memref<30720xi32, #tpu.memory_space<vmem>> -> memref<512xi32, #tpu.memory_space<vmem>>
    %dma_start3A_141 = tpu.memref_slice %arg3[%dma_start3A_134, %mul3A_133] : memref<16x16384xi32, #tpu.memory_space<hbm>> -> memref<1x512xi32, #tpu.memory_space<hbm>>
    %dma_start3A_142 = tpu.memref_squeeze %dma_start3A_141 : memref<1x512xi32, #tpu.memory_space<hbm>> -> memref<512xi32, #tpu.memory_space<hbm>>
    tpu.enqueue_dma source(%dma_start3A_142 : memref<512xi32, #tpu.memory_space<hbm>>) target(%dma_start3A_140 : memref<512xi32, #tpu.memory_space<vmem>>) target_semaphore(%arg11 : memref<!tpu.dma_semaphore, #tpu.memory_space<semaphore_mem>>)
    %mul3A_143 = arith.constant 2560 : i32
    %mul3A_144 = arith.muli %add3A, %mul3A_143 : i32
    %dma_start3A_145 = arith.constant 6 : i32
    %dma_start3A_146 = arith.constant 20480 : i32
    %dma_start3A_147 = tpu.memref_slice %arg6[%dma_start3A_146] : memref<30720xi32, #tpu.memory_space<vmem>> -> memref<2560xi32, #tpu.memory_space<vmem>>
    %dma_start3A_148 = tpu.memref_slice %arg4[%dma_start3A_145, %mul3A_144] : memref<16x81920xi32, #tpu.memory_space<hbm>> -> memref<1x2560xi32, #tpu.memory_space<hbm>>
    %dma_start3A_149 = tpu.memref_squeeze %dma_start3A_148 : memref<1x2560xi32, #tpu.memory_space<hbm>> -> memref<2560xi32, #tpu.memory_space<hbm>>
    %dma_start3A_150 = arith.constant 20480 : i32
    %dma_start3A_151 = tpu.memref_slice %arg6[%dma_start3A_150] : memref<30720xi32, #tpu.memory_space<vmem>> -> memref<2560xi32, #tpu.memory_space<vmem>>
    %dma_start3A_152 = tpu.memref_slice %arg4[%dma_start3A_145, %mul3A_144] : memref<16x81920xi32, #tpu.memory_space<hbm>> -> memref<1x2560xi32, #tpu.memory_space<hbm>>
    %dma_start3A_153 = tpu.memref_squeeze %dma_start3A_152 : memref<1x2560xi32, #tpu.memory_space<hbm>> -> memref<2560xi32, #tpu.memory_space<hbm>>
    tpu.enqueue_dma source(%dma_start3A_153 : memref<2560xi32, #tpu.memory_space<hbm>>) target(%dma_start3A_151 : memref<2560xi32, #tpu.memory_space<vmem>>) target_semaphore(%arg11 : memref<!tpu.dma_semaphore, #tpu.memory_space<semaphore_mem>>)
    %mul3A_154 = arith.constant 512 : i32
    %mul3A_155 = arith.muli %add3A, %mul3A_154 : i32
    %dma_start3A_156 = arith.constant 7 : i32
    %dma_start3A_157 = arith.constant 3584 : i32
    %dma_start3A_158 = tpu.memref_slice %arg6[%dma_start3A_157] : memref<30720xi32, #tpu.memory_space<vmem>> -> memref<512xi32, #tpu.memory_space<vmem>>
    %dma_start3A_159 = tpu.memref_slice %arg3[%dma_start3A_156, %mul3A_155] : memref<16x16384xi32, #tpu.memory_space<hbm>> -> memref<1x512xi32, #tpu.memory_space<hbm>>
    %dma_start3A_160 = tpu.memref_squeeze %dma_start3A_159 : memref<1x512xi32, #tpu.memory_space<hbm>> -> memref<512xi32, #tpu.memory_space<hbm>>
    %dma_start3A_161 = arith.constant 3584 : i32
    %dma_start3A_162 = tpu.memref_slice %arg6[%dma_start3A_161] : memref<30720xi32, #tpu.memory_space<vmem>> -> memref<512xi32, #tpu.memory_space<vmem>>
    %dma_start3A_163 = tpu.memref_slice %arg3[%dma_start3A_156, %mul3A_155] : memref<16x16384xi32, #tpu.memory_space<hbm>> -> memref<1x512xi32, #tpu.memory_space<hbm>>
    %dma_start3A_164 = tpu.memref_squeeze %dma_start3A_163 : memref<1x512xi32, #tpu.memory_space<hbm>> -> memref<512xi32, #tpu.memory_space<hbm>>
    tpu.enqueue_dma source(%dma_start3A_164 : memref<512xi32, #tpu.memory_space<hbm>>) target(%dma_start3A_162 : memref<512xi32, #tpu.memory_space<vmem>>) target_semaphore(%arg11 : memref<!tpu.dma_semaphore, #tpu.memory_space<semaphore_mem>>)
    %mul3A_165 = arith.constant 2560 : i32
    %mul3A_166 = arith.muli %add3A, %mul3A_165 : i32
    %dma_start3A_167 = arith.constant 7 : i32
    %dma_start3A_168 = arith.constant 23040 : i32
    %dma_start3A_169 = tpu.memref_slice %arg6[%dma_start3A_168] : memref<30720xi32, #tpu.memory_space<vmem>> -> memref<2560xi32, #tpu.memory_space<vmem>>
    %dma_start3A_170 = tpu.memref_slice %arg4[%dma_start3A_167, %mul3A_166] : memref<16x81920xi32, #tpu.memory_space<hbm>> -> memref<1x2560xi32, #tpu.memory_space<hbm>>
    %dma_start3A_171 = tpu.memref_squeeze %dma_start3A_170 : memref<1x2560xi32, #tpu.memory_space<hbm>> -> memref<2560xi32, #tpu.memory_space<hbm>>
    %dma_start3A_172 = arith.constant 23040 : i32
    %dma_start3A_173 = tpu.memref_slice %arg6[%dma_start3A_172] : memref<30720xi32, #tpu.memory_space<vmem>> -> memref<2560xi32, #tpu.memory_space<vmem>>
    %dma_start3A_174 = tpu.memref_slice %arg4[%dma_start3A_167, %mul3A_166] : memref<16x81920xi32, #tpu.memory_space<hbm>> -> memref<1x2560xi32, #tpu.memory_space<hbm>>
    %dma_start3A_175 = tpu.memref_squeeze %dma_start3A_174 : memref<1x2560xi32, #tpu.memory_space<hbm>> -> memref<2560xi32, #tpu.memory_space<hbm>>
    tpu.enqueue_dma source(%dma_start3A_175 : memref<2560xi32, #tpu.memory_space<hbm>>) target(%dma_start3A_173 : memref<2560xi32, #tpu.memory_space<vmem>>) target_semaphore(%arg11 : memref<!tpu.dma_semaphore, #tpu.memory_space<semaphore_mem>>)
    %mul3A_176 = arith.constant 512 : i32
    %mul3A_177 = arith.muli %add3A, %mul3A_176 : i32
    %dma_start3A_178 = arith.constant 8 : i32
    %dma_start3A_179 = arith.constant 4096 : i32
    %dma_start3A_180 = tpu.memref_slice %arg6[%dma_start3A_179] : memref<30720xi32, #tpu.memory_space<vmem>> -> memref<512xi32, #tpu.memory_space<vmem>>
    %dma_start3A_181 = tpu.memref_slice %arg3[%dma_start3A_178, %mul3A_177] : memref<16x16384xi32, #tpu.memory_space<hbm>> -> memref<1x512xi32, #tpu.memory_space<hbm>>
    %dma_start3A_182 = tpu.memref_squeeze %dma_start3A_181 : memref<1x512xi32, #tpu.memory_space<hbm>> -> memref<512xi32, #tpu.memory_space<hbm>>
    %dma_start3A_183 = arith.constant 4096 : i32
    %dma_start3A_184 = tpu.memref_slice %arg6[%dma_start3A_183] : memref<30720xi32, #tpu.memory_space<vmem>> -> memref<512xi32, #tpu.memory_space<vmem>>
    %dma_start3A_185 = tpu.memref_slice %arg3[%dma_start3A_178, %mul3A_177] : memref<16x16384xi32, #tpu.memory_space<hbm>> -> memref<1x512xi32, #tpu.memory_space<hbm>>
    %dma_start3A_186 = tpu.memref_squeeze %dma_start3A_185 : memref<1x512xi32, #tpu.memory_space<hbm>> -> memref<512xi32, #tpu.memory_space<hbm>>
    tpu.enqueue_dma source(%dma_start3A_186 : memref<512xi32, #tpu.memory_space<hbm>>) target(%dma_start3A_184 : memref<512xi32, #tpu.memory_space<vmem>>) target_semaphore(%arg11 : memref<!tpu.dma_semaphore, #tpu.memory_space<semaphore_mem>>)
    %mul3A_187 = arith.constant 2560 : i32
    %mul3A_188 = arith.muli %add3A, %mul3A_187 : i32
    %dma_start3A_189 = arith.constant 8 : i32
    %dma_start3A_190 = arith.constant 25600 : i32
    %dma_start3A_191 = tpu.memref_slice %arg6[%dma_start3A_190] : memref<30720xi32, #tpu.memory_space<vmem>> -> memref<2560xi32, #tpu.memory_space<vmem>>
    %dma_start3A_192 = tpu.memref_slice %arg4[%dma_start3A_189, %mul3A_188] : memref<16x81920xi32, #tpu.memory_space<hbm>> -> memref<1x2560xi32, #tpu.memory_space<hbm>>
    %dma_start3A_193 = tpu.memref_squeeze %dma_start3A_192 : memref<1x2560xi32, #tpu.memory_space<hbm>> -> memref<2560xi32, #tpu.memory_space<hbm>>
    %dma_start3A_194 = arith.constant 25600 : i32
    %dma_start3A_195 = tpu.memref_slice %arg6[%dma_start3A_194] : memref<30720xi32, #tpu.memory_space<vmem>> -> memref<2560xi32, #tpu.memory_space<vmem>>
    %dma_start3A_196 = tpu.memref_slice %arg4[%dma_start3A_189, %mul3A_188] : memref<16x81920xi32, #tpu.memory_space<hbm>> -> memref<1x2560xi32, #tpu.memory_space<hbm>>
    %dma_start3A_197 = tpu.memref_squeeze %dma_start3A_196 : memref<1x2560xi32, #tpu.memory_space<hbm>> -> memref<2560xi32, #tpu.memory_space<hbm>>
    tpu.enqueue_dma source(%dma_start3A_197 : memref<2560xi32, #tpu.memory_space<hbm>>) target(%dma_start3A_195 : memref<2560xi32, #tpu.memory_space<vmem>>) target_semaphore(%arg11 : memref<!tpu.dma_semaphore, #tpu.memory_space<semaphore_mem>>)
    %mul3A_198 = arith.constant 512 : i32
    %mul3A_199 = arith.muli %add3A, %mul3A_198 : i32
    %dma_start3A_200 = arith.constant 9 : i32
    %dma_start3A_201 = arith.constant 4608 : i32
    %dma_start3A_202 = tpu.memref_slice %arg6[%dma_start3A_201] : memref<30720xi32, #tpu.memory_space<vmem>> -> memref<512xi32, #tpu.memory_space<vmem>>
    %dma_start3A_203 = tpu.memref_slice %arg3[%dma_start3A_200, %mul3A_199] : memref<16x16384xi32, #tpu.memory_space<hbm>> -> memref<1x512xi32, #tpu.memory_space<hbm>>
    %dma_start3A_204 = tpu.memref_squeeze %dma_start3A_203 : memref<1x512xi32, #tpu.memory_space<hbm>> -> memref<512xi32, #tpu.memory_space<hbm>>
    %dma_start3A_205 = arith.constant 4608 : i32
    %dma_start3A_206 = tpu.memref_slice %arg6[%dma_start3A_205] : memref<30720xi32, #tpu.memory_space<vmem>> -> memref<512xi32, #tpu.memory_space<vmem>>
    %dma_start3A_207 = tpu.memref_slice %arg3[%dma_start3A_200, %mul3A_199] : memref<16x16384xi32, #tpu.memory_space<hbm>> -> memref<1x512xi32, #tpu.memory_space<hbm>>
    %dma_start3A_208 = tpu.memref_squeeze %dma_start3A_207 : memref<1x512xi32, #tpu.memory_space<hbm>> -> memref<512xi32, #tpu.memory_space<hbm>>
    tpu.enqueue_dma source(%dma_start3A_208 : memref<512xi32, #tpu.memory_space<hbm>>) target(%dma_start3A_206 : memref<512xi32, #tpu.memory_space<vmem>>) target_semaphore(%arg11 : memref<!tpu.dma_semaphore, #tpu.memory_space<semaphore_mem>>)
    %mul3A_209 = arith.constant 2560 : i32
    %mul3A_210 = arith.muli %add3A, %mul3A_209 : i32
    %dma_start3A_211 = arith.constant 9 : i32
    %dma_start3A_212 = arith.constant 28160 : i32
    %dma_start3A_213 = tpu.memref_slice %arg6[%dma_start3A_212] : memref<30720xi32, #tpu.memory_space<vmem>> -> memref<2560xi32, #tpu.memory_space<vmem>>
    %dma_start3A_214 = tpu.memref_slice %arg4[%dma_start3A_211, %mul3A_210] : memref<16x81920xi32, #tpu.memory_space<hbm>> -> memref<1x2560xi32, #tpu.memory_space<hbm>>
    %dma_start3A_215 = tpu.memref_squeeze %dma_start3A_214 : memref<1x2560xi32, #tpu.memory_space<hbm>> -> memref<2560xi32, #tpu.memory_space<hbm>>
    %dma_start3A_216 = arith.constant 28160 : i32
    %dma_start3A_217 = tpu.memref_slice %arg6[%dma_start3A_216] : memref<30720xi32, #tpu.memory_space<vmem>> -> memref<2560xi32, #tpu.memory_space<vmem>>
    %dma_start3A_218 = tpu.memref_slice %arg4[%dma_start3A_211, %mul3A_210] : memref<16x81920xi32, #tpu.memory_space<hbm>> -> memref<1x2560xi32, #tpu.memory_space<hbm>>
    %dma_start3A_219 = tpu.memref_squeeze %dma_start3A_218 : memref<1x2560xi32, #tpu.memory_space<hbm>> -> memref<2560xi32, #tpu.memory_space<hbm>>
    tpu.enqueue_dma source(%dma_start3A_219 : memref<2560xi32, #tpu.memory_space<hbm>>) target(%dma_start3A_217 : memref<2560xi32, #tpu.memory_space<vmem>>) target_semaphore(%arg11 : memref<!tpu.dma_semaphore, #tpu.memory_space<semaphore_mem>>)
    %dma_wait3A = arith.constant 0 : i32
    %dma_wait3A_220 = arith.constant 0 : i32
    %dma_wait3A_221 = tpu.memref_slice %arg6[%dma_wait3A_220] : memref<30720xi32, #tpu.memory_space<vmem>> -> memref<512xi32, #tpu.memory_space<vmem>>
    %dma_wait3A_222 = tpu.memref_slice %arg3[%dma_wait3A, %mul3A_2] : memref<16x16384xi32, #tpu.memory_space<hbm>> -> memref<1x512xi32, #tpu.memory_space<hbm>>
    %dma_wait3A_223 = tpu.memref_squeeze %dma_wait3A_222 : memref<1x512xi32, #tpu.memory_space<hbm>> -> memref<512xi32, #tpu.memory_space<hbm>>
    %dma_wait3A_224 = arith.constant 0 : i32
    %dma_wait3A_225 = tpu.memref_slice %arg6[%dma_wait3A_224] : memref<30720xi32, #tpu.memory_space<vmem>> -> memref<512xi32, #tpu.memory_space<vmem>>
    %dma_wait3A_226 = tpu.memref_slice %arg3[%dma_wait3A, %mul3A_2] : memref<16x16384xi32, #tpu.memory_space<hbm>> -> memref<1x512xi32, #tpu.memory_space<hbm>>
    %dma_wait3A_227 = tpu.memref_squeeze %dma_wait3A_226 : memref<1x512xi32, #tpu.memory_space<hbm>> -> memref<512xi32, #tpu.memory_space<hbm>>
    tpu.wait_dma2 semaphore(%arg11 : memref<!tpu.dma_semaphore, #tpu.memory_space<semaphore_mem>>) src(%dma_wait3A_227 : memref<512xi32, #tpu.memory_space<hbm>>) dst(%dma_wait3A_225 : memref<512xi32, #tpu.memory_space<vmem>>)
    %dma_wait3A_228 = arith.constant 0 : i32
    %dma_wait3A_229 = arith.constant 5120 : i32
    %dma_wait3A_230 = tpu.memref_slice %arg6[%dma_wait3A_229] : memref<30720xi32, #tpu.memory_space<vmem>> -> memref<2560xi32, #tpu.memory_space<vmem>>
    %dma_wait3A_231 = tpu.memref_slice %arg4[%dma_wait3A_228, %mul3A_12] : memref<16x81920xi32, #tpu.memory_space<hbm>> -> memref<1x2560xi32, #tpu.memory_space<hbm>>
    %dma_wait3A_232 = tpu.memref_squeeze %dma_wait3A_231 : memref<1x2560xi32, #tpu.memory_space<hbm>> -> memref<2560xi32, #tpu.memory_space<hbm>>
    %dma_wait3A_233 = arith.constant 5120 : i32
    %dma_wait3A_234 = tpu.memref_slice %arg6[%dma_wait3A_233] : memref<30720xi32, #tpu.memory_space<vmem>> -> memref<2560xi32, #tpu.memory_space<vmem>>
    %dma_wait3A_235 = tpu.memref_slice %arg4[%dma_wait3A_228, %mul3A_12] : memref<16x81920xi32, #tpu.memory_space<hbm>> -> memref<1x2560xi32, #tpu.memory_space<hbm>>
    %dma_wait3A_236 = tpu.memref_squeeze %dma_wait3A_235 : memref<1x2560xi32, #tpu.memory_space<hbm>> -> memref<2560xi32, #tpu.memory_space<hbm>>
    tpu.wait_dma2 semaphore(%arg11 : memref<!tpu.dma_semaphore, #tpu.memory_space<semaphore_mem>>) src(%dma_wait3A_236 : memref<2560xi32, #tpu.memory_space<hbm>>) dst(%dma_wait3A_234 : memref<2560xi32, #tpu.memory_space<vmem>>)
    %dma_wait3A_237 = arith.constant 1 : i32
    %dma_wait3A_238 = arith.constant 512 : i32
    %dma_wait3A_239 = tpu.memref_slice %arg6[%dma_wait3A_238] : memref<30720xi32, #tpu.memory_space<vmem>> -> memref<512xi32, #tpu.memory_space<vmem>>
    %dma_wait3A_240 = tpu.memref_slice %arg3[%dma_wait3A_237, %mul3A_23] : memref<16x16384xi32, #tpu.memory_space<hbm>> -> memref<1x512xi32, #tpu.memory_space<hbm>>
    %dma_wait3A_241 = tpu.memref_squeeze %dma_wait3A_240 : memref<1x512xi32, #tpu.memory_space<hbm>> -> memref<512xi32, #tpu.memory_space<hbm>>
    %dma_wait3A_242 = arith.constant 512 : i32
    %dma_wait3A_243 = tpu.memref_slice %arg6[%dma_wait3A_242] : memref<30720xi32, #tpu.memory_space<vmem>> -> memref<512xi32, #tpu.memory_space<vmem>>
    %dma_wait3A_244 = tpu.memref_slice %arg3[%dma_wait3A_237, %mul3A_23] : memref<16x16384xi32, #tpu.memory_space<hbm>> -> memref<1x512xi32, #tpu.memory_space<hbm>>
    %dma_wait3A_245 = tpu.memref_squeeze %dma_wait3A_244 : memref<1x512xi32, #tpu.memory_space<hbm>> -> memref<512xi32, #tpu.memory_space<hbm>>
    tpu.wait_dma2 semaphore(%arg11 : memref<!tpu.dma_semaphore, #tpu.memory_space<semaphore_mem>>) src(%dma_wait3A_245 : memref<512xi32, #tpu.memory_space<hbm>>) dst(%dma_wait3A_243 : memref<512xi32, #tpu.memory_space<vmem>>)
    %dma_wait3A_246 = arith.constant 1 : i32
    %dma_wait3A_247 = arith.constant 7680 : i32
    %dma_wait3A_248 = tpu.memref_slice %arg6[%dma_wait3A_247] : memref<30720xi32, #tpu.memory_space<vmem>> -> memref<2560xi32, #tpu.memory_space<vmem>>
    %dma_wait3A_249 = tpu.memref_slice %arg4[%dma_wait3A_246, %mul3A_34] : memref<16x81920xi32, #tpu.memory_space<hbm>> -> memref<1x2560xi32, #tpu.memory_space<hbm>>
    %dma_wait3A_250 = tpu.memref_squeeze %dma_wait3A_249 : memref<1x2560xi32, #tpu.memory_space<hbm>> -> memref<2560xi32, #tpu.memory_space<hbm>>
    %dma_wait3A_251 = arith.constant 7680 : i32
    %dma_wait3A_252 = tpu.memref_slice %arg6[%dma_wait3A_251] : memref<30720xi32, #tpu.memory_space<vmem>> -> memref<2560xi32, #tpu.memory_space<vmem>>
    %dma_wait3A_253 = tpu.memref_slice %arg4[%dma_wait3A_246, %mul3A_34] : memref<16x81920xi32, #tpu.memory_space<hbm>> -> memref<1x2560xi32, #tpu.memory_space<hbm>>
    %dma_wait3A_254 = tpu.memref_squeeze %dma_wait3A_253 : memref<1x2560xi32, #tpu.memory_space<hbm>> -> memref<2560xi32, #tpu.memory_space<hbm>>
    tpu.wait_dma2 semaphore(%arg11 : memref<!tpu.dma_semaphore, #tpu.memory_space<semaphore_mem>>) src(%dma_wait3A_254 : memref<2560xi32, #tpu.memory_space<hbm>>) dst(%dma_wait3A_252 : memref<2560xi32, #tpu.memory_space<vmem>>)
    %dma_wait3A_255 = arith.constant 2 : i32
    %dma_wait3A_256 = arith.constant 1024 : i32
    %dma_wait3A_257 = tpu.memref_slice %arg6[%dma_wait3A_256] : memref<30720xi32, #tpu.memory_space<vmem>> -> memref<512xi32, #tpu.memory_space<vmem>>
    %dma_wait3A_258 = tpu.memref_slice %arg3[%dma_wait3A_255, %mul3A_45] : memref<16x16384xi32, #tpu.memory_space<hbm>> -> memref<1x512xi32, #tpu.memory_space<hbm>>
    %dma_wait3A_259 = tpu.memref_squeeze %dma_wait3A_258 : memref<1x512xi32, #tpu.memory_space<hbm>> -> memref<512xi32, #tpu.memory_space<hbm>>
    %dma_wait3A_260 = arith.constant 1024 : i32
    %dma_wait3A_261 = tpu.memref_slice %arg6[%dma_wait3A_260] : memref<30720xi32, #tpu.memory_space<vmem>> -> memref<512xi32, #tpu.memory_space<vmem>>
    %dma_wait3A_262 = tpu.memref_slice %arg3[%dma_wait3A_255, %mul3A_45] : memref<16x16384xi32, #tpu.memory_space<hbm>> -> memref<1x512xi32, #tpu.memory_space<hbm>>
    %dma_wait3A_263 = tpu.memref_squeeze %dma_wait3A_262 : memref<1x512xi32, #tpu.memory_space<hbm>> -> memref<512xi32, #tpu.memory_space<hbm>>
    tpu.wait_dma2 semaphore(%arg11 : memref<!tpu.dma_semaphore, #tpu.memory_space<semaphore_mem>>) src(%dma_wait3A_263 : memref<512xi32, #tpu.memory_space<hbm>>) dst(%dma_wait3A_261 : memref<512xi32, #tpu.memory_space<vmem>>)
    %dma_wait3A_264 = arith.constant 2 : i32
    %dma_wait3A_265 = arith.constant 10240 : i32
    %dma_wait3A_266 = tpu.memref_slice %arg6[%dma_wait3A_265] : memref<30720xi32, #tpu.memory_space<vmem>> -> memref<2560xi32, #tpu.memory_space<vmem>>
    %dma_wait3A_267 = tpu.memref_slice %arg4[%dma_wait3A_264, %mul3A_56] : memref<16x81920xi32, #tpu.memory_space<hbm>> -> memref<1x2560xi32, #tpu.memory_space<hbm>>
    %dma_wait3A_268 = tpu.memref_squeeze %dma_wait3A_267 : memref<1x2560xi32, #tpu.memory_space<hbm>> -> memref<2560xi32, #tpu.memory_space<hbm>>
    %dma_wait3A_269 = arith.constant 10240 : i32
    %dma_wait3A_270 = tpu.memref_slice %arg6[%dma_wait3A_269] : memref<30720xi32, #tpu.memory_space<vmem>> -> memref<2560xi32, #tpu.memory_space<vmem>>
    %dma_wait3A_271 = tpu.memref_slice %arg4[%dma_wait3A_264, %mul3A_56] : memref<16x81920xi32, #tpu.memory_space<hbm>> -> memref<1x2560xi32, #tpu.memory_space<hbm>>
    %dma_wait3A_272 = tpu.memref_squeeze %dma_wait3A_271 : memref<1x2560xi32, #tpu.memory_space<hbm>> -> memref<2560xi32, #tpu.memory_space<hbm>>
    tpu.wait_dma2 semaphore(%arg11 : memref<!tpu.dma_semaphore, #tpu.memory_space<semaphore_mem>>) src(%dma_wait3A_272 : memref<2560xi32, #tpu.memory_space<hbm>>) dst(%dma_wait3A_270 : memref<2560xi32, #tpu.memory_space<vmem>>)
    %dma_wait3A_273 = arith.constant 3 : i32
    %dma_wait3A_274 = arith.constant 1536 : i32
    %dma_wait3A_275 = tpu.memref_slice %arg6[%dma_wait3A_274] : memref<30720xi32, #tpu.memory_space<vmem>> -> memref<512xi32, #tpu.memory_space<vmem>>
    %dma_wait3A_276 = tpu.memref_slice %arg3[%dma_wait3A_273, %mul3A_67] : memref<16x16384xi32, #tpu.memory_space<hbm>> -> memref<1x512xi32, #tpu.memory_space<hbm>>
    %dma_wait3A_277 = tpu.memref_squeeze %dma_wait3A_276 : memref<1x512xi32, #tpu.memory_space<hbm>> -> memref<512xi32, #tpu.memory_space<hbm>>
    %dma_wait3A_278 = arith.constant 1536 : i32
    %dma_wait3A_279 = tpu.memref_slice %arg6[%dma_wait3A_278] : memref<30720xi32, #tpu.memory_space<vmem>> -> memref<512xi32, #tpu.memory_space<vmem>>
    %dma_wait3A_280 = tpu.memref_slice %arg3[%dma_wait3A_273, %mul3A_67] : memref<16x16384xi32, #tpu.memory_space<hbm>> -> memref<1x512xi32, #tpu.memory_space<hbm>>
    %dma_wait3A_281 = tpu.memref_squeeze %dma_wait3A_280 : memref<1x512xi32, #tpu.memory_space<hbm>> -> memref<512xi32, #tpu.memory_space<hbm>>
    tpu.wait_dma2 semaphore(%arg11 : memref<!tpu.dma_semaphore, #tpu.memory_space<semaphore_mem>>) src(%dma_wait3A_281 : memref<512xi32, #tpu.memory_space<hbm>>) dst(%dma_wait3A_279 : memref<512xi32, #tpu.memory_space<vmem>>)
    %dma_wait3A_282 = arith.constant 3 : i32
    %dma_wait3A_283 = arith.constant 12800 : i32
    %dma_wait3A_284 = tpu.memref_slice %arg6[%dma_wait3A_283] : memref<30720xi32, #tpu.memory_space<vmem>> -> memref<2560xi32, #tpu.memory_space<vmem>>
    %dma_wait3A_285 = tpu.memref_slice %arg4[%dma_wait3A_282, %mul3A_78] : memref<16x81920xi32, #tpu.memory_space<hbm>> -> memref<1x2560xi32, #tpu.memory_space<hbm>>
    %dma_wait3A_286 = tpu.memref_squeeze %dma_wait3A_285 : memref<1x2560xi32, #tpu.memory_space<hbm>> -> memref<2560xi32, #tpu.memory_space<hbm>>
    %dma_wait3A_287 = arith.constant 12800 : i32
    %dma_wait3A_288 = tpu.memref_slice %arg6[%dma_wait3A_287] : memref<30720xi32, #tpu.memory_space<vmem>> -> memref<2560xi32, #tpu.memory_space<vmem>>
    %dma_wait3A_289 = tpu.memref_slice %arg4[%dma_wait3A_282, %mul3A_78] : memref<16x81920xi32, #tpu.memory_space<hbm>> -> memref<1x2560xi32, #tpu.memory_space<hbm>>
    %dma_wait3A_290 = tpu.memref_squeeze %dma_wait3A_289 : memref<1x2560xi32, #tpu.memory_space<hbm>> -> memref<2560xi32, #tpu.memory_space<hbm>>
    tpu.wait_dma2 semaphore(%arg11 : memref<!tpu.dma_semaphore, #tpu.memory_space<semaphore_mem>>) src(%dma_wait3A_290 : memref<2560xi32, #tpu.memory_space<hbm>>) dst(%dma_wait3A_288 : memref<2560xi32, #tpu.memory_space<vmem>>)
    %dma_wait3A_291 = arith.constant 4 : i32
    %dma_wait3A_292 = arith.constant 2048 : i32
    %dma_wait3A_293 = tpu.memref_slice %arg6[%dma_wait3A_292] : memref<30720xi32, #tpu.memory_space<vmem>> -> memref<512xi32, #tpu.memory_space<vmem>>
    %dma_wait3A_294 = tpu.memref_slice %arg3[%dma_wait3A_291, %mul3A_89] : memref<16x16384xi32, #tpu.memory_space<hbm>> -> memref<1x512xi32, #tpu.memory_space<hbm>>
    %dma_wait3A_295 = tpu.memref_squeeze %dma_wait3A_294 : memref<1x512xi32, #tpu.memory_space<hbm>> -> memref<512xi32, #tpu.memory_space<hbm>>
    %dma_wait3A_296 = arith.constant 2048 : i32
    %dma_wait3A_297 = tpu.memref_slice %arg6[%dma_wait3A_296] : memref<30720xi32, #tpu.memory_space<vmem>> -> memref<512xi32, #tpu.memory_space<vmem>>
    %dma_wait3A_298 = tpu.memref_slice %arg3[%dma_wait3A_291, %mul3A_89] : memref<16x16384xi32, #tpu.memory_space<hbm>> -> memref<1x512xi32, #tpu.memory_space<hbm>>
    %dma_wait3A_299 = tpu.memref_squeeze %dma_wait3A_298 : memref<1x512xi32, #tpu.memory_space<hbm>> -> memref<512xi32, #tpu.memory_space<hbm>>
    tpu.wait_dma2 semaphore(%arg11 : memref<!tpu.dma_semaphore, #tpu.memory_space<semaphore_mem>>) src(%dma_wait3A_299 : memref<512xi32, #tpu.memory_space<hbm>>) dst(%dma_wait3A_297 : memref<512xi32, #tpu.memory_space<vmem>>)
    %dma_wait3A_300 = arith.constant 4 : i32
    %dma_wait3A_301 = arith.constant 15360 : i32
    %dma_wait3A_302 = tpu.memref_slice %arg6[%dma_wait3A_301] : memref<30720xi32, #tpu.memory_space<vmem>> -> memref<2560xi32, #tpu.memory_space<vmem>>
    %dma_wait3A_303 = tpu.memref_slice %arg4[%dma_wait3A_300, %mul3A_100] : memref<16x81920xi32, #tpu.memory_space<hbm>> -> memref<1x2560xi32, #tpu.memory_space<hbm>>
    %dma_wait3A_304 = tpu.memref_squeeze %dma_wait3A_303 : memref<1x2560xi32, #tpu.memory_space<hbm>> -> memref<2560xi32, #tpu.memory_space<hbm>>
    %dma_wait3A_305 = arith.constant 15360 : i32
    %dma_wait3A_306 = tpu.memref_slice %arg6[%dma_wait3A_305] : memref<30720xi32, #tpu.memory_space<vmem>> -> memref<2560xi32, #tpu.memory_space<vmem>>
    %dma_wait3A_307 = tpu.memref_slice %arg4[%dma_wait3A_300, %mul3A_100] : memref<16x81920xi32, #tpu.memory_space<hbm>> -> memref<1x2560xi32, #tpu.memory_space<hbm>>
    %dma_wait3A_308 = tpu.memref_squeeze %dma_wait3A_307 : memref<1x2560xi32, #tpu.memory_space<hbm>> -> memref<2560xi32, #tpu.memory_space<hbm>>
    tpu.wait_dma2 semaphore(%arg11 : memref<!tpu.dma_semaphore, #tpu.memory_space<semaphore_mem>>) src(%dma_wait3A_308 : memref<2560xi32, #tpu.memory_space<hbm>>) dst(%dma_wait3A_306 : memref<2560xi32, #tpu.memory_space<vmem>>)
    %dma_wait3A_309 = arith.constant 5 : i32
    %dma_wait3A_310 = arith.constant 2560 : i32
    %dma_wait3A_311 = tpu.memref_slice %arg6[%dma_wait3A_310] : memref<30720xi32, #tpu.memory_space<vmem>> -> memref<512xi32, #tpu.memory_space<vmem>>
    %dma_wait3A_312 = tpu.memref_slice %arg3[%dma_wait3A_309, %mul3A_111] : memref<16x16384xi32, #tpu.memory_space<hbm>> -> memref<1x512xi32, #tpu.memory_space<hbm>>
    %dma_wait3A_313 = tpu.memref_squeeze %dma_wait3A_312 : memref<1x512xi32, #tpu.memory_space<hbm>> -> memref<512xi32, #tpu.memory_space<hbm>>
    %dma_wait3A_314 = arith.constant 2560 : i32
    %dma_wait3A_315 = tpu.memref_slice %arg6[%dma_wait3A_314] : memref<30720xi32, #tpu.memory_space<vmem>> -> memref<512xi32, #tpu.memory_space<vmem>>
    %dma_wait3A_316 = tpu.memref_slice %arg3[%dma_wait3A_309, %mul3A_111] : memref<16x16384xi32, #tpu.memory_space<hbm>> -> memref<1x512xi32, #tpu.memory_space<hbm>>
    %dma_wait3A_317 = tpu.memref_squeeze %dma_wait3A_316 : memref<1x512xi32, #tpu.memory_space<hbm>> -> memref<512xi32, #tpu.memory_space<hbm>>
    tpu.wait_dma2 semaphore(%arg11 : memref<!tpu.dma_semaphore, #tpu.memory_space<semaphore_mem>>) src(%dma_wait3A_317 : memref<512xi32, #tpu.memory_space<hbm>>) dst(%dma_wait3A_315 : memref<512xi32, #tpu.memory_space<vmem>>)
    %dma_wait3A_318 = arith.constant 5 : i32
    %dma_wait3A_319 = arith.constant 17920 : i32
    %dma_wait3A_320 = tpu.memref_slice %arg6[%dma_wait3A_319] : memref<30720xi32, #tpu.memory_space<vmem>> -> memref<2560xi32, #tpu.memory_space<vmem>>
    %dma_wait3A_321 = tpu.memref_slice %arg4[%dma_wait3A_318, %mul3A_122] : memref<16x81920xi32, #tpu.memory_space<hbm>> -> memref<1x2560xi32, #tpu.memory_space<hbm>>
    %dma_wait3A_322 = tpu.memref_squeeze %dma_wait3A_321 : memref<1x2560xi32, #tpu.memory_space<hbm>> -> memref<2560xi32, #tpu.memory_space<hbm>>
    %dma_wait3A_323 = arith.constant 17920 : i32
    %dma_wait3A_324 = tpu.memref_slice %arg6[%dma_wait3A_323] : memref<30720xi32, #tpu.memory_space<vmem>> -> memref<2560xi32, #tpu.memory_space<vmem>>
    %dma_wait3A_325 = tpu.memref_slice %arg4[%dma_wait3A_318, %mul3A_122] : memref<16x81920xi32, #tpu.memory_space<hbm>> -> memref<1x2560xi32, #tpu.memory_space<hbm>>
    %dma_wait3A_326 = tpu.memref_squeeze %dma_wait3A_325 : memref<1x2560xi32, #tpu.memory_space<hbm>> -> memref<2560xi32, #tpu.memory_space<hbm>>
    tpu.wait_dma2 semaphore(%arg11 : memref<!tpu.dma_semaphore, #tpu.memory_space<semaphore_mem>>) src(%dma_wait3A_326 : memref<2560xi32, #tpu.memory_space<hbm>>) dst(%dma_wait3A_324 : memref<2560xi32, #tpu.memory_space<vmem>>)
    %dma_wait3A_327 = arith.constant 6 : i32
    %dma_wait3A_328 = arith.constant 3072 : i32
    %dma_wait3A_329 = tpu.memref_slice %arg6[%dma_wait3A_328] : memref<30720xi32, #tpu.memory_space<vmem>> -> memref<512xi32, #tpu.memory_space<vmem>>
    %dma_wait3A_330 = tpu.memref_slice %arg3[%dma_wait3A_327, %mul3A_133] : memref<16x16384xi32, #tpu.memory_space<hbm>> -> memref<1x512xi32, #tpu.memory_space<hbm>>
    %dma_wait3A_331 = tpu.memref_squeeze %dma_wait3A_330 : memref<1x512xi32, #tpu.memory_space<hbm>> -> memref<512xi32, #tpu.memory_space<hbm>>
    %dma_wait3A_332 = arith.constant 3072 : i32
    %dma_wait3A_333 = tpu.memref_slice %arg6[%dma_wait3A_332] : memref<30720xi32, #tpu.memory_space<vmem>> -> memref<512xi32, #tpu.memory_space<vmem>>
    %dma_wait3A_334 = tpu.memref_slice %arg3[%dma_wait3A_327, %mul3A_133] : memref<16x16384xi32, #tpu.memory_space<hbm>> -> memref<1x512xi32, #tpu.memory_space<hbm>>
    %dma_wait3A_335 = tpu.memref_squeeze %dma_wait3A_334 : memref<1x512xi32, #tpu.memory_space<hbm>> -> memref<512xi32, #tpu.memory_space<hbm>>
    tpu.wait_dma2 semaphore(%arg11 : memref<!tpu.dma_semaphore, #tpu.memory_space<semaphore_mem>>) src(%dma_wait3A_335 : memref<512xi32, #tpu.memory_space<hbm>>) dst(%dma_wait3A_333 : memref<512xi32, #tpu.memory_space<vmem>>)
    %dma_wait3A_336 = arith.constant 6 : i32
    %dma_wait3A_337 = arith.constant 20480 : i32
    %dma_wait3A_338 = tpu.memref_slice %arg6[%dma_wait3A_337] : memref<30720xi32, #tpu.memory_space<vmem>> -> memref<2560xi32, #tpu.memory_space<vmem>>
    %dma_wait3A_339 = tpu.memref_slice %arg4[%dma_wait3A_336, %mul3A_144] : memref<16x81920xi32, #tpu.memory_space<hbm>> -> memref<1x2560xi32, #tpu.memory_space<hbm>>
    %dma_wait3A_340 = tpu.memref_squeeze %dma_wait3A_339 : memref<1x2560xi32, #tpu.memory_space<hbm>> -> memref<2560xi32, #tpu.memory_space<hbm>>
    %dma_wait3A_341 = arith.constant 20480 : i32
    %dma_wait3A_342 = tpu.memref_slice %arg6[%dma_wait3A_341] : memref<30720xi32, #tpu.memory_space<vmem>> -> memref<2560xi32, #tpu.memory_space<vmem>>
    %dma_wait3A_343 = tpu.memref_slice %arg4[%dma_wait3A_336, %mul3A_144] : memref<16x81920xi32, #tpu.memory_space<hbm>> -> memref<1x2560xi32, #tpu.memory_space<hbm>>
    %dma_wait3A_344 = tpu.memref_squeeze %dma_wait3A_343 : memref<1x2560xi32, #tpu.memory_space<hbm>> -> memref<2560xi32, #tpu.memory_space<hbm>>
    tpu.wait_dma2 semaphore(%arg11 : memref<!tpu.dma_semaphore, #tpu.memory_space<semaphore_mem>>) src(%dma_wait3A_344 : memref<2560xi32, #tpu.memory_space<hbm>>) dst(%dma_wait3A_342 : memref<2560xi32, #tpu.memory_space<vmem>>)
    %dma_wait3A_345 = arith.constant 7 : i32
    %dma_wait3A_346 = arith.constant 3584 : i32
    %dma_wait3A_347 = tpu.memref_slice %arg6[%dma_wait3A_346] : memref<30720xi32, #tpu.memory_space<vmem>> -> memref<512xi32, #tpu.memory_space<vmem>>
    %dma_wait3A_348 = tpu.memref_slice %arg3[%dma_wait3A_345, %mul3A_155] : memref<16x16384xi32, #tpu.memory_space<hbm>> -> memref<1x512xi32, #tpu.memory_space<hbm>>
    %dma_wait3A_349 = tpu.memref_squeeze %dma_wait3A_348 : memref<1x512xi32, #tpu.memory_space<hbm>> -> memref<512xi32, #tpu.memory_space<hbm>>
    %dma_wait3A_350 = arith.constant 3584 : i32
    %dma_wait3A_351 = tpu.memref_slice %arg6[%dma_wait3A_350] : memref<30720xi32, #tpu.memory_space<vmem>> -> memref<512xi32, #tpu.memory_space<vmem>>
    %dma_wait3A_352 = tpu.memref_slice %arg3[%dma_wait3A_345, %mul3A_155] : memref<16x16384xi32, #tpu.memory_space<hbm>> -> memref<1x512xi32, #tpu.memory_space<hbm>>
    %dma_wait3A_353 = tpu.memref_squeeze %dma_wait3A_352 : memref<1x512xi32, #tpu.memory_space<hbm>> -> memref<512xi32, #tpu.memory_space<hbm>>
    tpu.wait_dma2 semaphore(%arg11 : memref<!tpu.dma_semaphore, #tpu.memory_space<semaphore_mem>>) src(%dma_wait3A_353 : memref<512xi32, #tpu.memory_space<hbm>>) dst(%dma_wait3A_351 : memref<512xi32, #tpu.memory_space<vmem>>)
    %dma_wait3A_354 = arith.constant 7 : i32
    %dma_wait3A_355 = arith.constant 23040 : i32
    %dma_wait3A_356 = tpu.memref_slice %arg6[%dma_wait3A_355] : memref<30720xi32, #tpu.memory_space<vmem>> -> memref<2560xi32, #tpu.memory_space<vmem>>
    %dma_wait3A_357 = tpu.memref_slice %arg4[%dma_wait3A_354, %mul3A_166] : memref<16x81920xi32, #tpu.memory_space<hbm>> -> memref<1x2560xi32, #tpu.memory_space<hbm>>
    %dma_wait3A_358 = tpu.memref_squeeze %dma_wait3A_357 : memref<1x2560xi32, #tpu.memory_space<hbm>> -> memref<2560xi32, #tpu.memory_space<hbm>>
    %dma_wait3A_359 = arith.constant 23040 : i32
    %dma_wait3A_360 = tpu.memref_slice %arg6[%dma_wait3A_359] : memref<30720xi32, #tpu.memory_space<vmem>> -> memref<2560xi32, #tpu.memory_space<vmem>>
    %dma_wait3A_361 = tpu.memref_slice %arg4[%dma_wait3A_354, %mul3A_166] : memref<16x81920xi32, #tpu.memory_space<hbm>> -> memref<1x2560xi32, #tpu.memory_space<hbm>>
    %dma_wait3A_362 = tpu.memref_squeeze %dma_wait3A_361 : memref<1x2560xi32, #tpu.memory_space<hbm>> -> memref<2560xi32, #tpu.memory_space<hbm>>
    tpu.wait_dma2 semaphore(%arg11 : memref<!tpu.dma_semaphore, #tpu.memory_space<semaphore_mem>>) src(%dma_wait3A_362 : memref<2560xi32, #tpu.memory_space<hbm>>) dst(%dma_wait3A_360 : memref<2560xi32, #tpu.memory_space<vmem>>)
    %dma_wait3A_363 = arith.constant 8 : i32
    %dma_wait3A_364 = arith.constant 4096 : i32
    %dma_wait3A_365 = tpu.memref_slice %arg6[%dma_wait3A_364] : memref<30720xi32, #tpu.memory_space<vmem>> -> memref<512xi32, #tpu.memory_space<vmem>>
    %dma_wait3A_366 = tpu.memref_slice %arg3[%dma_wait3A_363, %mul3A_177] : memref<16x16384xi32, #tpu.memory_space<hbm>> -> memref<1x512xi32, #tpu.memory_space<hbm>>
    %dma_wait3A_367 = tpu.memref_squeeze %dma_wait3A_366 : memref<1x512xi32, #tpu.memory_space<hbm>> -> memref<512xi32, #tpu.memory_space<hbm>>
    %dma_wait3A_368 = arith.constant 4096 : i32
    %dma_wait3A_369 = tpu.memref_slice %arg6[%dma_wait3A_368] : memref<30720xi32, #tpu.memory_space<vmem>> -> memref<512xi32, #tpu.memory_space<vmem>>
    %dma_wait3A_370 = tpu.memref_slice %arg3[%dma_wait3A_363, %mul3A_177] : memref<16x16384xi32, #tpu.memory_space<hbm>> -> memref<1x512xi32, #tpu.memory_space<hbm>>
    %dma_wait3A_371 = tpu.memref_squeeze %dma_wait3A_370 : memref<1x512xi32, #tpu.memory_space<hbm>> -> memref<512xi32, #tpu.memory_space<hbm>>
    tpu.wait_dma2 semaphore(%arg11 : memref<!tpu.dma_semaphore, #tpu.memory_space<semaphore_mem>>) src(%dma_wait3A_371 : memref<512xi32, #tpu.memory_space<hbm>>) dst(%dma_wait3A_369 : memref<512xi32, #tpu.memory_space<vmem>>)
    %dma_wait3A_372 = arith.constant 8 : i32
    %dma_wait3A_373 = arith.constant 25600 : i32
    %dma_wait3A_374 = tpu.memref_slice %arg6[%dma_wait3A_373] : memref<30720xi32, #tpu.memory_space<vmem>> -> memref<2560xi32, #tpu.memory_space<vmem>>
    %dma_wait3A_375 = tpu.memref_slice %arg4[%dma_wait3A_372, %mul3A_188] : memref<16x81920xi32, #tpu.memory_space<hbm>> -> memref<1x2560xi32, #tpu.memory_space<hbm>>
    %dma_wait3A_376 = tpu.memref_squeeze %dma_wait3A_375 : memref<1x2560xi32, #tpu.memory_space<hbm>> -> memref<2560xi32, #tpu.memory_space<hbm>>
    %dma_wait3A_377 = arith.constant 25600 : i32
    %dma_wait3A_378 = tpu.memref_slice %arg6[%dma_wait3A_377] : memref<30720xi32, #tpu.memory_space<vmem>> -> memref<2560xi32, #tpu.memory_space<vmem>>
    %dma_wait3A_379 = tpu.memref_slice %arg4[%dma_wait3A_372, %mul3A_188] : memref<16x81920xi32, #tpu.memory_space<hbm>> -> memref<1x2560xi32, #tpu.memory_space<hbm>>
    %dma_wait3A_380 = tpu.memref_squeeze %dma_wait3A_379 : memref<1x2560xi32, #tpu.memory_space<hbm>> -> memref<2560xi32, #tpu.memory_space<hbm>>
    tpu.wait_dma2 semaphore(%arg11 : memref<!tpu.dma_semaphore, #tpu.memory_space<semaphore_mem>>) src(%dma_wait3A_380 : memref<2560xi32, #tpu.memory_space<hbm>>) dst(%dma_wait3A_378 : memref<2560xi32, #tpu.memory_space<vmem>>)
    %dma_wait3A_381 = arith.constant 9 : i32
    %dma_wait3A_382 = arith.constant 4608 : i32
    %dma_wait3A_383 = tpu.memref_slice %arg6[%dma_wait3A_382] : memref<30720xi32, #tpu.memory_space<vmem>> -> memref<512xi32, #tpu.memory_space<vmem>>
    %dma_wait3A_384 = tpu.memref_slice %arg3[%dma_wait3A_381, %mul3A_199] : memref<16x16384xi32, #tpu.memory_space<hbm>> -> memref<1x512xi32, #tpu.memory_space<hbm>>
    %dma_wait3A_385 = tpu.memref_squeeze %dma_wait3A_384 : memref<1x512xi32, #tpu.memory_space<hbm>> -> memref<512xi32, #tpu.memory_space<hbm>>
    %dma_wait3A_386 = arith.constant 4608 : i32
    %dma_wait3A_387 = tpu.memref_slice %arg6[%dma_wait3A_386] : memref<30720xi32, #tpu.memory_space<vmem>> -> memref<512xi32, #tpu.memory_space<vmem>>
    %dma_wait3A_388 = tpu.memref_slice %arg3[%dma_wait3A_381, %mul3A_199] : memref<16x16384xi32, #tpu.memory_space<hbm>> -> memref<1x512xi32, #tpu.memory_space<hbm>>
    %dma_wait3A_389 = tpu.memref_squeeze %dma_wait3A_388 : memref<1x512xi32, #tpu.memory_space<hbm>> -> memref<512xi32, #tpu.memory_space<hbm>>
    tpu.wait_dma2 semaphore(%arg11 : memref<!tpu.dma_semaphore, #tpu.memory_space<semaphore_mem>>) src(%dma_wait3A_389 : memref<512xi32, #tpu.memory_space<hbm>>) dst(%dma_wait3A_387 : memref<512xi32, #tpu.memory_space<vmem>>)
    %dma_wait3A_390 = arith.constant 9 : i32
    %dma_wait3A_391 = arith.constant 28160 : i32
    %dma_wait3A_392 = tpu.memref_slice %arg6[%dma_wait3A_391] : memref<30720xi32, #tpu.memory_space<vmem>> -> memref<2560xi32, #tpu.memory_space<vmem>>
    %dma_wait3A_393 = tpu.memref_slice %arg4[%dma_wait3A_390, %mul3A_210] : memref<16x81920xi32, #tpu.memory_space<hbm>> -> memref<1x2560xi32, #tpu.memory_space<hbm>>
    %dma_wait3A_394 = tpu.memref_squeeze %dma_wait3A_393 : memref<1x2560xi32, #tpu.memory_space<hbm>> -> memref<2560xi32, #tpu.memory_space<hbm>>
    %dma_wait3A_395 = arith.constant 28160 : i32
    %dma_wait3A_396 = tpu.memref_slice %arg6[%dma_wait3A_395] : memref<30720xi32, #tpu.memory_space<vmem>> -> memref<2560xi32, #tpu.memory_space<vmem>>
    %dma_wait3A_397 = tpu.memref_slice %arg4[%dma_wait3A_390, %mul3A_210] : memref<16x81920xi32, #tpu.memory_space<hbm>> -> memref<1x2560xi32, #tpu.memory_space<hbm>>
    %dma_wait3A_398 = tpu.memref_squeeze %dma_wait3A_397 : memref<1x2560xi32, #tpu.memory_space<hbm>> -> memref<2560xi32, #tpu.memory_space<hbm>>
    tpu.wait_dma2 semaphore(%arg11 : memref<!tpu.dma_semaphore, #tpu.memory_space<semaphore_mem>>) src(%dma_wait3A_398 : memref<2560xi32, #tpu.memory_space<hbm>>) dst(%dma_wait3A_396 : memref<2560xi32, #tpu.memory_space<vmem>>)
    %min3A = arith.constant 0 : i32
    %min3A_399 = arith.constant 7 : i32
    %min3A_400 = arith.minsi %min3A, %min3A_399 : i32
    %max3A = arith.constant -8 : i32
    %max3A_401 = arith.constant 0 : i32
    %max3A_402 = arith.maxsi %max3A, %max3A_401 : i32
    %mul3A_403 = arith.constant 64 : i32
    %mul3A_404 = arith.muli %min3A_400, %mul3A_403 : i32
    %add3A_405 = arith.constant 0 : i32
    %add3A_406 = arith.addi %add3A_405, %mul3A_404 : i32
    %mul3A_407 = arith.constant 64 : i32
    %mul3A_408 = arith.muli %max3A_402, %mul3A_407 : i32
    %add3A_409 = arith.constant 5120 : i32
    %add3A_410 = arith.addi %add3A_409, %mul3A_408 : i32
    %jit3A = arith.constant true
    %select_n3A = arith.select %jit3A, %add3A_406, %add3A_410 : i32
    %dma_start3A_411 = arith.constant 0 : i32
    %dma_start3A_412 = arith.constant 0 : i32
    %dma_start3A_413 = tpu.memref_slice %arg7[%dma_start3A_411, %dma_start3A_412] : memref<640x64xf32, #tpu.memory_space<vmem>> -> memref<64x64xf32, #tpu.memory_space<vmem>>
    %dma_start3A_414 = tpu.memref_slice %arg6[%select_n3A] : memref<30720xi32, #tpu.memory_space<vmem>> -> memref<64xi32, #tpu.memory_space<vmem>>
    %dma_start3A_415 = arith.constant 0 : i32
    %dma_start3A_416 = arith.constant 0 : i32
    %dma_start3A_417 = tpu.memref_slice %arg2[%dma_start3A_415, %dma_start3A_416] : memref<199999x64xf32, #tpu.memory_space<hbm>> -> memref<199999x64xf32, #tpu.memory_space<hbm>>
    tpu.enqueue_indirect_dma source(%dma_start3A_417 : memref<199999x64xf32, #tpu.memory_space<hbm>>) target(%dma_start3A_413 : memref<64x64xf32, #tpu.memory_space<vmem>>) offsets(%dma_start3A_414 : memref<64xi32, #tpu.memory_space<vmem>>) semaphore(%arg11 : memref<!tpu.dma_semaphore, #tpu.memory_space<semaphore_mem>>)
    %mul3A_418 = arith.constant 64 : i32
    %mul3A_419 = arith.muli %min3A_400, %mul3A_418 : i32
    %add3A_420 = arith.constant 512 : i32
    %add3A_421 = arith.addi %add3A_420, %mul3A_419 : i32
    %mul3A_422 = arith.constant 64 : i32
    %mul3A_423 = arith.muli %max3A_402, %mul3A_422 : i32
    %add3A_424 = arith.constant 7680 : i32
    %add3A_425 = arith.addi %add3A_424, %mul3A_423 : i32
    %jit3A_426 = arith.constant true
    %select_n3A_427 = arith.select %jit3A_426, %add3A_421, %add3A_425 : i32
    %dma_start3A_428 = arith.constant 64 : i32
    %dma_start3A_429 = arith.constant 0 : i32
    %dma_start3A_430 = tpu.memref_slice %arg7[%dma_start3A_428, %dma_start3A_429] : memref<640x64xf32, #tpu.memory_space<vmem>> -> memref<64x64xf32, #tpu.memory_space<vmem>>
    %dma_start3A_431 = tpu.memref_slice %arg6[%select_n3A_427] : memref<30720xi32, #tpu.memory_space<vmem>> -> memref<64xi32, #tpu.memory_space<vmem>>
    %dma_start3A_432 = arith.constant 0 : i32
    %dma_start3A_433 = arith.constant 0 : i32
    %dma_start3A_434 = tpu.memref_slice %arg2[%dma_start3A_432, %dma_start3A_433] : memref<199999x64xf32, #tpu.memory_space<hbm>> -> memref<199999x64xf32, #tpu.memory_space<hbm>>
    tpu.enqueue_indirect_dma source(%dma_start3A_434 : memref<199999x64xf32, #tpu.memory_space<hbm>>) target(%dma_start3A_430 : memref<64x64xf32, #tpu.memory_space<vmem>>) offsets(%dma_start3A_431 : memref<64xi32, #tpu.memory_space<vmem>>) semaphore(%arg11 : memref<!tpu.dma_semaphore, #tpu.memory_space<semaphore_mem>>)
    %mul3A_435 = arith.constant 64 : i32
    %mul3A_436 = arith.muli %min3A_400, %mul3A_435 : i32
    %add3A_437 = arith.constant 1024 : i32
    %add3A_438 = arith.addi %add3A_437, %mul3A_436 : i32
    %mul3A_439 = arith.constant 64 : i32
    %mul3A_440 = arith.muli %max3A_402, %mul3A_439 : i32
    %add3A_441 = arith.constant 10240 : i32
    %add3A_442 = arith.addi %add3A_441, %mul3A_440 : i32
    %jit3A_443 = arith.constant true
    %select_n3A_444 = arith.select %jit3A_443, %add3A_438, %add3A_442 : i32
    %dma_start3A_445 = arith.constant 128 : i32
    %dma_start3A_446 = arith.constant 0 : i32
    %dma_start3A_447 = tpu.memref_slice %arg7[%dma_start3A_445, %dma_start3A_446] : memref<640x64xf32, #tpu.memory_space<vmem>> -> memref<64x64xf32, #tpu.memory_space<vmem>>
    %dma_start3A_448 = tpu.memref_slice %arg6[%select_n3A_444] : memref<30720xi32, #tpu.memory_space<vmem>> -> memref<64xi32, #tpu.memory_space<vmem>>
    %dma_start3A_449 = arith.constant 0 : i32
    %dma_start3A_450 = arith.constant 0 : i32
    %dma_start3A_451 = tpu.memref_slice %arg2[%dma_start3A_449, %dma_start3A_450] : memref<199999x64xf32, #tpu.memory_space<hbm>> -> memref<199999x64xf32, #tpu.memory_space<hbm>>
    tpu.enqueue_indirect_dma source(%dma_start3A_451 : memref<199999x64xf32, #tpu.memory_space<hbm>>) target(%dma_start3A_447 : memref<64x64xf32, #tpu.memory_space<vmem>>) offsets(%dma_start3A_448 : memref<64xi32, #tpu.memory_space<vmem>>) semaphore(%arg11 : memref<!tpu.dma_semaphore, #tpu.memory_space<semaphore_mem>>)
    %mul3A_452 = arith.constant 64 : i32
    %mul3A_453 = arith.muli %min3A_400, %mul3A_452 : i32
    %add3A_454 = arith.constant 1536 : i32
    %add3A_455 = arith.addi %add3A_454, %mul3A_453 : i32
    %mul3A_456 = arith.constant 64 : i32
    %mul3A_457 = arith.muli %max3A_402, %mul3A_456 : i32
    %add3A_458 = arith.constant 12800 : i32
    %add3A_459 = arith.addi %add3A_458, %mul3A_457 : i32
    %jit3A_460 = arith.constant true
    %select_n3A_461 = arith.select %jit3A_460, %add3A_455, %add3A_459 : i32
    %dma_start3A_462 = arith.constant 192 : i32
    %dma_start3A_463 = arith.constant 0 : i32
    %dma_start3A_464 = tpu.memref_slice %arg7[%dma_start3A_462, %dma_start3A_463] : memref<640x64xf32, #tpu.memory_space<vmem>> -> memref<64x64xf32, #tpu.memory_space<vmem>>
    %dma_start3A_465 = tpu.memref_slice %arg6[%select_n3A_461] : memref<30720xi32, #tpu.memory_space<vmem>> -> memref<64xi32, #tpu.memory_space<vmem>>
    %dma_start3A_466 = arith.constant 0 : i32
    %dma_start3A_467 = arith.constant 0 : i32
    %dma_start3A_468 = tpu.memref_slice %arg2[%dma_start3A_466, %dma_start3A_467] : memref<199999x64xf32, #tpu.memory_space<hbm>> -> memref<199999x64xf32, #tpu.memory_space<hbm>>
    tpu.enqueue_indirect_dma source(%dma_start3A_468 : memref<199999x64xf32, #tpu.memory_space<hbm>>) target(%dma_start3A_464 : memref<64x64xf32, #tpu.memory_space<vmem>>) offsets(%dma_start3A_465 : memref<64xi32, #tpu.memory_space<vmem>>) semaphore(%arg11 : memref<!tpu.dma_semaphore, #tpu.memory_space<semaphore_mem>>)
    %mul3A_469 = arith.constant 64 : i32
    %mul3A_470 = arith.muli %min3A_400, %mul3A_469 : i32
    %add3A_471 = arith.constant 2048 : i32
    %add3A_472 = arith.addi %add3A_471, %mul3A_470 : i32
    %mul3A_473 = arith.constant 64 : i32
    %mul3A_474 = arith.muli %max3A_402, %mul3A_473 : i32
    %add3A_475 = arith.constant 15360 : i32
    %add3A_476 = arith.addi %add3A_475, %mul3A_474 : i32
    %jit3A_477 = arith.constant true
    %select_n3A_478 = arith.select %jit3A_477, %add3A_472, %add3A_476 : i32
    %dma_start3A_479 = arith.constant 256 : i32
    %dma_start3A_480 = arith.constant 0 : i32
    %dma_start3A_481 = tpu.memref_slice %arg7[%dma_start3A_479, %dma_start3A_480] : memref<640x64xf32, #tpu.memory_space<vmem>> -> memref<64x64xf32, #tpu.memory_space<vmem>>
    %dma_start3A_482 = tpu.memref_slice %arg6[%select_n3A_478] : memref<30720xi32, #tpu.memory_space<vmem>> -> memref<64xi32, #tpu.memory_space<vmem>>
    %dma_start3A_483 = arith.constant 0 : i32
    %dma_start3A_484 = arith.constant 0 : i32
    %dma_start3A_485 = tpu.memref_slice %arg2[%dma_start3A_483, %dma_start3A_484] : memref<199999x64xf32, #tpu.memory_space<hbm>> -> memref<199999x64xf32, #tpu.memory_space<hbm>>
    tpu.enqueue_indirect_dma source(%dma_start3A_485 : memref<199999x64xf32, #tpu.memory_space<hbm>>) target(%dma_start3A_481 : memref<64x64xf32, #tpu.memory_space<vmem>>) offsets(%dma_start3A_482 : memref<64xi32, #tpu.memory_space<vmem>>) semaphore(%arg11 : memref<!tpu.dma_semaphore, #tpu.memory_space<semaphore_mem>>)
    %mul3A_486 = arith.constant 64 : i32
    %mul3A_487 = arith.muli %min3A_400, %mul3A_486 : i32
    %add3A_488 = arith.constant 2560 : i32
    %add3A_489 = arith.addi %add3A_488, %mul3A_487 : i32
    %mul3A_490 = arith.constant 64 : i32
    %mul3A_491 = arith.muli %max3A_402, %mul3A_490 : i32
    %add3A_492 = arith.constant 17920 : i32
    %add3A_493 = arith.addi %add3A_492, %mul3A_491 : i32
    %jit3A_494 = arith.constant true
    %select_n3A_495 = arith.select %jit3A_494, %add3A_489, %add3A_493 : i32
    %dma_start3A_496 = arith.constant 320 : i32
    %dma_start3A_497 = arith.constant 0 : i32
    %dma_start3A_498 = tpu.memref_slice %arg7[%dma_start3A_496, %dma_start3A_497] : memref<640x64xf32, #tpu.memory_space<vmem>> -> memref<64x64xf32, #tpu.memory_space<vmem>>
    %dma_start3A_499 = tpu.memref_slice %arg6[%select_n3A_495] : memref<30720xi32, #tpu.memory_space<vmem>> -> memref<64xi32, #tpu.memory_space<vmem>>
    %dma_start3A_500 = arith.constant 0 : i32
    %dma_start3A_501 = arith.constant 0 : i32
    %dma_start3A_502 = tpu.memref_slice %arg2[%dma_start3A_500, %dma_start3A_501] : memref<199999x64xf32, #tpu.memory_space<hbm>> -> memref<199999x64xf32, #tpu.memory_space<hbm>>
    tpu.enqueue_indirect_dma source(%dma_start3A_502 : memref<199999x64xf32, #tpu.memory_space<hbm>>) target(%dma_start3A_498 : memref<64x64xf32, #tpu.memory_space<vmem>>) offsets(%dma_start3A_499 : memref<64xi32, #tpu.memory_space<vmem>>) semaphore(%arg11 : memref<!tpu.dma_semaphore, #tpu.memory_space<semaphore_mem>>)
    %mul3A_503 = arith.constant 64 : i32
    %mul3A_504 = arith.muli %min3A_400, %mul3A_503 : i32
    %add3A_505 = arith.constant 3072 : i32
    %add3A_506 = arith.addi %add3A_505, %mul3A_504 : i32
    %mul3A_507 = arith.constant 64 : i32
    %mul3A_508 = arith.muli %max3A_402, %mul3A_507 : i32
    %add3A_509 = arith.constant 20480 : i32
    %add3A_510 = arith.addi %add3A_509, %mul3A_508 : i32
    %jit3A_511 = arith.constant true
    %select_n3A_512 = arith.select %jit3A_511, %add3A_506, %add3A_510 : i32
    %dma_start3A_513 = arith.constant 384 : i32
    %dma_start3A_514 = arith.constant 0 : i32
    %dma_start3A_515 = tpu.memref_slice %arg7[%dma_start3A_513, %dma_start3A_514] : memref<640x64xf32, #tpu.memory_space<vmem>> -> memref<64x64xf32, #tpu.memory_space<vmem>>
    %dma_start3A_516 = tpu.memref_slice %arg6[%select_n3A_512] : memref<30720xi32, #tpu.memory_space<vmem>> -> memref<64xi32, #tpu.memory_space<vmem>>
    %dma_start3A_517 = arith.constant 0 : i32
    %dma_start3A_518 = arith.constant 0 : i32
    %dma_start3A_519 = tpu.memref_slice %arg2[%dma_start3A_517, %dma_start3A_518] : memref<199999x64xf32, #tpu.memory_space<hbm>> -> memref<199999x64xf32, #tpu.memory_space<hbm>>
    tpu.enqueue_indirect_dma source(%dma_start3A_519 : memref<199999x64xf32, #tpu.memory_space<hbm>>) target(%dma_start3A_515 : memref<64x64xf32, #tpu.memory_space<vmem>>) offsets(%dma_start3A_516 : memref<64xi32, #tpu.memory_space<vmem>>) semaphore(%arg11 : memref<!tpu.dma_semaphore, #tpu.memory_space<semaphore_mem>>)
    %mul3A_520 = arith.constant 64 : i32
    %mul3A_521 = arith.muli %min3A_400, %mul3A_520 : i32
    %add3A_522 = arith.constant 3584 : i32
    %add3A_523 = arith.addi %add3A_522, %mul3A_521 : i32
    %mul3A_524 = arith.constant 64 : i32
    %mul3A_525 = arith.muli %max3A_402, %mul3A_524 : i32
    %add3A_526 = arith.constant 23040 : i32
    %add3A_527 = arith.addi %add3A_526, %mul3A_525 : i32
    %jit3A_528 = arith.constant true
    %select_n3A_529 = arith.select %jit3A_528, %add3A_523, %add3A_527 : i32
    %dma_start3A_530 = arith.constant 448 : i32
    %dma_start3A_531 = arith.constant 0 : i32
    %dma_start3A_532 = tpu.memref_slice %arg7[%dma_start3A_530, %dma_start3A_531] : memref<640x64xf32, #tpu.memory_space<vmem>> -> memref<64x64xf32, #tpu.memory_space<vmem>>
    %dma_start3A_533 = tpu.memref_slice %arg6[%select_n3A_529] : memref<30720xi32, #tpu.memory_space<vmem>> -> memref<64xi32, #tpu.memory_space<vmem>>
    %dma_start3A_534 = arith.constant 0 : i32
    %dma_start3A_535 = arith.constant 0 : i32
    %dma_start3A_536 = tpu.memref_slice %arg2[%dma_start3A_534, %dma_start3A_535] : memref<199999x64xf32, #tpu.memory_space<hbm>> -> memref<199999x64xf32, #tpu.memory_space<hbm>>
    tpu.enqueue_indirect_dma source(%dma_start3A_536 : memref<199999x64xf32, #tpu.memory_space<hbm>>) target(%dma_start3A_532 : memref<64x64xf32, #tpu.memory_space<vmem>>) offsets(%dma_start3A_533 : memref<64xi32, #tpu.memory_space<vmem>>) semaphore(%arg11 : memref<!tpu.dma_semaphore, #tpu.memory_space<semaphore_mem>>)
    %mul3A_537 = arith.constant 64 : i32
    %mul3A_538 = arith.muli %min3A_400, %mul3A_537 : i32
    %add3A_539 = arith.constant 4096 : i32
    %add3A_540 = arith.addi %add3A_539, %mul3A_538 : i32
    %mul3A_541 = arith.constant 64 : i32
    %mul3A_542 = arith.muli %max3A_402, %mul3A_541 : i32
    %add3A_543 = arith.constant 25600 : i32
    %add3A_544 = arith.addi %add3A_543, %mul3A_542 : i32
    %jit3A_545 = arith.constant true
    %select_n3A_546 = arith.select %jit3A_545, %add3A_540, %add3A_544 : i32
    %dma_start3A_547 = arith.constant 512 : i32
    %dma_start3A_548 = arith.constant 0 : i32
    %dma_start3A_549 = tpu.memref_slice %arg7[%dma_start3A_547, %dma_start3A_548] : memref<640x64xf32, #tpu.memory_space<vmem>> -> memref<64x64xf32, #tpu.memory_space<vmem>>
    %dma_start3A_550 = tpu.memref_slice %arg6[%select_n3A_546] : memref<30720xi32, #tpu.memory_space<vmem>> -> memref<64xi32, #tpu.memory_space<vmem>>
    %dma_start3A_551 = arith.constant 0 : i32
    %dma_start3A_552 = arith.constant 0 : i32
    %dma_start3A_553 = tpu.memref_slice %arg2[%dma_start3A_551, %dma_start3A_552] : memref<199999x64xf32, #tpu.memory_space<hbm>> -> memref<199999x64xf32, #tpu.memory_space<hbm>>
    tpu.enqueue_indirect_dma source(%dma_start3A_553 : memref<199999x64xf32, #tpu.memory_space<hbm>>) target(%dma_start3A_549 : memref<64x64xf32, #tpu.memory_space<vmem>>) offsets(%dma_start3A_550 : memref<64xi32, #tpu.memory_space<vmem>>) semaphore(%arg11 : memref<!tpu.dma_semaphore, #tpu.memory_space<semaphore_mem>>)
    %mul3A_554 = arith.constant 64 : i32
    %mul3A_555 = arith.muli %min3A_400, %mul3A_554 : i32
    %add3A_556 = arith.constant 4608 : i32
    %add3A_557 = arith.addi %add3A_556, %mul3A_555 : i32
    %mul3A_558 = arith.constant 64 : i32
    %mul3A_559 = arith.muli %max3A_402, %mul3A_558 : i32
    %add3A_560 = arith.constant 28160 : i32
    %add3A_561 = arith.addi %add3A_560, %mul3A_559 : i32
    %jit3A_562 = arith.constant true
    %select_n3A_563 = arith.select %jit3A_562, %add3A_557, %add3A_561 : i32
    %dma_start3A_564 = arith.constant 576 : i32
    %dma_start3A_565 = arith.constant 0 : i32
    %dma_start3A_566 = tpu.memref_slice %arg7[%dma_start3A_564, %dma_start3A_565] : memref<640x64xf32, #tpu.memory_space<vmem>> -> memref<64x64xf32, #tpu.memory_space<vmem>>
    %dma_start3A_567 = tpu.memref_slice %arg6[%select_n3A_563] : memref<30720xi32, #tpu.memory_space<vmem>> -> memref<64xi32, #tpu.memory_space<vmem>>
    %dma_start3A_568 = arith.constant 0 : i32
    %dma_start3A_569 = arith.constant 0 : i32
    %dma_start3A_570 = tpu.memref_slice %arg2[%dma_start3A_568, %dma_start3A_569] : memref<199999x64xf32, #tpu.memory_space<hbm>> -> memref<199999x64xf32, #tpu.memory_space<hbm>>
    tpu.enqueue_indirect_dma source(%dma_start3A_570 : memref<199999x64xf32, #tpu.memory_space<hbm>>) target(%dma_start3A_566 : memref<64x64xf32, #tpu.memory_space<vmem>>) offsets(%dma_start3A_567 : memref<64xi32, #tpu.memory_space<vmem>>) semaphore(%arg11 : memref<!tpu.dma_semaphore, #tpu.memory_space<semaphore_mem>>)
    %scan3A = arith.constant 0 : i32
    %scan3A_571 = arith.constant 0 : i32
    %scan3A_572 = arith.constant 24 : i32
    %scan3A_573 = arith.addi %scan3A_571, %scan3A_572 : i32
    %scan3A_574 = arith.constant 1 : i32
    scf.for %scan3A_584 = %scan3A_571 to %scan3A_573 step %scan3A_574  : i32 {
      %mul3A_585 = arith.constant 2 : i32
      %mul3A_586 = arith.muli %scan3A_584, %mul3A_585 : i32
      %add3A_587 = arith.constant 0 : i32
      %add3A_588 = arith.addi %mul3A_586, %add3A_587 : i32
      %add3A_589 = arith.constant 1 : i32
      %add3A_590 = arith.addi %add3A_588, %add3A_589 : i32
      %lt3A = arith.constant 48 : i32
      %lt3A_591 = arith.cmpi slt, %add3A_590, %lt3A : i32
      %convert_element_type3A = arith.extui %lt3A_591 : i1 to i32
      %cond3A = arith.constant 0 : i32
      %cond3A_592 = arith.cmpi ne, %convert_element_type3A, %cond3A : i32
      scf.if %cond3A_592 {
        %min3A_678 = arith.constant 7 : i32
        %min3A_679 = arith.minsi %add3A_590, %min3A_678 : i32
        %sub3A_680 = arith.constant 8 : i32
        %sub3A_681 = arith.subi %add3A_590, %sub3A_680 : i32
        %max3A_682 = arith.constant 0 : i32
        %max3A_683 = arith.maxsi %sub3A_681, %max3A_682 : i32
        %lt3A_684 = arith.constant 8 : i32
        %lt3A_685 = arith.cmpi slt, %add3A_590, %lt3A_684 : i32
        %mul3A_686 = arith.constant 64 : i32
        %mul3A_687 = arith.muli %min3A_679, %mul3A_686 : i32
        %add3A_688 = arith.constant 0 : i32
        %add3A_689 = arith.addi %add3A_688, %mul3A_687 : i32
        %mul3A_690 = arith.constant 64 : i32
        %mul3A_691 = arith.muli %max3A_683, %mul3A_690 : i32
        %add3A_692 = arith.constant 5120 : i32
        %add3A_693 = arith.addi %add3A_692, %mul3A_691 : i32
        %select_n3A_694 = arith.select %lt3A_685, %add3A_689, %add3A_693 : i32
        %dma_start3A_695 = arith.constant 0 : i32
        %dma_start3A_696 = arith.constant 0 : i32
        %dma_start3A_697 = tpu.memref_slice %arg8[%dma_start3A_695, %dma_start3A_696] : memref<640x64xf32, #tpu.memory_space<vmem>> -> memref<64x64xf32, #tpu.memory_space<vmem>>
        %dma_start3A_698 = tpu.memref_slice %arg6[%select_n3A_694] : memref<30720xi32, #tpu.memory_space<vmem>> -> memref<64xi32, #tpu.memory_space<vmem>>
        %dma_start3A_699 = arith.constant 0 : i32
        %dma_start3A_700 = arith.constant 0 : i32
        %dma_start3A_701 = tpu.memref_slice %arg2[%dma_start3A_699, %dma_start3A_700] : memref<199999x64xf32, #tpu.memory_space<hbm>> -> memref<199999x64xf32, #tpu.memory_space<hbm>>
        tpu.enqueue_indirect_dma source(%dma_start3A_701 : memref<199999x64xf32, #tpu.memory_space<hbm>>) target(%dma_start3A_697 : memref<64x64xf32, #tpu.memory_space<vmem>>) offsets(%dma_start3A_698 : memref<64xi32, #tpu.memory_space<vmem>>) semaphore(%arg12 : memref<!tpu.dma_semaphore, #tpu.memory_space<semaphore_mem>>)
        %mul3A_702 = arith.constant 64 : i32
        %mul3A_703 = arith.muli %min3A_679, %mul3A_702 : i32
        %add3A_704 = arith.constant 512 : i32
        %add3A_705 = arith.addi %add3A_704, %mul3A_703 : i32
        %mul3A_706 = arith.constant 64 : i32
        %mul3A_707 = arith.muli %max3A_683, %mul3A_706 : i32
        %add3A_708 = arith.constant 7680 : i32
        %add3A_709 = arith.addi %add3A_708, %mul3A_707 : i32
        %select_n3A_710 = arith.select %lt3A_685, %add3A_705, %add3A_709 : i32
        %dma_start3A_711 = arith.constant 64 : i32
        %dma_start3A_712 = arith.constant 0 : i32
        %dma_start3A_713 = tpu.memref_slice %arg8[%dma_start3A_711, %dma_start3A_712] : memref<640x64xf32, #tpu.memory_space<vmem>> -> memref<64x64xf32, #tpu.memory_space<vmem>>
        %dma_start3A_714 = tpu.memref_slice %arg6[%select_n3A_710] : memref<30720xi32, #tpu.memory_space<vmem>> -> memref<64xi32, #tpu.memory_space<vmem>>
        %dma_start3A_715 = arith.constant 0 : i32
        %dma_start3A_716 = arith.constant 0 : i32
        %dma_start3A_717 = tpu.memref_slice %arg2[%dma_start3A_715, %dma_start3A_716] : memref<199999x64xf32, #tpu.memory_space<hbm>> -> memref<199999x64xf32, #tpu.memory_space<hbm>>
        tpu.enqueue_indirect_dma source(%dma_start3A_717 : memref<199999x64xf32, #tpu.memory_space<hbm>>) target(%dma_start3A_713 : memref<64x64xf32, #tpu.memory_space<vmem>>) offsets(%dma_start3A_714 : memref<64xi32, #tpu.memory_space<vmem>>) semaphore(%arg12 : memref<!tpu.dma_semaphore, #tpu.memory_space<semaphore_mem>>)
        %mul3A_718 = arith.constant 64 : i32
        %mul3A_719 = arith.muli %min3A_679, %mul3A_718 : i32
        %add3A_720 = arith.constant 1024 : i32
        %add3A_721 = arith.addi %add3A_720, %mul3A_719 : i32
        %mul3A_722 = arith.constant 64 : i32
        %mul3A_723 = arith.muli %max3A_683, %mul3A_722 : i32
        %add3A_724 = arith.constant 10240 : i32
        %add3A_725 = arith.addi %add3A_724, %mul3A_723 : i32
        %select_n3A_726 = arith.select %lt3A_685, %add3A_721, %add3A_725 : i32
        %dma_start3A_727 = arith.constant 128 : i32
        %dma_start3A_728 = arith.constant 0 : i32
        %dma_start3A_729 = tpu.memref_slice %arg8[%dma_start3A_727, %dma_start3A_728] : memref<640x64xf32, #tpu.memory_space<vmem>> -> memref<64x64xf32, #tpu.memory_space<vmem>>
        %dma_start3A_730 = tpu.memref_slice %arg6[%select_n3A_726] : memref<30720xi32, #tpu.memory_space<vmem>> -> memref<64xi32, #tpu.memory_space<vmem>>
        %dma_start3A_731 = arith.constant 0 : i32
        %dma_start3A_732 = arith.constant 0 : i32
        %dma_start3A_733 = tpu.memref_slice %arg2[%dma_start3A_731, %dma_start3A_732] : memref<199999x64xf32, #tpu.memory_space<hbm>> -> memref<199999x64xf32, #tpu.memory_space<hbm>>
        tpu.enqueue_indirect_dma source(%dma_start3A_733 : memref<199999x64xf32, #tpu.memory_space<hbm>>) target(%dma_start3A_729 : memref<64x64xf32, #tpu.memory_space<vmem>>) offsets(%dma_start3A_730 : memref<64xi32, #tpu.memory_space<vmem>>) semaphore(%arg12 : memref<!tpu.dma_semaphore, #tpu.memory_space<semaphore_mem>>)
        %mul3A_734 = arith.constant 64 : i32
        %mul3A_735 = arith.muli %min3A_679, %mul3A_734 : i32
        %add3A_736 = arith.constant 1536 : i32
        %add3A_737 = arith.addi %add3A_736, %mul3A_735 : i32
        %mul3A_738 = arith.constant 64 : i32
        %mul3A_739 = arith.muli %max3A_683, %mul3A_738 : i32
        %add3A_740 = arith.constant 12800 : i32
        %add3A_741 = arith.addi %add3A_740, %mul3A_739 : i32
        %select_n3A_742 = arith.select %lt3A_685, %add3A_737, %add3A_741 : i32
        %dma_start3A_743 = arith.constant 192 : i32
        %dma_start3A_744 = arith.constant 0 : i32
        %dma_start3A_745 = tpu.memref_slice %arg8[%dma_start3A_743, %dma_start3A_744] : memref<640x64xf32, #tpu.memory_space<vmem>> -> memref<64x64xf32, #tpu.memory_space<vmem>>
        %dma_start3A_746 = tpu.memref_slice %arg6[%select_n3A_742] : memref<30720xi32, #tpu.memory_space<vmem>> -> memref<64xi32, #tpu.memory_space<vmem>>
        %dma_start3A_747 = arith.constant 0 : i32
        %dma_start3A_748 = arith.constant 0 : i32
        %dma_start3A_749 = tpu.memref_slice %arg2[%dma_start3A_747, %dma_start3A_748] : memref<199999x64xf32, #tpu.memory_space<hbm>> -> memref<199999x64xf32, #tpu.memory_space<hbm>>
        tpu.enqueue_indirect_dma source(%dma_start3A_749 : memref<199999x64xf32, #tpu.memory_space<hbm>>) target(%dma_start3A_745 : memref<64x64xf32, #tpu.memory_space<vmem>>) offsets(%dma_start3A_746 : memref<64xi32, #tpu.memory_space<vmem>>) semaphore(%arg12 : memref<!tpu.dma_semaphore, #tpu.memory_space<semaphore_mem>>)
        %mul3A_750 = arith.constant 64 : i32
        %mul3A_751 = arith.muli %min3A_679, %mul3A_750 : i32
        %add3A_752 = arith.constant 2048 : i32
        %add3A_753 = arith.addi %add3A_752, %mul3A_751 : i32
        %mul3A_754 = arith.constant 64 : i32
        %mul3A_755 = arith.muli %max3A_683, %mul3A_754 : i32
        %add3A_756 = arith.constant 15360 : i32
        %add3A_757 = arith.addi %add3A_756, %mul3A_755 : i32
        %select_n3A_758 = arith.select %lt3A_685, %add3A_753, %add3A_757 : i32
        %dma_start3A_759 = arith.constant 256 : i32
        %dma_start3A_760 = arith.constant 0 : i32
        %dma_start3A_761 = tpu.memref_slice %arg8[%dma_start3A_759, %dma_start3A_760] : memref<640x64xf32, #tpu.memory_space<vmem>> -> memref<64x64xf32, #tpu.memory_space<vmem>>
        %dma_start3A_762 = tpu.memref_slice %arg6[%select_n3A_758] : memref<30720xi32, #tpu.memory_space<vmem>> -> memref<64xi32, #tpu.memory_space<vmem>>
        %dma_start3A_763 = arith.constant 0 : i32
        %dma_start3A_764 = arith.constant 0 : i32
        %dma_start3A_765 = tpu.memref_slice %arg2[%dma_start3A_763, %dma_start3A_764] : memref<199999x64xf32, #tpu.memory_space<hbm>> -> memref<199999x64xf32, #tpu.memory_space<hbm>>
        tpu.enqueue_indirect_dma source(%dma_start3A_765 : memref<199999x64xf32, #tpu.memory_space<hbm>>) target(%dma_start3A_761 : memref<64x64xf32, #tpu.memory_space<vmem>>) offsets(%dma_start3A_762 : memref<64xi32, #tpu.memory_space<vmem>>) semaphore(%arg12 : memref<!tpu.dma_semaphore, #tpu.memory_space<semaphore_mem>>)
        %mul3A_766 = arith.constant 64 : i32
        %mul3A_767 = arith.muli %min3A_679, %mul3A_766 : i32
        %add3A_768 = arith.constant 2560 : i32
        %add3A_769 = arith.addi %add3A_768, %mul3A_767 : i32
        %mul3A_770 = arith.constant 64 : i32
        %mul3A_771 = arith.muli %max3A_683, %mul3A_770 : i32
        %add3A_772 = arith.constant 17920 : i32
        %add3A_773 = arith.addi %add3A_772, %mul3A_771 : i32
        %select_n3A_774 = arith.select %lt3A_685, %add3A_769, %add3A_773 : i32
        %dma_start3A_775 = arith.constant 320 : i32
        %dma_start3A_776 = arith.constant 0 : i32
        %dma_start3A_777 = tpu.memref_slice %arg8[%dma_start3A_775, %dma_start3A_776] : memref<640x64xf32, #tpu.memory_space<vmem>> -> memref<64x64xf32, #tpu.memory_space<vmem>>
        %dma_start3A_778 = tpu.memref_slice %arg6[%select_n3A_774] : memref<30720xi32, #tpu.memory_space<vmem>> -> memref<64xi32, #tpu.memory_space<vmem>>
        %dma_start3A_779 = arith.constant 0 : i32
        %dma_start3A_780 = arith.constant 0 : i32
        %dma_start3A_781 = tpu.memref_slice %arg2[%dma_start3A_779, %dma_start3A_780] : memref<199999x64xf32, #tpu.memory_space<hbm>> -> memref<199999x64xf32, #tpu.memory_space<hbm>>
        tpu.enqueue_indirect_dma source(%dma_start3A_781 : memref<199999x64xf32, #tpu.memory_space<hbm>>) target(%dma_start3A_777 : memref<64x64xf32, #tpu.memory_space<vmem>>) offsets(%dma_start3A_778 : memref<64xi32, #tpu.memory_space<vmem>>) semaphore(%arg12 : memref<!tpu.dma_semaphore, #tpu.memory_space<semaphore_mem>>)
        %mul3A_782 = arith.constant 64 : i32
        %mul3A_783 = arith.muli %min3A_679, %mul3A_782 : i32
        %add3A_784 = arith.constant 3072 : i32
        %add3A_785 = arith.addi %add3A_784, %mul3A_783 : i32
        %mul3A_786 = arith.constant 64 : i32
        %mul3A_787 = arith.muli %max3A_683, %mul3A_786 : i32
        %add3A_788 = arith.constant 20480 : i32
        %add3A_789 = arith.addi %add3A_788, %mul3A_787 : i32
        %select_n3A_790 = arith.select %lt3A_685, %add3A_785, %add3A_789 : i32
        %dma_start3A_791 = arith.constant 384 : i32
        %dma_start3A_792 = arith.constant 0 : i32
        %dma_start3A_793 = tpu.memref_slice %arg8[%dma_start3A_791, %dma_start3A_792] : memref<640x64xf32, #tpu.memory_space<vmem>> -> memref<64x64xf32, #tpu.memory_space<vmem>>
        %dma_start3A_794 = tpu.memref_slice %arg6[%select_n3A_790] : memref<30720xi32, #tpu.memory_space<vmem>> -> memref<64xi32, #tpu.memory_space<vmem>>
        %dma_start3A_795 = arith.constant 0 : i32
        %dma_start3A_796 = arith.constant 0 : i32
        %dma_start3A_797 = tpu.memref_slice %arg2[%dma_start3A_795, %dma_start3A_796] : memref<199999x64xf32, #tpu.memory_space<hbm>> -> memref<199999x64xf32, #tpu.memory_space<hbm>>
        tpu.enqueue_indirect_dma source(%dma_start3A_797 : memref<199999x64xf32, #tpu.memory_space<hbm>>) target(%dma_start3A_793 : memref<64x64xf32, #tpu.memory_space<vmem>>) offsets(%dma_start3A_794 : memref<64xi32, #tpu.memory_space<vmem>>) semaphore(%arg12 : memref<!tpu.dma_semaphore, #tpu.memory_space<semaphore_mem>>)
        %mul3A_798 = arith.constant 64 : i32
        %mul3A_799 = arith.muli %min3A_679, %mul3A_798 : i32
        %add3A_800 = arith.constant 3584 : i32
        %add3A_801 = arith.addi %add3A_800, %mul3A_799 : i32
        %mul3A_802 = arith.constant 64 : i32
        %mul3A_803 = arith.muli %max3A_683, %mul3A_802 : i32
        %add3A_804 = arith.constant 23040 : i32
        %add3A_805 = arith.addi %add3A_804, %mul3A_803 : i32
        %select_n3A_806 = arith.select %lt3A_685, %add3A_801, %add3A_805 : i32
        %dma_start3A_807 = arith.constant 448 : i32
        %dma_start3A_808 = arith.constant 0 : i32
        %dma_start3A_809 = tpu.memref_slice %arg8[%dma_start3A_807, %dma_start3A_808] : memref<640x64xf32, #tpu.memory_space<vmem>> -> memref<64x64xf32, #tpu.memory_space<vmem>>
        %dma_start3A_810 = tpu.memref_slice %arg6[%select_n3A_806] : memref<30720xi32, #tpu.memory_space<vmem>> -> memref<64xi32, #tpu.memory_space<vmem>>
        %dma_start3A_811 = arith.constant 0 : i32
        %dma_start3A_812 = arith.constant 0 : i32
        %dma_start3A_813 = tpu.memref_slice %arg2[%dma_start3A_811, %dma_start3A_812] : memref<199999x64xf32, #tpu.memory_space<hbm>> -> memref<199999x64xf32, #tpu.memory_space<hbm>>
        tpu.enqueue_indirect_dma source(%dma_start3A_813 : memref<199999x64xf32, #tpu.memory_space<hbm>>) target(%dma_start3A_809 : memref<64x64xf32, #tpu.memory_space<vmem>>) offsets(%dma_start3A_810 : memref<64xi32, #tpu.memory_space<vmem>>) semaphore(%arg12 : memref<!tpu.dma_semaphore, #tpu.memory_space<semaphore_mem>>)
        %mul3A_814 = arith.constant 64 : i32
        %mul3A_815 = arith.muli %min3A_679, %mul3A_814 : i32
        %add3A_816 = arith.constant 4096 : i32
        %add3A_817 = arith.addi %add3A_816, %mul3A_815 : i32
        %mul3A_818 = arith.constant 64 : i32
        %mul3A_819 = arith.muli %max3A_683, %mul3A_818 : i32
        %add3A_820 = arith.constant 25600 : i32
        %add3A_821 = arith.addi %add3A_820, %mul3A_819 : i32
        %select_n3A_822 = arith.select %lt3A_685, %add3A_817, %add3A_821 : i32
        %dma_start3A_823 = arith.constant 512 : i32
        %dma_start3A_824 = arith.constant 0 : i32
        %dma_start3A_825 = tpu.memref_slice %arg8[%dma_start3A_823, %dma_start3A_824] : memref<640x64xf32, #tpu.memory_space<vmem>> -> memref<64x64xf32, #tpu.memory_space<vmem>>
        %dma_start3A_826 = tpu.memref_slice %arg6[%select_n3A_822] : memref<30720xi32, #tpu.memory_space<vmem>> -> memref<64xi32, #tpu.memory_space<vmem>>
        %dma_start3A_827 = arith.constant 0 : i32
        %dma_start3A_828 = arith.constant 0 : i32
        %dma_start3A_829 = tpu.memref_slice %arg2[%dma_start3A_827, %dma_start3A_828] : memref<199999x64xf32, #tpu.memory_space<hbm>> -> memref<199999x64xf32, #tpu.memory_space<hbm>>
        tpu.enqueue_indirect_dma source(%dma_start3A_829 : memref<199999x64xf32, #tpu.memory_space<hbm>>) target(%dma_start3A_825 : memref<64x64xf32, #tpu.memory_space<vmem>>) offsets(%dma_start3A_826 : memref<64xi32, #tpu.memory_space<vmem>>) semaphore(%arg12 : memref<!tpu.dma_semaphore, #tpu.memory_space<semaphore_mem>>)
        %mul3A_830 = arith.constant 64 : i32
        %mul3A_831 = arith.muli %min3A_679, %mul3A_830 : i32
        %add3A_832 = arith.constant 4608 : i32
        %add3A_833 = arith.addi %add3A_832, %mul3A_831 : i32
        %mul3A_834 = arith.constant 64 : i32
        %mul3A_835 = arith.muli %max3A_683, %mul3A_834 : i32
        %add3A_836 = arith.constant 28160 : i32
        %add3A_837 = arith.addi %add3A_836, %mul3A_835 : i32
        %select_n3A_838 = arith.select %lt3A_685, %add3A_833, %add3A_837 : i32
        %dma_start3A_839 = arith.constant 576 : i32
        %dma_start3A_840 = arith.constant 0 : i32
        %dma_start3A_841 = tpu.memref_slice %arg8[%dma_start3A_839, %dma_start3A_840] : memref<640x64xf32, #tpu.memory_space<vmem>> -> memref<64x64xf32, #tpu.memory_space<vmem>>
        %dma_start3A_842 = tpu.memref_slice %arg6[%select_n3A_838] : memref<30720xi32, #tpu.memory_space<vmem>> -> memref<64xi32, #tpu.memory_space<vmem>>
        %dma_start3A_843 = arith.constant 0 : i32
        %dma_start3A_844 = arith.constant 0 : i32
        %dma_start3A_845 = tpu.memref_slice %arg2[%dma_start3A_843, %dma_start3A_844] : memref<199999x64xf32, #tpu.memory_space<hbm>> -> memref<199999x64xf32, #tpu.memory_space<hbm>>
        tpu.enqueue_indirect_dma source(%dma_start3A_845 : memref<199999x64xf32, #tpu.memory_space<hbm>>) target(%dma_start3A_841 : memref<64x64xf32, #tpu.memory_space<vmem>>) offsets(%dma_start3A_842 : memref<64xi32, #tpu.memory_space<vmem>>) semaphore(%arg12 : memref<!tpu.dma_semaphore, #tpu.memory_space<semaphore_mem>>)
      } else {
      }
      %dma_wait3A_593 = arith.constant 0 : i32
      %dma_wait3A_594 = arith.constant 0 : i32
      %dma_wait3A_595 = tpu.memref_slice %arg2[%dma_wait3A_593, %dma_wait3A_594] : memref<199999x64xf32, #tpu.memory_space<hbm>> -> memref<640x64xf32, #tpu.memory_space<hbm>>
      %dma_wait3A_596 = arith.constant 0 : i32
      %dma_wait3A_597 = arith.constant 0 : i32
      %dma_wait3A_598 = tpu.memref_slice %arg2[%dma_wait3A_596, %dma_wait3A_597] : memref<199999x64xf32, #tpu.memory_space<hbm>> -> memref<640x64xf32, #tpu.memory_space<hbm>>
      tpu.wait_dma2 semaphore(%arg11 : memref<!tpu.dma_semaphore, #tpu.memory_space<semaphore_mem>>) src(%dma_wait3A_598 : memref<640x64xf32, #tpu.memory_space<hbm>>) dst(%arg7 : memref<640x64xf32, #tpu.memory_space<vmem>>)
      %ge3A = arith.constant 2 : i32
      %ge3A_599 = arith.cmpi sge, %add3A_588, %ge3A : i32
      %convert_element_type3A_600 = arith.extui %ge3A_599 : i1 to i32
      %cond3A_601 = arith.constant 0 : i32
      %cond3A_602 = arith.cmpi ne, %convert_element_type3A_600, %cond3A_601 : i32
      scf.if %cond3A_602 {
        %dma_wait3A_678 = arith.constant 0 : i32
        %dma_wait3A_679 = tpu.memref_slice %arg5[%dma_wait3A_678] : memref<6291456xf32, #tpu.memory_space<hbm>> -> memref<4096xf32, #tpu.memory_space<hbm>>
        %dma_wait3A_680 = arith.constant 0 : i32
        %dma_wait3A_681 = tpu.memref_slice %arg5[%dma_wait3A_680] : memref<6291456xf32, #tpu.memory_space<hbm>> -> memref<4096xf32, #tpu.memory_space<hbm>>
        tpu.wait_dma2 semaphore(%arg13 : memref<!tpu.dma_semaphore, #tpu.memory_space<semaphore_mem>>) src(%arg9 : memref<4096xf32, #tpu.memory_space<vmem>>) dst(%dma_wait3A_681 : memref<4096xf32, #tpu.memory_space<hbm>>)
      } else {
      }
      %scan3A_603 = arith.constant 0 : i32
      %scan3A_604 = arith.constant 0 : i32
      %scan3A_605 = arith.constant 64 : i32
      %scan3A_606 = arith.addi %scan3A_604, %scan3A_605 : i32
      %scan3A_607 = arith.constant 1 : i32
      scf.for %scan3A_678 = %scan3A_604 to %scan3A_606 step %scan3A_607  : i32 {
        %get3A = arith.index_cast %scan3A_678 : i32 to index
        %get3A_679 = arith.constant 0 : index
        %get3A_680 = tpu.vector_load %arg7[%get3A, %get3A_679] {strides = array<i32>} : memref<640x64xf32, #tpu.memory_space<vmem>>, vector<1x16xf32>,
        %get3A_681 = vector.shape_cast %get3A_680 : vector<1x16xf32> to vector<16xf32>
        %add3A_682 = arith.constant 64 : i32
        %add3A_683 = arith.addi %add3A_682, %scan3A_678 : i32
        %get3A_684 = arith.index_cast %add3A_683 : i32 to index
        %get3A_685 = arith.constant 0 : index
        %get3A_686 = tpu.vector_load %arg7[%get3A_684, %get3A_685] {strides = array<i32>} : memref<640x64xf32, #tpu.memory_space<vmem>>, vector<1x16xf32>,
        %get3A_687 = vector.shape_cast %get3A_686 : vector<1x16xf32> to vector<16xf32>
        %add3A_688 = arith.addf %get3A_681, %get3A_687 : vector<16xf32>
        %add3A_689 = arith.constant 128 : i32
        %add3A_690 = arith.addi %add3A_689, %scan3A_678 : i32
        %get3A_691 = arith.index_cast %add3A_690 : i32 to index
        %get3A_692 = arith.constant 0 : index
        %get3A_693 = tpu.vector_load %arg7[%get3A_691, %get3A_692] {strides = array<i32>} : memref<640x64xf32, #tpu.memory_space<vmem>>, vector<1x16xf32>,
        %get3A_694 = vector.shape_cast %get3A_693 : vector<1x16xf32> to vector<16xf32>
        %add3A_695 = arith.addf %add3A_688, %get3A_694 : vector<16xf32>
        %add3A_696 = arith.constant 192 : i32
        %add3A_697 = arith.addi %add3A_696, %scan3A_678 : i32
        %get3A_698 = arith.index_cast %add3A_697 : i32 to index
        %get3A_699 = arith.constant 0 : index
        %get3A_700 = tpu.vector_load %arg7[%get3A_698, %get3A_699] {strides = array<i32>} : memref<640x64xf32, #tpu.memory_space<vmem>>, vector<1x16xf32>,
        %get3A_701 = vector.shape_cast %get3A_700 : vector<1x16xf32> to vector<16xf32>
        %add3A_702 = arith.addf %add3A_695, %get3A_701 : vector<16xf32>
        %add3A_703 = arith.constant 256 : i32
        %add3A_704 = arith.addi %add3A_703, %scan3A_678 : i32
        %get3A_705 = arith.index_cast %add3A_704 : i32 to index
        %get3A_706 = arith.constant 0 : index
        %get3A_707 = tpu.vector_load %arg7[%get3A_705, %get3A_706] {strides = array<i32>} : memref<640x64xf32, #tpu.memory_space<vmem>>, vector<1x16xf32>,
        %get3A_708 = vector.shape_cast %get3A_707 : vector<1x16xf32> to vector<16xf32>
        %add3A_709 = arith.addf %add3A_702, %get3A_708 : vector<16xf32>
        %add3A_710 = arith.constant 320 : i32
        %add3A_711 = arith.addi %add3A_710, %scan3A_678 : i32
        %get3A_712 = arith.index_cast %add3A_711 : i32 to index
        %get3A_713 = arith.constant 0 : index
        %get3A_714 = tpu.vector_load %arg7[%get3A_712, %get3A_713] {strides = array<i32>} : memref<640x64xf32, #tpu.memory_space<vmem>>, vector<1x16xf32>,
        %get3A_715 = vector.shape_cast %get3A_714 : vector<1x16xf32> to vector<16xf32>
        %add3A_716 = arith.addf %add3A_709, %get3A_715 : vector<16xf32>
        %add3A_717 = arith.constant 384 : i32
        %add3A_718 = arith.addi %add3A_717, %scan3A_678 : i32
        %get3A_719 = arith.index_cast %add3A_718 : i32 to index
        %get3A_720 = arith.constant 0 : index
        %get3A_721 = tpu.vector_load %arg7[%get3A_719, %get3A_720] {strides = array<i32>} : memref<640x64xf32, #tpu.memory_space<vmem>>, vector<1x16xf32>,
        %get3A_722 = vector.shape_cast %get3A_721 : vector<1x16xf32> to vector<16xf32>
        %add3A_723 = arith.addf %add3A_716, %get3A_722 : vector<16xf32>
        %add3A_724 = arith.constant 448 : i32
        %add3A_725 = arith.addi %add3A_724, %scan3A_678 : i32
        %get3A_726 = arith.index_cast %add3A_725 : i32 to index
        %get3A_727 = arith.constant 0 : index
        %get3A_728 = tpu.vector_load %arg7[%get3A_726, %get3A_727] {strides = array<i32>} : memref<640x64xf32, #tpu.memory_space<vmem>>, vector<1x16xf32>,
        %get3A_729 = vector.shape_cast %get3A_728 : vector<1x16xf32> to vector<16xf32>
        %add3A_730 = arith.addf %add3A_723, %get3A_729 : vector<16xf32>
        %add3A_731 = arith.constant 512 : i32
        %add3A_732 = arith.addi %add3A_731, %scan3A_678 : i32
        %get3A_733 = arith.index_cast %add3A_732 : i32 to index
        %get3A_734 = arith.constant 0 : index
        %get3A_735 = tpu.vector_load %arg7[%get3A_733, %get3A_734] {strides = array<i32>} : memref<640x64xf32, #tpu.memory_space<vmem>>, vector<1x16xf32>,
        %get3A_736 = vector.shape_cast %get3A_735 : vector<1x16xf32> to vector<16xf32>
        %add3A_737 = arith.addf %add3A_730, %get3A_736 : vector<16xf32>
        %add3A_738 = arith.constant 576 : i32
        %add3A_739 = arith.addi %add3A_738, %scan3A_678 : i32
        %get3A_740 = arith.index_cast %add3A_739 : i32 to index
        %get3A_741 = arith.constant 0 : index
        %get3A_742 = tpu.vector_load %arg7[%get3A_740, %get3A_741] {strides = array<i32>} : memref<640x64xf32, #tpu.memory_space<vmem>>, vector<1x16xf32>,
        %get3A_743 = vector.shape_cast %get3A_742 : vector<1x16xf32> to vector<16xf32>
        %add3A_744 = arith.addf %add3A_737, %get3A_743 : vector<16xf32>
        %mul3A_745 = arith.constant 64 : i32
        %mul3A_746 = arith.muli %scan3A_678, %mul3A_745 : i32
        %add3A_747 = arith.constant 0 : i32
        %add3A_748 = arith.addi %mul3A_746, %add3A_747 : i32
        %swap3A = arith.index_cast %add3A_748 : i32 to index
        %swap3A_749 = tpu.vector_load %arg9[%swap3A] {strides = array<i32>} : memref<4096xf32, #tpu.memory_space<vmem>>, vector<16xf32>,
        %swap3A_750 = vector.shape_cast %swap3A_749 : vector<16xf32> to vector<16xf32>
        %swap3A_751 = vector.shape_cast %add3A_744 : vector<16xf32> to vector<16xf32>
        tpu.vector_store %arg9[%swap3A], %swap3A_751 {strides = array<i32>} : memref<4096xf32, #tpu.memory_space<vmem>>, vector<16xf32>,
        %get3A_752 = arith.index_cast %scan3A_678 : i32 to index
        %get3A_753 = arith.constant 16 : index
        %get3A_754 = tpu.vector_load %arg7[%get3A_752, %get3A_753] {strides = array<i32>} : memref<640x64xf32, #tpu.memory_space<vmem>>, vector<1x16xf32>,
        %get3A_755 = vector.shape_cast %get3A_754 : vector<1x16xf32> to vector<16xf32>
        %add3A_756 = arith.constant 64 : i32
        %add3A_757 = arith.addi %add3A_756, %scan3A_678 : i32
        %get3A_758 = arith.index_cast %add3A_757 : i32 to index
        %get3A_759 = arith.constant 16 : index
        %get3A_760 = tpu.vector_load %arg7[%get3A_758, %get3A_759] {strides = array<i32>} : memref<640x64xf32, #tpu.memory_space<vmem>>, vector<1x16xf32>,
        %get3A_761 = vector.shape_cast %get3A_760 : vector<1x16xf32> to vector<16xf32>
        %add3A_762 = arith.addf %get3A_755, %get3A_761 : vector<16xf32>
        %add3A_763 = arith.constant 128 : i32
        %add3A_764 = arith.addi %add3A_763, %scan3A_678 : i32
        %get3A_765 = arith.index_cast %add3A_764 : i32 to index
        %get3A_766 = arith.constant 16 : index
        %get3A_767 = tpu.vector_load %arg7[%get3A_765, %get3A_766] {strides = array<i32>} : memref<640x64xf32, #tpu.memory_space<vmem>>, vector<1x16xf32>,
        %get3A_768 = vector.shape_cast %get3A_767 : vector<1x16xf32> to vector<16xf32>
        %add3A_769 = arith.addf %add3A_762, %get3A_768 : vector<16xf32>
        %add3A_770 = arith.constant 192 : i32
        %add3A_771 = arith.addi %add3A_770, %scan3A_678 : i32
        %get3A_772 = arith.index_cast %add3A_771 : i32 to index
        %get3A_773 = arith.constant 16 : index
        %get3A_774 = tpu.vector_load %arg7[%get3A_772, %get3A_773] {strides = array<i32>} : memref<640x64xf32, #tpu.memory_space<vmem>>, vector<1x16xf32>,
        %get3A_775 = vector.shape_cast %get3A_774 : vector<1x16xf32> to vector<16xf32>
        %add3A_776 = arith.addf %add3A_769, %get3A_775 : vector<16xf32>
        %add3A_777 = arith.constant 256 : i32
        %add3A_778 = arith.addi %add3A_777, %scan3A_678 : i32
        %get3A_779 = arith.index_cast %add3A_778 : i32 to index
        %get3A_780 = arith.constant 16 : index
        %get3A_781 = tpu.vector_load %arg7[%get3A_779, %get3A_780] {strides = array<i32>} : memref<640x64xf32, #tpu.memory_space<vmem>>, vector<1x16xf32>,
        %get3A_782 = vector.shape_cast %get3A_781 : vector<1x16xf32> to vector<16xf32>
        %add3A_783 = arith.addf %add3A_776, %get3A_782 : vector<16xf32>
        %add3A_784 = arith.constant 320 : i32
        %add3A_785 = arith.addi %add3A_784, %scan3A_678 : i32
        %get3A_786 = arith.index_cast %add3A_785 : i32 to index
        %get3A_787 = arith.constant 16 : index
        %get3A_788 = tpu.vector_load %arg7[%get3A_786, %get3A_787] {strides = array<i32>} : memref<640x64xf32, #tpu.memory_space<vmem>>, vector<1x16xf32>,
        %get3A_789 = vector.shape_cast %get3A_788 : vector<1x16xf32> to vector<16xf32>
        %add3A_790 = arith.addf %add3A_783, %get3A_789 : vector<16xf32>
        %add3A_791 = arith.constant 384 : i32
        %add3A_792 = arith.addi %add3A_791, %scan3A_678 : i32
        %get3A_793 = arith.index_cast %add3A_792 : i32 to index
        %get3A_794 = arith.constant 16 : index
        %get3A_795 = tpu.vector_load %arg7[%get3A_793, %get3A_794] {strides = array<i32>} : memref<640x64xf32, #tpu.memory_space<vmem>>, vector<1x16xf32>,
        %get3A_796 = vector.shape_cast %get3A_795 : vector<1x16xf32> to vector<16xf32>
        %add3A_797 = arith.addf %add3A_790, %get3A_796 : vector<16xf32>
        %add3A_798 = arith.constant 448 : i32
        %add3A_799 = arith.addi %add3A_798, %scan3A_678 : i32
        %get3A_800 = arith.index_cast %add3A_799 : i32 to index
        %get3A_801 = arith.constant 16 : index
        %get3A_802 = tpu.vector_load %arg7[%get3A_800, %get3A_801] {strides = array<i32>} : memref<640x64xf32, #tpu.memory_space<vmem>>, vector<1x16xf32>,
        %get3A_803 = vector.shape_cast %get3A_802 : vector<1x16xf32> to vector<16xf32>
        %add3A_804 = arith.addf %add3A_797, %get3A_803 : vector<16xf32>
        %add3A_805 = arith.constant 512 : i32
        %add3A_806 = arith.addi %add3A_805, %scan3A_678 : i32
        %get3A_807 = arith.index_cast %add3A_806 : i32 to index
        %get3A_808 = arith.constant 16 : index
        %get3A_809 = tpu.vector_load %arg7[%get3A_807, %get3A_808] {strides = array<i32>} : memref<640x64xf32, #tpu.memory_space<vmem>>, vector<1x16xf32>,
        %get3A_810 = vector.shape_cast %get3A_809 : vector<1x16xf32> to vector<16xf32>
        %add3A_811 = arith.addf %add3A_804, %get3A_810 : vector<16xf32>
        %add3A_812 = arith.constant 576 : i32
        %add3A_813 = arith.addi %add3A_812, %scan3A_678 : i32
        %get3A_814 = arith.index_cast %add3A_813 : i32 to index
        %get3A_815 = arith.constant 16 : index
        %get3A_816 = tpu.vector_load %arg7[%get3A_814, %get3A_815] {strides = array<i32>} : memref<640x64xf32, #tpu.memory_space<vmem>>, vector<1x16xf32>,
        %get3A_817 = vector.shape_cast %get3A_816 : vector<1x16xf32> to vector<16xf32>
        %add3A_818 = arith.addf %add3A_811, %get3A_817 : vector<16xf32>
        %mul3A_819 = arith.constant 64 : i32
        %mul3A_820 = arith.muli %scan3A_678, %mul3A_819 : i32
        %add3A_821 = arith.constant 16 : i32
        %add3A_822 = arith.addi %mul3A_820, %add3A_821 : i32
        %swap3A_823 = arith.index_cast %add3A_822 : i32 to index
        %swap3A_824 = tpu.vector_load %arg9[%swap3A_823] {strides = array<i32>} : memref<4096xf32, #tpu.memory_space<vmem>>, vector<16xf32>,
        %swap3A_825 = vector.shape_cast %swap3A_824 : vector<16xf32> to vector<16xf32>
        %swap3A_826 = vector.shape_cast %add3A_818 : vector<16xf32> to vector<16xf32>
        tpu.vector_store %arg9[%swap3A_823], %swap3A_826 {strides = array<i32>} : memref<4096xf32, #tpu.memory_space<vmem>>, vector<16xf32>,
        %get3A_827 = arith.index_cast %scan3A_678 : i32 to index
        %get3A_828 = arith.constant 32 : index
        %get3A_829 = tpu.vector_load %arg7[%get3A_827, %get3A_828] {strides = array<i32>} : memref<640x64xf32, #tpu.memory_space<vmem>>, vector<1x16xf32>,
        %get3A_830 = vector.shape_cast %get3A_829 : vector<1x16xf32> to vector<16xf32>
        %add3A_831 = arith.constant 64 : i32
        %add3A_832 = arith.addi %add3A_831, %scan3A_678 : i32
        %get3A_833 = arith.index_cast %add3A_832 : i32 to index
        %get3A_834 = arith.constant 32 : index
        %get3A_835 = tpu.vector_load %arg7[%get3A_833, %get3A_834] {strides = array<i32>} : memref<640x64xf32, #tpu.memory_space<vmem>>, vector<1x16xf32>,
        %get3A_836 = vector.shape_cast %get3A_835 : vector<1x16xf32> to vector<16xf32>
        %add3A_837 = arith.addf %get3A_830, %get3A_836 : vector<16xf32>
        %add3A_838 = arith.constant 128 : i32
        %add3A_839 = arith.addi %add3A_838, %scan3A_678 : i32
        %get3A_840 = arith.index_cast %add3A_839 : i32 to index
        %get3A_841 = arith.constant 32 : index
        %get3A_842 = tpu.vector_load %arg7[%get3A_840, %get3A_841] {strides = array<i32>} : memref<640x64xf32, #tpu.memory_space<vmem>>, vector<1x16xf32>,
        %get3A_843 = vector.shape_cast %get3A_842 : vector<1x16xf32> to vector<16xf32>
        %add3A_844 = arith.addf %add3A_837, %get3A_843 : vector<16xf32>
        %add3A_845 = arith.constant 192 : i32
        %add3A_846 = arith.addi %add3A_845, %scan3A_678 : i32
        %get3A_847 = arith.index_cast %add3A_846 : i32 to index
        %get3A_848 = arith.constant 32 : index
        %get3A_849 = tpu.vector_load %arg7[%get3A_847, %get3A_848] {strides = array<i32>} : memref<640x64xf32, #tpu.memory_space<vmem>>, vector<1x16xf32>,
        %get3A_850 = vector.shape_cast %get3A_849 : vector<1x16xf32> to vector<16xf32>
        %add3A_851 = arith.addf %add3A_844, %get3A_850 : vector<16xf32>
        %add3A_852 = arith.constant 256 : i32
        %add3A_853 = arith.addi %add3A_852, %scan3A_678 : i32
        %get3A_854 = arith.index_cast %add3A_853 : i32 to index
        %get3A_855 = arith.constant 32 : index
        %get3A_856 = tpu.vector_load %arg7[%get3A_854, %get3A_855] {strides = array<i32>} : memref<640x64xf32, #tpu.memory_space<vmem>>, vector<1x16xf32>,
        %get3A_857 = vector.shape_cast %get3A_856 : vector<1x16xf32> to vector<16xf32>
        %add3A_858 = arith.addf %add3A_851, %get3A_857 : vector<16xf32>
        %add3A_859 = arith.constant 320 : i32
        %add3A_860 = arith.addi %add3A_859, %scan3A_678 : i32
        %get3A_861 = arith.index_cast %add3A_860 : i32 to index
        %get3A_862 = arith.constant 32 : index
        %get3A_863 = tpu.vector_load %arg7[%get3A_861, %get3A_862] {strides = array<i32>} : memref<640x64xf32, #tpu.memory_space<vmem>>, vector<1x16xf32>,
        %get3A_864 = vector.shape_cast %get3A_863 : vector<1x16xf32> to vector<16xf32>
        %add3A_865 = arith.addf %add3A_858, %get3A_864 : vector<16xf32>
        %add3A_866 = arith.constant 384 : i32
        %add3A_867 = arith.addi %add3A_866, %scan3A_678 : i32
        %get3A_868 = arith.index_cast %add3A_867 : i32 to index
        %get3A_869 = arith.constant 32 : index
        %get3A_870 = tpu.vector_load %arg7[%get3A_868, %get3A_869] {strides = array<i32>} : memref<640x64xf32, #tpu.memory_space<vmem>>, vector<1x16xf32>,
        %get3A_871 = vector.shape_cast %get3A_870 : vector<1x16xf32> to vector<16xf32>
        %add3A_872 = arith.addf %add3A_865, %get3A_871 : vector<16xf32>
        %add3A_873 = arith.constant 448 : i32
        %add3A_874 = arith.addi %add3A_873, %scan3A_678 : i32
        %get3A_875 = arith.index_cast %add3A_874 : i32 to index
        %get3A_876 = arith.constant 32 : index
        %get3A_877 = tpu.vector_load %arg7[%get3A_875, %get3A_876] {strides = array<i32>} : memref<640x64xf32, #tpu.memory_space<vmem>>, vector<1x16xf32>,
        %get3A_878 = vector.shape_cast %get3A_877 : vector<1x16xf32> to vector<16xf32>
        %add3A_879 = arith.addf %add3A_872, %get3A_878 : vector<16xf32>
        %add3A_880 = arith.constant 512 : i32
        %add3A_881 = arith.addi %add3A_880, %scan3A_678 : i32
        %get3A_882 = arith.index_cast %add3A_881 : i32 to index
        %get3A_883 = arith.constant 32 : index
        %get3A_884 = tpu.vector_load %arg7[%get3A_882, %get3A_883] {strides = array<i32>} : memref<640x64xf32, #tpu.memory_space<vmem>>, vector<1x16xf32>,
        %get3A_885 = vector.shape_cast %get3A_884 : vector<1x16xf32> to vector<16xf32>
        %add3A_886 = arith.addf %add3A_879, %get3A_885 : vector<16xf32>
        %add3A_887 = arith.constant 576 : i32
        %add3A_888 = arith.addi %add3A_887, %scan3A_678 : i32
        %get3A_889 = arith.index_cast %add3A_888 : i32 to index
        %get3A_890 = arith.constant 32 : index
        %get3A_891 = tpu.vector_load %arg7[%get3A_889, %get3A_890] {strides = array<i32>} : memref<640x64xf32, #tpu.memory_space<vmem>>, vector<1x16xf32>,
        %get3A_892 = vector.shape_cast %get3A_891 : vector<1x16xf32> to vector<16xf32>
        %add3A_893 = arith.addf %add3A_886, %get3A_892 : vector<16xf32>
        %mul3A_894 = arith.constant 64 : i32
        %mul3A_895 = arith.muli %scan3A_678, %mul3A_894 : i32
        %add3A_896 = arith.constant 32 : i32
        %add3A_897 = arith.addi %mul3A_895, %add3A_896 : i32
        %swap3A_898 = arith.index_cast %add3A_897 : i32 to index
        %swap3A_899 = tpu.vector_load %arg9[%swap3A_898] {strides = array<i32>} : memref<4096xf32, #tpu.memory_space<vmem>>, vector<16xf32>,
        %swap3A_900 = vector.shape_cast %swap3A_899 : vector<16xf32> to vector<16xf32>
        %swap3A_901 = vector.shape_cast %add3A_893 : vector<16xf32> to vector<16xf32>
        tpu.vector_store %arg9[%swap3A_898], %swap3A_901 {strides = array<i32>} : memref<4096xf32, #tpu.memory_space<vmem>>, vector<16xf32>,
        %get3A_902 = arith.index_cast %scan3A_678 : i32 to index
        %get3A_903 = arith.constant 48 : index
        %get3A_904 = tpu.vector_load %arg7[%get3A_902, %get3A_903] {strides = array<i32>} : memref<640x64xf32, #tpu.memory_space<vmem>>, vector<1x16xf32>,
        %get3A_905 = vector.shape_cast %get3A_904 : vector<1x16xf32> to vector<16xf32>
        %add3A_906 = arith.constant 64 : i32
        %add3A_907 = arith.addi %add3A_906, %scan3A_678 : i32
        %get3A_908 = arith.index_cast %add3A_907 : i32 to index
        %get3A_909 = arith.constant 48 : index
        %get3A_910 = tpu.vector_load %arg7[%get3A_908, %get3A_909] {strides = array<i32>} : memref<640x64xf32, #tpu.memory_space<vmem>>, vector<1x16xf32>,
        %get3A_911 = vector.shape_cast %get3A_910 : vector<1x16xf32> to vector<16xf32>
        %add3A_912 = arith.addf %get3A_905, %get3A_911 : vector<16xf32>
        %add3A_913 = arith.constant 128 : i32
        %add3A_914 = arith.addi %add3A_913, %scan3A_678 : i32
        %get3A_915 = arith.index_cast %add3A_914 : i32 to index
        %get3A_916 = arith.constant 48 : index
        %get3A_917 = tpu.vector_load %arg7[%get3A_915, %get3A_916] {strides = array<i32>} : memref<640x64xf32, #tpu.memory_space<vmem>>, vector<1x16xf32>,
        %get3A_918 = vector.shape_cast %get3A_917 : vector<1x16xf32> to vector<16xf32>
        %add3A_919 = arith.addf %add3A_912, %get3A_918 : vector<16xf32>
        %add3A_920 = arith.constant 192 : i32
        %add3A_921 = arith.addi %add3A_920, %scan3A_678 : i32
        %get3A_922 = arith.index_cast %add3A_921 : i32 to index
        %get3A_923 = arith.constant 48 : index
        %get3A_924 = tpu.vector_load %arg7[%get3A_922, %get3A_923] {strides = array<i32>} : memref<640x64xf32, #tpu.memory_space<vmem>>, vector<1x16xf32>,
        %get3A_925 = vector.shape_cast %get3A_924 : vector<1x16xf32> to vector<16xf32>
        %add3A_926 = arith.addf %add3A_919, %get3A_925 : vector<16xf32>
        %add3A_927 = arith.constant 256 : i32
        %add3A_928 = arith.addi %add3A_927, %scan3A_678 : i32
        %get3A_929 = arith.index_cast %add3A_928 : i32 to index
        %get3A_930 = arith.constant 48 : index
        %get3A_931 = tpu.vector_load %arg7[%get3A_929, %get3A_930] {strides = array<i32>} : memref<640x64xf32, #tpu.memory_space<vmem>>, vector<1x16xf32>,
        %get3A_932 = vector.shape_cast %get3A_931 : vector<1x16xf32> to vector<16xf32>
        %add3A_933 = arith.addf %add3A_926, %get3A_932 : vector<16xf32>
        %add3A_934 = arith.constant 320 : i32
        %add3A_935 = arith.addi %add3A_934, %scan3A_678 : i32
        %get3A_936 = arith.index_cast %add3A_935 : i32 to index
        %get3A_937 = arith.constant 48 : index
        %get3A_938 = tpu.vector_load %arg7[%get3A_936, %get3A_937] {strides = array<i32>} : memref<640x64xf32, #tpu.memory_space<vmem>>, vector<1x16xf32>,
        %get3A_939 = vector.shape_cast %get3A_938 : vector<1x16xf32> to vector<16xf32>
        %add3A_940 = arith.addf %add3A_933, %get3A_939 : vector<16xf32>
        %add3A_941 = arith.constant 384 : i32
        %add3A_942 = arith.addi %add3A_941, %scan3A_678 : i32
        %get3A_943 = arith.index_cast %add3A_942 : i32 to index
        %get3A_944 = arith.constant 48 : index
        %get3A_945 = tpu.vector_load %arg7[%get3A_943, %get3A_944] {strides = array<i32>} : memref<640x64xf32, #tpu.memory_space<vmem>>, vector<1x16xf32>,
        %get3A_946 = vector.shape_cast %get3A_945 : vector<1x16xf32> to vector<16xf32>
        %add3A_947 = arith.addf %add3A_940, %get3A_946 : vector<16xf32>
        %add3A_948 = arith.constant 448 : i32
        %add3A_949 = arith.addi %add3A_948, %scan3A_678 : i32
        %get3A_950 = arith.index_cast %add3A_949 : i32 to index
        %get3A_951 = arith.constant 48 : index
        %get3A_952 = tpu.vector_load %arg7[%get3A_950, %get3A_951] {strides = array<i32>} : memref<640x64xf32, #tpu.memory_space<vmem>>, vector<1x16xf32>,
        %get3A_953 = vector.shape_cast %get3A_952 : vector<1x16xf32> to vector<16xf32>
        %add3A_954 = arith.addf %add3A_947, %get3A_953 : vector<16xf32>
        %add3A_955 = arith.constant 512 : i32
        %add3A_956 = arith.addi %add3A_955, %scan3A_678 : i32
        %get3A_957 = arith.index_cast %add3A_956 : i32 to index
        %get3A_958 = arith.constant 48 : index
        %get3A_959 = tpu.vector_load %arg7[%get3A_957, %get3A_958] {strides = array<i32>} : memref<640x64xf32, #tpu.memory_space<vmem>>, vector<1x16xf32>,
        %get3A_960 = vector.shape_cast %get3A_959 : vector<1x16xf32> to vector<16xf32>
        %add3A_961 = arith.addf %add3A_954, %get3A_960 : vector<16xf32>
        %add3A_962 = arith.constant 576 : i32
        %add3A_963 = arith.addi %add3A_962, %scan3A_678 : i32
        %get3A_964 = arith.index_cast %add3A_963 : i32 to index
        %get3A_965 = arith.constant 48 : index
        %get3A_966 = tpu.vector_load %arg7[%get3A_964, %get3A_965] {strides = array<i32>} : memref<640x64xf32, #tpu.memory_space<vmem>>, vector<1x16xf32>,
        %get3A_967 = vector.shape_cast %get3A_966 : vector<1x16xf32> to vector<16xf32>
        %add3A_968 = arith.addf %add3A_961, %get3A_967 : vector<16xf32>
        %mul3A_969 = arith.constant 64 : i32
        %mul3A_970 = arith.muli %scan3A_678, %mul3A_969 : i32
        %add3A_971 = arith.constant 48 : i32
        %add3A_972 = arith.addi %mul3A_970, %add3A_971 : i32
        %swap3A_973 = arith.index_cast %add3A_972 : i32 to index
        %swap3A_974 = tpu.vector_load %arg9[%swap3A_973] {strides = array<i32>} : memref<4096xf32, #tpu.memory_space<vmem>>, vector<16xf32>,
        %swap3A_975 = vector.shape_cast %swap3A_974 : vector<16xf32> to vector<16xf32>
        %swap3A_976 = vector.shape_cast %add3A_968 : vector<16xf32> to vector<16xf32>
        tpu.vector_store %arg9[%swap3A_973], %swap3A_976 {strides = array<i32>} : memref<4096xf32, #tpu.memory_space<vmem>>, vector<16xf32>,
      }
      %scan3A_608 = arith.constant 64 : i32
      %lt3A_609 = arith.constant 8 : i32
      %lt3A_610 = arith.cmpi slt, %add3A_588, %lt3A_609 : i32
      %mul3A_611 = arith.constant 512 : i32
      %mul3A_612 = arith.muli %add3A, %mul3A_611 : i32
      %mul3A_613 = arith.constant 64 : i32
      %mul3A_614 = arith.muli %add3A_588, %mul3A_613 : i32
      %add3A_615 = arith.addi %mul3A_612, %mul3A_614 : i32
      %mul3A_616 = arith.constant 2560 : i32
      %mul3A_617 = arith.muli %add3A, %mul3A_616 : i32
      %add3A_618 = arith.constant 16384 : i32
      %add3A_619 = arith.addi %add3A_618, %mul3A_617 : i32
      %sub3A = arith.constant 8 : i32
      %sub3A_620 = arith.subi %add3A_588, %sub3A : i32
      %mul3A_621 = arith.constant 64 : i32
      %mul3A_622 = arith.muli %sub3A_620, %mul3A_621 : i32
      %add3A_623 = arith.addi %add3A_619, %mul3A_622 : i32
      %select_n3A_624 = arith.select %lt3A_610, %add3A_615, %add3A_623 : i32
      %mul3A_625 = arith.constant 64 : i32
      %mul3A_626 = arith.muli %select_n3A_624, %mul3A_625 : i32
      %dma_start3A_627 = tpu.memref_slice %arg5[%mul3A_626] : memref<6291456xf32, #tpu.memory_space<hbm>> -> memref<4096xf32, #tpu.memory_space<hbm>>
      %dma_start3A_628 = tpu.memref_slice %arg5[%mul3A_626] : memref<6291456xf32, #tpu.memory_space<hbm>> -> memref<4096xf32, #tpu.memory_space<hbm>>
      tpu.enqueue_dma source(%arg9 : memref<4096xf32, #tpu.memory_space<vmem>>) target(%dma_start3A_628 : memref<4096xf32, #tpu.memory_space<hbm>>) target_semaphore(%arg13 : memref<!tpu.dma_semaphore, #tpu.memory_space<semaphore_mem>>)
      %mul3A_629 = arith.constant 2 : i32
      %mul3A_630 = arith.muli %scan3A_584, %mul3A_629 : i32
      %add3A_631 = arith.constant 1 : i32
      %add3A_632 = arith.addi %mul3A_630, %add3A_631 : i32
      %add3A_633 = arith.constant 1 : i32
      %add3A_634 = arith.addi %add3A_632, %add3A_633 : i32
      %lt3A_635 = arith.constant 48 : i32
      %lt3A_636 = arith.cmpi slt, %add3A_634, %lt3A_635 : i32
      %convert_element_type3A_637 = arith.extui %lt3A_636 : i1 to i32
      %cond3A_638 = arith.constant 0 : i32
      %cond3A_639 = arith.cmpi ne, %convert_element_type3A_637, %cond3A_638 : i32
      scf.if %cond3A_639 {
        %min3A_678 = arith.constant 7 : i32
        %min3A_679 = arith.minsi %add3A_634, %min3A_678 : i32
        %sub3A_680 = arith.constant 8 : i32
        %sub3A_681 = arith.subi %add3A_634, %sub3A_680 : i32
        %max3A_682 = arith.constant 0 : i32
        %max3A_683 = arith.maxsi %sub3A_681, %max3A_682 : i32
        %lt3A_684 = arith.constant 8 : i32
        %lt3A_685 = arith.cmpi slt, %add3A_634, %lt3A_684 : i32
        %mul3A_686 = arith.constant 64 : i32
        %mul3A_687 = arith.muli %min3A_679, %mul3A_686 : i32
        %add3A_688 = arith.constant 0 : i32
        %add3A_689 = arith.addi %add3A_688, %mul3A_687 : i32
        %mul3A_690 = arith.constant 64 : i32
        %mul3A_691 = arith.muli %max3A_683, %mul3A_690 : i32
        %add3A_692 = arith.constant 5120 : i32
        %add3A_693 = arith.addi %add3A_692, %mul3A_691 : i32
        %select_n3A_694 = arith.select %lt3A_685, %add3A_689, %add3A_693 : i32
        %dma_start3A_695 = arith.constant 0 : i32
        %dma_start3A_696 = arith.constant 0 : i32
        %dma_start3A_697 = tpu.memref_slice %arg7[%dma_start3A_695, %dma_start3A_696] : memref<640x64xf32, #tpu.memory_space<vmem>> -> memref<64x64xf32, #tpu.memory_space<vmem>>
        %dma_start3A_698 = tpu.memref_slice %arg6[%select_n3A_694] : memref<30720xi32, #tpu.memory_space<vmem>> -> memref<64xi32, #tpu.memory_space<vmem>>
        %dma_start3A_699 = arith.constant 0 : i32
        %dma_start3A_700 = arith.constant 0 : i32
        %dma_start3A_701 = tpu.memref_slice %arg2[%dma_start3A_699, %dma_start3A_700] : memref<199999x64xf32, #tpu.memory_space<hbm>> -> memref<199999x64xf32, #tpu.memory_space<hbm>>
        tpu.enqueue_indirect_dma source(%dma_start3A_701 : memref<199999x64xf32, #tpu.memory_space<hbm>>) target(%dma_start3A_697 : memref<64x64xf32, #tpu.memory_space<vmem>>) offsets(%dma_start3A_698 : memref<64xi32, #tpu.memory_space<vmem>>) semaphore(%arg11 : memref<!tpu.dma_semaphore, #tpu.memory_space<semaphore_mem>>)
        %mul3A_702 = arith.constant 64 : i32
        %mul3A_703 = arith.muli %min3A_679, %mul3A_702 : i32
        %add3A_704 = arith.constant 512 : i32
        %add3A_705 = arith.addi %add3A_704, %mul3A_703 : i32
        %mul3A_706 = arith.constant 64 : i32
        %mul3A_707 = arith.muli %max3A_683, %mul3A_706 : i32
        %add3A_708 = arith.constant 7680 : i32
        %add3A_709 = arith.addi %add3A_708, %mul3A_707 : i32
        %select_n3A_710 = arith.select %lt3A_685, %add3A_705, %add3A_709 : i32
        %dma_start3A_711 = arith.constant 64 : i32
        %dma_start3A_712 = arith.constant 0 : i32
        %dma_start3A_713 = tpu.memref_slice %arg7[%dma_start3A_711, %dma_start3A_712] : memref<640x64xf32, #tpu.memory_space<vmem>> -> memref<64x64xf32, #tpu.memory_space<vmem>>
        %dma_start3A_714 = tpu.memref_slice %arg6[%select_n3A_710] : memref<30720xi32, #tpu.memory_space<vmem>> -> memref<64xi32, #tpu.memory_space<vmem>>
        %dma_start3A_715 = arith.constant 0 : i32
        %dma_start3A_716 = arith.constant 0 : i32
        %dma_start3A_717 = tpu.memref_slice %arg2[%dma_start3A_715, %dma_start3A_716] : memref<199999x64xf32, #tpu.memory_space<hbm>> -> memref<199999x64xf32, #tpu.memory_space<hbm>>
        tpu.enqueue_indirect_dma source(%dma_start3A_717 : memref<199999x64xf32, #tpu.memory_space<hbm>>) target(%dma_start3A_713 : memref<64x64xf32, #tpu.memory_space<vmem>>) offsets(%dma_start3A_714 : memref<64xi32, #tpu.memory_space<vmem>>) semaphore(%arg11 : memref<!tpu.dma_semaphore, #tpu.memory_space<semaphore_mem>>)
        %mul3A_718 = arith.constant 64 : i32
        %mul3A_719 = arith.muli %min3A_679, %mul3A_718 : i32
        %add3A_720 = arith.constant 1024 : i32
        %add3A_721 = arith.addi %add3A_720, %mul3A_719 : i32
        %mul3A_722 = arith.constant 64 : i32
        %mul3A_723 = arith.muli %max3A_683, %mul3A_722 : i32
        %add3A_724 = arith.constant 10240 : i32
        %add3A_725 = arith.addi %add3A_724, %mul3A_723 : i32
        %select_n3A_726 = arith.select %lt3A_685, %add3A_721, %add3A_725 : i32
        %dma_start3A_727 = arith.constant 128 : i32
        %dma_start3A_728 = arith.constant 0 : i32
        %dma_start3A_729 = tpu.memref_slice %arg7[%dma_start3A_727, %dma_start3A_728] : memref<640x64xf32, #tpu.memory_space<vmem>> -> memref<64x64xf32, #tpu.memory_space<vmem>>
        %dma_start3A_730 = tpu.memref_slice %arg6[%select_n3A_726] : memref<30720xi32, #tpu.memory_space<vmem>> -> memref<64xi32, #tpu.memory_space<vmem>>
        %dma_start3A_731 = arith.constant 0 : i32
        %dma_start3A_732 = arith.constant 0 : i32
        %dma_start3A_733 = tpu.memref_slice %arg2[%dma_start3A_731, %dma_start3A_732] : memref<199999x64xf32, #tpu.memory_space<hbm>> -> memref<199999x64xf32, #tpu.memory_space<hbm>>
        tpu.enqueue_indirect_dma source(%dma_start3A_733 : memref<199999x64xf32, #tpu.memory_space<hbm>>) target(%dma_start3A_729 : memref<64x64xf32, #tpu.memory_space<vmem>>) offsets(%dma_start3A_730 : memref<64xi32, #tpu.memory_space<vmem>>) semaphore(%arg11 : memref<!tpu.dma_semaphore, #tpu.memory_space<semaphore_mem>>)
        %mul3A_734 = arith.constant 64 : i32
        %mul3A_735 = arith.muli %min3A_679, %mul3A_734 : i32
        %add3A_736 = arith.constant 1536 : i32
        %add3A_737 = arith.addi %add3A_736, %mul3A_735 : i32
        %mul3A_738 = arith.constant 64 : i32
        %mul3A_739 = arith.muli %max3A_683, %mul3A_738 : i32
        %add3A_740 = arith.constant 12800 : i32
        %add3A_741 = arith.addi %add3A_740, %mul3A_739 : i32
        %select_n3A_742 = arith.select %lt3A_685, %add3A_737, %add3A_741 : i32
        %dma_start3A_743 = arith.constant 192 : i32
        %dma_start3A_744 = arith.constant 0 : i32
        %dma_start3A_745 = tpu.memref_slice %arg7[%dma_start3A_743, %dma_start3A_744] : memref<640x64xf32, #tpu.memory_space<vmem>> -> memref<64x64xf32, #tpu.memory_space<vmem>>
        %dma_start3A_746 = tpu.memref_slice %arg6[%select_n3A_742] : memref<30720xi32, #tpu.memory_space<vmem>> -> memref<64xi32, #tpu.memory_space<vmem>>
        %dma_start3A_747 = arith.constant 0 : i32
        %dma_start3A_748 = arith.constant 0 : i32
        %dma_start3A_749 = tpu.memref_slice %arg2[%dma_start3A_747, %dma_start3A_748] : memref<199999x64xf32, #tpu.memory_space<hbm>> -> memref<199999x64xf32, #tpu.memory_space<hbm>>
        tpu.enqueue_indirect_dma source(%dma_start3A_749 : memref<199999x64xf32, #tpu.memory_space<hbm>>) target(%dma_start3A_745 : memref<64x64xf32, #tpu.memory_space<vmem>>) offsets(%dma_start3A_746 : memref<64xi32, #tpu.memory_space<vmem>>) semaphore(%arg11 : memref<!tpu.dma_semaphore, #tpu.memory_space<semaphore_mem>>)
        %mul3A_750 = arith.constant 64 : i32
        %mul3A_751 = arith.muli %min3A_679, %mul3A_750 : i32
        %add3A_752 = arith.constant 2048 : i32
        %add3A_753 = arith.addi %add3A_752, %mul3A_751 : i32
        %mul3A_754 = arith.constant 64 : i32
        %mul3A_755 = arith.muli %max3A_683, %mul3A_754 : i32
        %add3A_756 = arith.constant 15360 : i32
        %add3A_757 = arith.addi %add3A_756, %mul3A_755 : i32
        %select_n3A_758 = arith.select %lt3A_685, %add3A_753, %add3A_757 : i32
        %dma_start3A_759 = arith.constant 256 : i32
        %dma_start3A_760 = arith.constant 0 : i32
        %dma_start3A_761 = tpu.memref_slice %arg7[%dma_start3A_759, %dma_start3A_760] : memref<640x64xf32, #tpu.memory_space<vmem>> -> memref<64x64xf32, #tpu.memory_space<vmem>>
        %dma_start3A_762 = tpu.memref_slice %arg6[%select_n3A_758] : memref<30720xi32, #tpu.memory_space<vmem>> -> memref<64xi32, #tpu.memory_space<vmem>>
        %dma_start3A_763 = arith.constant 0 : i32
        %dma_start3A_764 = arith.constant 0 : i32
        %dma_start3A_765 = tpu.memref_slice %arg2[%dma_start3A_763, %dma_start3A_764] : memref<199999x64xf32, #tpu.memory_space<hbm>> -> memref<199999x64xf32, #tpu.memory_space<hbm>>
        tpu.enqueue_indirect_dma source(%dma_start3A_765 : memref<199999x64xf32, #tpu.memory_space<hbm>>) target(%dma_start3A_761 : memref<64x64xf32, #tpu.memory_space<vmem>>) offsets(%dma_start3A_762 : memref<64xi32, #tpu.memory_space<vmem>>) semaphore(%arg11 : memref<!tpu.dma_semaphore, #tpu.memory_space<semaphore_mem>>)
        %mul3A_766 = arith.constant 64 : i32
        %mul3A_767 = arith.muli %min3A_679, %mul3A_766 : i32
        %add3A_768 = arith.constant 2560 : i32
        %add3A_769 = arith.addi %add3A_768, %mul3A_767 : i32
        %mul3A_770 = arith.constant 64 : i32
        %mul3A_771 = arith.muli %max3A_683, %mul3A_770 : i32
        %add3A_772 = arith.constant 17920 : i32
        %add3A_773 = arith.addi %add3A_772, %mul3A_771 : i32
        %select_n3A_774 = arith.select %lt3A_685, %add3A_769, %add3A_773 : i32
        %dma_start3A_775 = arith.constant 320 : i32
        %dma_start3A_776 = arith.constant 0 : i32
        %dma_start3A_777 = tpu.memref_slice %arg7[%dma_start3A_775, %dma_start3A_776] : memref<640x64xf32, #tpu.memory_space<vmem>> -> memref<64x64xf32, #tpu.memory_space<vmem>>
        %dma_start3A_778 = tpu.memref_slice %arg6[%select_n3A_774] : memref<30720xi32, #tpu.memory_space<vmem>> -> memref<64xi32, #tpu.memory_space<vmem>>
        %dma_start3A_779 = arith.constant 0 : i32
        %dma_start3A_780 = arith.constant 0 : i32
        %dma_start3A_781 = tpu.memref_slice %arg2[%dma_start3A_779, %dma_start3A_780] : memref<199999x64xf32, #tpu.memory_space<hbm>> -> memref<199999x64xf32, #tpu.memory_space<hbm>>
        tpu.enqueue_indirect_dma source(%dma_start3A_781 : memref<199999x64xf32, #tpu.memory_space<hbm>>) target(%dma_start3A_777 : memref<64x64xf32, #tpu.memory_space<vmem>>) offsets(%dma_start3A_778 : memref<64xi32, #tpu.memory_space<vmem>>) semaphore(%arg11 : memref<!tpu.dma_semaphore, #tpu.memory_space<semaphore_mem>>)
        %mul3A_782 = arith.constant 64 : i32
        %mul3A_783 = arith.muli %min3A_679, %mul3A_782 : i32
        %add3A_784 = arith.constant 3072 : i32
        %add3A_785 = arith.addi %add3A_784, %mul3A_783 : i32
        %mul3A_786 = arith.constant 64 : i32
        %mul3A_787 = arith.muli %max3A_683, %mul3A_786 : i32
        %add3A_788 = arith.constant 20480 : i32
        %add3A_789 = arith.addi %add3A_788, %mul3A_787 : i32
        %select_n3A_790 = arith.select %lt3A_685, %add3A_785, %add3A_789 : i32
        %dma_start3A_791 = arith.constant 384 : i32
        %dma_start3A_792 = arith.constant 0 : i32
        %dma_start3A_793 = tpu.memref_slice %arg7[%dma_start3A_791, %dma_start3A_792] : memref<640x64xf32, #tpu.memory_space<vmem>> -> memref<64x64xf32, #tpu.memory_space<vmem>>
        %dma_start3A_794 = tpu.memref_slice %arg6[%select_n3A_790] : memref<30720xi32, #tpu.memory_space<vmem>> -> memref<64xi32, #tpu.memory_space<vmem>>
        %dma_start3A_795 = arith.constant 0 : i32
        %dma_start3A_796 = arith.constant 0 : i32
        %dma_start3A_797 = tpu.memref_slice %arg2[%dma_start3A_795, %dma_start3A_796] : memref<199999x64xf32, #tpu.memory_space<hbm>> -> memref<199999x64xf32, #tpu.memory_space<hbm>>
        tpu.enqueue_indirect_dma source(%dma_start3A_797 : memref<199999x64xf32, #tpu.memory_space<hbm>>) target(%dma_start3A_793 : memref<64x64xf32, #tpu.memory_space<vmem>>) offsets(%dma_start3A_794 : memref<64xi32, #tpu.memory_space<vmem>>) semaphore(%arg11 : memref<!tpu.dma_semaphore, #tpu.memory_space<semaphore_mem>>)
        %mul3A_798 = arith.constant 64 : i32
        %mul3A_799 = arith.muli %min3A_679, %mul3A_798 : i32
        %add3A_800 = arith.constant 3584 : i32
        %add3A_801 = arith.addi %add3A_800, %mul3A_799 : i32
        %mul3A_802 = arith.constant 64 : i32
        %mul3A_803 = arith.muli %max3A_683, %mul3A_802 : i32
        %add3A_804 = arith.constant 23040 : i32
        %add3A_805 = arith.addi %add3A_804, %mul3A_803 : i32
        %select_n3A_806 = arith.select %lt3A_685, %add3A_801, %add3A_805 : i32
        %dma_start3A_807 = arith.constant 448 : i32
        %dma_start3A_808 = arith.constant 0 : i32
        %dma_start3A_809 = tpu.memref_slice %arg7[%dma_start3A_807, %dma_start3A_808] : memref<640x64xf32, #tpu.memory_space<vmem>> -> memref<64x64xf32, #tpu.memory_space<vmem>>
        %dma_start3A_810 = tpu.memref_slice %arg6[%select_n3A_806] : memref<30720xi32, #tpu.memory_space<vmem>> -> memref<64xi32, #tpu.memory_space<vmem>>
        %dma_start3A_811 = arith.constant 0 : i32
        %dma_start3A_812 = arith.constant 0 : i32
        %dma_start3A_813 = tpu.memref_slice %arg2[%dma_start3A_811, %dma_start3A_812] : memref<199999x64xf32, #tpu.memory_space<hbm>> -> memref<199999x64xf32, #tpu.memory_space<hbm>>
        tpu.enqueue_indirect_dma source(%dma_start3A_813 : memref<199999x64xf32, #tpu.memory_space<hbm>>) target(%dma_start3A_809 : memref<64x64xf32, #tpu.memory_space<vmem>>) offsets(%dma_start3A_810 : memref<64xi32, #tpu.memory_space<vmem>>) semaphore(%arg11 : memref<!tpu.dma_semaphore, #tpu.memory_space<semaphore_mem>>)
        %mul3A_814 = arith.constant 64 : i32
        %mul3A_815 = arith.muli %min3A_679, %mul3A_814 : i32
        %add3A_816 = arith.constant 4096 : i32
        %add3A_817 = arith.addi %add3A_816, %mul3A_815 : i32
        %mul3A_818 = arith.constant 64 : i32
        %mul3A_819 = arith.muli %max3A_683, %mul3A_818 : i32
        %add3A_820 = arith.constant 25600 : i32
        %add3A_821 = arith.addi %add3A_820, %mul3A_819 : i32
        %select_n3A_822 = arith.select %lt3A_685, %add3A_817, %add3A_821 : i32
        %dma_start3A_823 = arith.constant 512 : i32
        %dma_start3A_824 = arith.constant 0 : i32
        %dma_start3A_825 = tpu.memref_slice %arg7[%dma_start3A_823, %dma_start3A_824] : memref<640x64xf32, #tpu.memory_space<vmem>> -> memref<64x64xf32, #tpu.memory_space<vmem>>
        %dma_start3A_826 = tpu.memref_slice %arg6[%select_n3A_822] : memref<30720xi32, #tpu.memory_space<vmem>> -> memref<64xi32, #tpu.memory_space<vmem>>
        %dma_start3A_827 = arith.constant 0 : i32
        %dma_start3A_828 = arith.constant 0 : i32
        %dma_start3A_829 = tpu.memref_slice %arg2[%dma_start3A_827, %dma_start3A_828] : memref<199999x64xf32, #tpu.memory_space<hbm>> -> memref<199999x64xf32, #tpu.memory_space<hbm>>
        tpu.enqueue_indirect_dma source(%dma_start3A_829 : memref<199999x64xf32, #tpu.memory_space<hbm>>) target(%dma_start3A_825 : memref<64x64xf32, #tpu.memory_space<vmem>>) offsets(%dma_start3A_826 : memref<64xi32, #tpu.memory_space<vmem>>) semaphore(%arg11 : memref<!tpu.dma_semaphore, #tpu.memory_space<semaphore_mem>>)
        %mul3A_830 = arith.constant 64 : i32
        %mul3A_831 = arith.muli %min3A_679, %mul3A_830 : i32
        %add3A_832 = arith.constant 4608 : i32
        %add3A_833 = arith.addi %add3A_832, %mul3A_831 : i32
        %mul3A_834 = arith.constant 64 : i32
        %mul3A_835 = arith.muli %max3A_683, %mul3A_834 : i32
        %add3A_836 = arith.constant 28160 : i32
        %add3A_837 = arith.addi %add3A_836, %mul3A_835 : i32
        %select_n3A_838 = arith.select %lt3A_685, %add3A_833, %add3A_837 : i32
        %dma_start3A_839 = arith.constant 576 : i32
        %dma_start3A_840 = arith.constant 0 : i32
        %dma_start3A_841 = tpu.memref_slice %arg7[%dma_start3A_839, %dma_start3A_840] : memref<640x64xf32, #tpu.memory_space<vmem>> -> memref<64x64xf32, #tpu.memory_space<vmem>>
        %dma_start3A_842 = tpu.memref_slice %arg6[%select_n3A_838] : memref<30720xi32, #tpu.memory_space<vmem>> -> memref<64xi32, #tpu.memory_space<vmem>>
        %dma_start3A_843 = arith.constant 0 : i32
        %dma_start3A_844 = arith.constant 0 : i32
        %dma_start3A_845 = tpu.memref_slice %arg2[%dma_start3A_843, %dma_start3A_844] : memref<199999x64xf32, #tpu.memory_space<hbm>> -> memref<199999x64xf32, #tpu.memory_space<hbm>>
        tpu.enqueue_indirect_dma source(%dma_start3A_845 : memref<199999x64xf32, #tpu.memory_space<hbm>>) target(%dma_start3A_841 : memref<64x64xf32, #tpu.memory_space<vmem>>) offsets(%dma_start3A_842 : memref<64xi32, #tpu.memory_space<vmem>>) semaphore(%arg11 : memref<!tpu.dma_semaphore, #tpu.memory_space<semaphore_mem>>)
      } else {
      }
      %dma_wait3A_640 = arith.constant 0 : i32
      %dma_wait3A_641 = arith.constant 0 : i32
      %dma_wait3A_642 = tpu.memref_slice %arg2[%dma_wait3A_640, %dma_wait3A_641] : memref<199999x64xf32, #tpu.memory_space<hbm>> -> memref<640x64xf32, #tpu.memory_space<hbm>>
      %dma_wait3A_643 = arith.constant 0 : i32
      %dma_wait3A_644 = arith.constant 0 : i32
      %dma_wait3A_645 = tpu.memref_slice %arg2[%dma_wait3A_643, %dma_wait3A_644] : memref<199999x64xf32, #tpu.memory_space<hbm>> -> memref<640x64xf32, #tpu.memory_space<hbm>>
      tpu.wait_dma2 semaphore(%arg12 : memref<!tpu.dma_semaphore, #tpu.memory_space<semaphore_mem>>) src(%dma_wait3A_645 : memref<640x64xf32, #tpu.memory_space<hbm>>) dst(%arg8 : memref<640x64xf32, #tpu.memory_space<vmem>>)
      %ge3A_646 = arith.constant 2 : i32
      %ge3A_647 = arith.cmpi sge, %add3A_632, %ge3A_646 : i32
      %convert_element_type3A_648 = arith.extui %ge3A_647 : i1 to i32
      %cond3A_649 = arith.constant 0 : i32
      %cond3A_650 = arith.cmpi ne, %convert_element_type3A_648, %cond3A_649 : i32
      scf.if %cond3A_650 {
        %dma_wait3A_678 = arith.constant 0 : i32
        %dma_wait3A_679 = tpu.memref_slice %arg5[%dma_wait3A_678] : memref<6291456xf32, #tpu.memory_space<hbm>> -> memref<4096xf32, #tpu.memory_space<hbm>>
        %dma_wait3A_680 = arith.constant 0 : i32
        %dma_wait3A_681 = tpu.memref_slice %arg5[%dma_wait3A_680] : memref<6291456xf32, #tpu.memory_space<hbm>> -> memref<4096xf32, #tpu.memory_space<hbm>>
        tpu.wait_dma2 semaphore(%arg14 : memref<!tpu.dma_semaphore, #tpu.memory_space<semaphore_mem>>) src(%arg10 : memref<4096xf32, #tpu.memory_space<vmem>>) dst(%dma_wait3A_681 : memref<4096xf32, #tpu.memory_space<hbm>>)
      } else {
      }
      %scan3A_651 = arith.constant 0 : i32
      %scan3A_652 = arith.constant 0 : i32
      %scan3A_653 = arith.constant 64 : i32
      %scan3A_654 = arith.addi %scan3A_652, %scan3A_653 : i32
      %scan3A_655 = arith.constant 1 : i32
      scf.for %scan3A_678 = %scan3A_652 to %scan3A_654 step %scan3A_655  : i32 {
        %get3A = arith.index_cast %scan3A_678 : i32 to index
        %get3A_679 = arith.constant 0 : index
        %get3A_680 = tpu.vector_load %arg8[%get3A, %get3A_679] {strides = array<i32>} : memref<640x64xf32, #tpu.memory_space<vmem>>, vector<1x16xf32>,
        %get3A_681 = vector.shape_cast %get3A_680 : vector<1x16xf32> to vector<16xf32>
        %add3A_682 = arith.constant 64 : i32
        %add3A_683 = arith.addi %add3A_682, %scan3A_678 : i32
        %get3A_684 = arith.index_cast %add3A_683 : i32 to index
        %get3A_685 = arith.constant 0 : index
        %get3A_686 = tpu.vector_load %arg8[%get3A_684, %get3A_685] {strides = array<i32>} : memref<640x64xf32, #tpu.memory_space<vmem>>, vector<1x16xf32>,
        %get3A_687 = vector.shape_cast %get3A_686 : vector<1x16xf32> to vector<16xf32>
        %add3A_688 = arith.addf %get3A_681, %get3A_687 : vector<16xf32>
        %add3A_689 = arith.constant 128 : i32
        %add3A_690 = arith.addi %add3A_689, %scan3A_678 : i32
        %get3A_691 = arith.index_cast %add3A_690 : i32 to index
        %get3A_692 = arith.constant 0 : index
        %get3A_693 = tpu.vector_load %arg8[%get3A_691, %get3A_692] {strides = array<i32>} : memref<640x64xf32, #tpu.memory_space<vmem>>, vector<1x16xf32>,
        %get3A_694 = vector.shape_cast %get3A_693 : vector<1x16xf32> to vector<16xf32>
        %add3A_695 = arith.addf %add3A_688, %get3A_694 : vector<16xf32>
        %add3A_696 = arith.constant 192 : i32
        %add3A_697 = arith.addi %add3A_696, %scan3A_678 : i32
        %get3A_698 = arith.index_cast %add3A_697 : i32 to index
        %get3A_699 = arith.constant 0 : index
        %get3A_700 = tpu.vector_load %arg8[%get3A_698, %get3A_699] {strides = array<i32>} : memref<640x64xf32, #tpu.memory_space<vmem>>, vector<1x16xf32>,
        %get3A_701 = vector.shape_cast %get3A_700 : vector<1x16xf32> to vector<16xf32>
        %add3A_702 = arith.addf %add3A_695, %get3A_701 : vector<16xf32>
        %add3A_703 = arith.constant 256 : i32
        %add3A_704 = arith.addi %add3A_703, %scan3A_678 : i32
        %get3A_705 = arith.index_cast %add3A_704 : i32 to index
        %get3A_706 = arith.constant 0 : index
        %get3A_707 = tpu.vector_load %arg8[%get3A_705, %get3A_706] {strides = array<i32>} : memref<640x64xf32, #tpu.memory_space<vmem>>, vector<1x16xf32>,
        %get3A_708 = vector.shape_cast %get3A_707 : vector<1x16xf32> to vector<16xf32>
        %add3A_709 = arith.addf %add3A_702, %get3A_708 : vector<16xf32>
        %add3A_710 = arith.constant 320 : i32
        %add3A_711 = arith.addi %add3A_710, %scan3A_678 : i32
        %get3A_712 = arith.index_cast %add3A_711 : i32 to index
        %get3A_713 = arith.constant 0 : index
        %get3A_714 = tpu.vector_load %arg8[%get3A_712, %get3A_713] {strides = array<i32>} : memref<640x64xf32, #tpu.memory_space<vmem>>, vector<1x16xf32>,
        %get3A_715 = vector.shape_cast %get3A_714 : vector<1x16xf32> to vector<16xf32>
        %add3A_716 = arith.addf %add3A_709, %get3A_715 : vector<16xf32>
        %add3A_717 = arith.constant 384 : i32
        %add3A_718 = arith.addi %add3A_717, %scan3A_678 : i32
        %get3A_719 = arith.index_cast %add3A_718 : i32 to index
        %get3A_720 = arith.constant 0 : index
        %get3A_721 = tpu.vector_load %arg8[%get3A_719, %get3A_720] {strides = array<i32>} : memref<640x64xf32, #tpu.memory_space<vmem>>, vector<1x16xf32>,
        %get3A_722 = vector.shape_cast %get3A_721 : vector<1x16xf32> to vector<16xf32>
        %add3A_723 = arith.addf %add3A_716, %get3A_722 : vector<16xf32>
        %add3A_724 = arith.constant 448 : i32
        %add3A_725 = arith.addi %add3A_724, %scan3A_678 : i32
        %get3A_726 = arith.index_cast %add3A_725 : i32 to index
        %get3A_727 = arith.constant 0 : index
        %get3A_728 = tpu.vector_load %arg8[%get3A_726, %get3A_727] {strides = array<i32>} : memref<640x64xf32, #tpu.memory_space<vmem>>, vector<1x16xf32>,
        %get3A_729 = vector.shape_cast %get3A_728 : vector<1x16xf32> to vector<16xf32>
        %add3A_730 = arith.addf %add3A_723, %get3A_729 : vector<16xf32>
        %add3A_731 = arith.constant 512 : i32
        %add3A_732 = arith.addi %add3A_731, %scan3A_678 : i32
        %get3A_733 = arith.index_cast %add3A_732 : i32 to index
        %get3A_734 = arith.constant 0 : index
        %get3A_735 = tpu.vector_load %arg8[%get3A_733, %get3A_734] {strides = array<i32>} : memref<640x64xf32, #tpu.memory_space<vmem>>, vector<1x16xf32>,
        %get3A_736 = vector.shape_cast %get3A_735 : vector<1x16xf32> to vector<16xf32>
        %add3A_737 = arith.addf %add3A_730, %get3A_736 : vector<16xf32>
        %add3A_738 = arith.constant 576 : i32
        %add3A_739 = arith.addi %add3A_738, %scan3A_678 : i32
        %get3A_740 = arith.index_cast %add3A_739 : i32 to index
        %get3A_741 = arith.constant 0 : index
        %get3A_742 = tpu.vector_load %arg8[%get3A_740, %get3A_741] {strides = array<i32>} : memref<640x64xf32, #tpu.memory_space<vmem>>, vector<1x16xf32>,
        %get3A_743 = vector.shape_cast %get3A_742 : vector<1x16xf32> to vector<16xf32>
        %add3A_744 = arith.addf %add3A_737, %get3A_743 : vector<16xf32>
        %mul3A_745 = arith.constant 64 : i32
        %mul3A_746 = arith.muli %scan3A_678, %mul3A_745 : i32
        %add3A_747 = arith.constant 0 : i32
        %add3A_748 = arith.addi %mul3A_746, %add3A_747 : i32
        %swap3A = arith.index_cast %add3A_748 : i32 to index
        %swap3A_749 = tpu.vector_load %arg10[%swap3A] {strides = array<i32>} : memref<4096xf32, #tpu.memory_space<vmem>>, vector<16xf32>,
        %swap3A_750 = vector.shape_cast %swap3A_749 : vector<16xf32> to vector<16xf32>
        %swap3A_751 = vector.shape_cast %add3A_744 : vector<16xf32> to vector<16xf32>
        tpu.vector_store %arg10[%swap3A], %swap3A_751 {strides = array<i32>} : memref<4096xf32, #tpu.memory_space<vmem>>, vector<16xf32>,
        %get3A_752 = arith.index_cast %scan3A_678 : i32 to index
        %get3A_753 = arith.constant 16 : index
        %get3A_754 = tpu.vector_load %arg8[%get3A_752, %get3A_753] {strides = array<i32>} : memref<640x64xf32, #tpu.memory_space<vmem>>, vector<1x16xf32>,
        %get3A_755 = vector.shape_cast %get3A_754 : vector<1x16xf32> to vector<16xf32>
        %add3A_756 = arith.constant 64 : i32
        %add3A_757 = arith.addi %add3A_756, %scan3A_678 : i32
        %get3A_758 = arith.index_cast %add3A_757 : i32 to index
        %get3A_759 = arith.constant 16 : index
        %get3A_760 = tpu.vector_load %arg8[%get3A_758, %get3A_759] {strides = array<i32>} : memref<640x64xf32, #tpu.memory_space<vmem>>, vector<1x16xf32>,
        %get3A_761 = vector.shape_cast %get3A_760 : vector<1x16xf32> to vector<16xf32>
        %add3A_762 = arith.addf %get3A_755, %get3A_761 : vector<16xf32>
        %add3A_763 = arith.constant 128 : i32
        %add3A_764 = arith.addi %add3A_763, %scan3A_678 : i32
        %get3A_765 = arith.index_cast %add3A_764 : i32 to index
        %get3A_766 = arith.constant 16 : index
        %get3A_767 = tpu.vector_load %arg8[%get3A_765, %get3A_766] {strides = array<i32>} : memref<640x64xf32, #tpu.memory_space<vmem>>, vector<1x16xf32>,
        %get3A_768 = vector.shape_cast %get3A_767 : vector<1x16xf32> to vector<16xf32>
        %add3A_769 = arith.addf %add3A_762, %get3A_768 : vector<16xf32>
        %add3A_770 = arith.constant 192 : i32
        %add3A_771 = arith.addi %add3A_770, %scan3A_678 : i32
        %get3A_772 = arith.index_cast %add3A_771 : i32 to index
        %get3A_773 = arith.constant 16 : index
        %get3A_774 = tpu.vector_load %arg8[%get3A_772, %get3A_773] {strides = array<i32>} : memref<640x64xf32, #tpu.memory_space<vmem>>, vector<1x16xf32>,
        %get3A_775 = vector.shape_cast %get3A_774 : vector<1x16xf32> to vector<16xf32>
        %add3A_776 = arith.addf %add3A_769, %get3A_775 : vector<16xf32>
        %add3A_777 = arith.constant 256 : i32
        %add3A_778 = arith.addi %add3A_777, %scan3A_678 : i32
        %get3A_779 = arith.index_cast %add3A_778 : i32 to index
        %get3A_780 = arith.constant 16 : index
        %get3A_781 = tpu.vector_load %arg8[%get3A_779, %get3A_780] {strides = array<i32>} : memref<640x64xf32, #tpu.memory_space<vmem>>, vector<1x16xf32>,
        %get3A_782 = vector.shape_cast %get3A_781 : vector<1x16xf32> to vector<16xf32>
        %add3A_783 = arith.addf %add3A_776, %get3A_782 : vector<16xf32>
        %add3A_784 = arith.constant 320 : i32
        %add3A_785 = arith.addi %add3A_784, %scan3A_678 : i32
        %get3A_786 = arith.index_cast %add3A_785 : i32 to index
        %get3A_787 = arith.constant 16 : index
        %get3A_788 = tpu.vector_load %arg8[%get3A_786, %get3A_787] {strides = array<i32>} : memref<640x64xf32, #tpu.memory_space<vmem>>, vector<1x16xf32>,
        %get3A_789 = vector.shape_cast %get3A_788 : vector<1x16xf32> to vector<16xf32>
        %add3A_790 = arith.addf %add3A_783, %get3A_789 : vector<16xf32>
        %add3A_791 = arith.constant 384 : i32
        %add3A_792 = arith.addi %add3A_791, %scan3A_678 : i32
        %get3A_793 = arith.index_cast %add3A_792 : i32 to index
        %get3A_794 = arith.constant 16 : index
        %get3A_795 = tpu.vector_load %arg8[%get3A_793, %get3A_794] {strides = array<i32>} : memref<640x64xf32, #tpu.memory_space<vmem>>, vector<1x16xf32>,
        %get3A_796 = vector.shape_cast %get3A_795 : vector<1x16xf32> to vector<16xf32>
        %add3A_797 = arith.addf %add3A_790, %get3A_796 : vector<16xf32>
        %add3A_798 = arith.constant 448 : i32
        %add3A_799 = arith.addi %add3A_798, %scan3A_678 : i32
        %get3A_800 = arith.index_cast %add3A_799 : i32 to index
        %get3A_801 = arith.constant 16 : index
        %get3A_802 = tpu.vector_load %arg8[%get3A_800, %get3A_801] {strides = array<i32>} : memref<640x64xf32, #tpu.memory_space<vmem>>, vector<1x16xf32>,
        %get3A_803 = vector.shape_cast %get3A_802 : vector<1x16xf32> to vector<16xf32>
        %add3A_804 = arith.addf %add3A_797, %get3A_803 : vector<16xf32>
        %add3A_805 = arith.constant 512 : i32
        %add3A_806 = arith.addi %add3A_805, %scan3A_678 : i32
        %get3A_807 = arith.index_cast %add3A_806 : i32 to index
        %get3A_808 = arith.constant 16 : index
        %get3A_809 = tpu.vector_load %arg8[%get3A_807, %get3A_808] {strides = array<i32>} : memref<640x64xf32, #tpu.memory_space<vmem>>, vector<1x16xf32>,
        %get3A_810 = vector.shape_cast %get3A_809 : vector<1x16xf32> to vector<16xf32>
        %add3A_811 = arith.addf %add3A_804, %get3A_810 : vector<16xf32>
        %add3A_812 = arith.constant 576 : i32
        %add3A_813 = arith.addi %add3A_812, %scan3A_678 : i32
        %get3A_814 = arith.index_cast %add3A_813 : i32 to index
        %get3A_815 = arith.constant 16 : index
        %get3A_816 = tpu.vector_load %arg8[%get3A_814, %get3A_815] {strides = array<i32>} : memref<640x64xf32, #tpu.memory_space<vmem>>, vector<1x16xf32>,
        %get3A_817 = vector.shape_cast %get3A_816 : vector<1x16xf32> to vector<16xf32>
        %add3A_818 = arith.addf %add3A_811, %get3A_817 : vector<16xf32>
        %mul3A_819 = arith.constant 64 : i32
        %mul3A_820 = arith.muli %scan3A_678, %mul3A_819 : i32
        %add3A_821 = arith.constant 16 : i32
        %add3A_822 = arith.addi %mul3A_820, %add3A_821 : i32
        %swap3A_823 = arith.index_cast %add3A_822 : i32 to index
        %swap3A_824 = tpu.vector_load %arg10[%swap3A_823] {strides = array<i32>} : memref<4096xf32, #tpu.memory_space<vmem>>, vector<16xf32>,
        %swap3A_825 = vector.shape_cast %swap3A_824 : vector<16xf32> to vector<16xf32>
        %swap3A_826 = vector.shape_cast %add3A_818 : vector<16xf32> to vector<16xf32>
        tpu.vector_store %arg10[%swap3A_823], %swap3A_826 {strides = array<i32>} : memref<4096xf32, #tpu.memory_space<vmem>>, vector<16xf32>,
        %get3A_827 = arith.index_cast %scan3A_678 : i32 to index
        %get3A_828 = arith.constant 32 : index
        %get3A_829 = tpu.vector_load %arg8[%get3A_827, %get3A_828] {strides = array<i32>} : memref<640x64xf32, #tpu.memory_space<vmem>>, vector<1x16xf32>,
        %get3A_830 = vector.shape_cast %get3A_829 : vector<1x16xf32> to vector<16xf32>
        %add3A_831 = arith.constant 64 : i32
        %add3A_832 = arith.addi %add3A_831, %scan3A_678 : i32
        %get3A_833 = arith.index_cast %add3A_832 : i32 to index
        %get3A_834 = arith.constant 32 : index
        %get3A_835 = tpu.vector_load %arg8[%get3A_833, %get3A_834] {strides = array<i32>} : memref<640x64xf32, #tpu.memory_space<vmem>>, vector<1x16xf32>,
        %get3A_836 = vector.shape_cast %get3A_835 : vector<1x16xf32> to vector<16xf32>
        %add3A_837 = arith.addf %get3A_830, %get3A_836 : vector<16xf32>
        %add3A_838 = arith.constant 128 : i32
        %add3A_839 = arith.addi %add3A_838, %scan3A_678 : i32
        %get3A_840 = arith.index_cast %add3A_839 : i32 to index
        %get3A_841 = arith.constant 32 : index
        %get3A_842 = tpu.vector_load %arg8[%get3A_840, %get3A_841] {strides = array<i32>} : memref<640x64xf32, #tpu.memory_space<vmem>>, vector<1x16xf32>,
        %get3A_843 = vector.shape_cast %get3A_842 : vector<1x16xf32> to vector<16xf32>
        %add3A_844 = arith.addf %add3A_837, %get3A_843 : vector<16xf32>
        %add3A_845 = arith.constant 192 : i32
        %add3A_846 = arith.addi %add3A_845, %scan3A_678 : i32
        %get3A_847 = arith.index_cast %add3A_846 : i32 to index
        %get3A_848 = arith.constant 32 : index
        %get3A_849 = tpu.vector_load %arg8[%get3A_847, %get3A_848] {strides = array<i32>} : memref<640x64xf32, #tpu.memory_space<vmem>>, vector<1x16xf32>,
        %get3A_850 = vector.shape_cast %get3A_849 : vector<1x16xf32> to vector<16xf32>
        %add3A_851 = arith.addf %add3A_844, %get3A_850 : vector<16xf32>
        %add3A_852 = arith.constant 256 : i32
        %add3A_853 = arith.addi %add3A_852, %scan3A_678 : i32
        %get3A_854 = arith.index_cast %add3A_853 : i32 to index
        %get3A_855 = arith.constant 32 : index
        %get3A_856 = tpu.vector_load %arg8[%get3A_854, %get3A_855] {strides = array<i32>} : memref<640x64xf32, #tpu.memory_space<vmem>>, vector<1x16xf32>,
        %get3A_857 = vector.shape_cast %get3A_856 : vector<1x16xf32> to vector<16xf32>
        %add3A_858 = arith.addf %add3A_851, %get3A_857 : vector<16xf32>
        %add3A_859 = arith.constant 320 : i32
        %add3A_860 = arith.addi %add3A_859, %scan3A_678 : i32
        %get3A_861 = arith.index_cast %add3A_860 : i32 to index
        %get3A_862 = arith.constant 32 : index
        %get3A_863 = tpu.vector_load %arg8[%get3A_861, %get3A_862] {strides = array<i32>} : memref<640x64xf32, #tpu.memory_space<vmem>>, vector<1x16xf32>,
        %get3A_864 = vector.shape_cast %get3A_863 : vector<1x16xf32> to vector<16xf32>
        %add3A_865 = arith.addf %add3A_858, %get3A_864 : vector<16xf32>
        %add3A_866 = arith.constant 384 : i32
        %add3A_867 = arith.addi %add3A_866, %scan3A_678 : i32
        %get3A_868 = arith.index_cast %add3A_867 : i32 to index
        %get3A_869 = arith.constant 32 : index
        %get3A_870 = tpu.vector_load %arg8[%get3A_868, %get3A_869] {strides = array<i32>} : memref<640x64xf32, #tpu.memory_space<vmem>>, vector<1x16xf32>,
        %get3A_871 = vector.shape_cast %get3A_870 : vector<1x16xf32> to vector<16xf32>
        %add3A_872 = arith.addf %add3A_865, %get3A_871 : vector<16xf32>
        %add3A_873 = arith.constant 448 : i32
        %add3A_874 = arith.addi %add3A_873, %scan3A_678 : i32
        %get3A_875 = arith.index_cast %add3A_874 : i32 to index
        %get3A_876 = arith.constant 32 : index
        %get3A_877 = tpu.vector_load %arg8[%get3A_875, %get3A_876] {strides = array<i32>} : memref<640x64xf32, #tpu.memory_space<vmem>>, vector<1x16xf32>,
        %get3A_878 = vector.shape_cast %get3A_877 : vector<1x16xf32> to vector<16xf32>
        %add3A_879 = arith.addf %add3A_872, %get3A_878 : vector<16xf32>
        %add3A_880 = arith.constant 512 : i32
        %add3A_881 = arith.addi %add3A_880, %scan3A_678 : i32
        %get3A_882 = arith.index_cast %add3A_881 : i32 to index
        %get3A_883 = arith.constant 32 : index
        %get3A_884 = tpu.vector_load %arg8[%get3A_882, %get3A_883] {strides = array<i32>} : memref<640x64xf32, #tpu.memory_space<vmem>>, vector<1x16xf32>,
        %get3A_885 = vector.shape_cast %get3A_884 : vector<1x16xf32> to vector<16xf32>
        %add3A_886 = arith.addf %add3A_879, %get3A_885 : vector<16xf32>
        %add3A_887 = arith.constant 576 : i32
        %add3A_888 = arith.addi %add3A_887, %scan3A_678 : i32
        %get3A_889 = arith.index_cast %add3A_888 : i32 to index
        %get3A_890 = arith.constant 32 : index
        %get3A_891 = tpu.vector_load %arg8[%get3A_889, %get3A_890] {strides = array<i32>} : memref<640x64xf32, #tpu.memory_space<vmem>>, vector<1x16xf32>,
        %get3A_892 = vector.shape_cast %get3A_891 : vector<1x16xf32> to vector<16xf32>
        %add3A_893 = arith.addf %add3A_886, %get3A_892 : vector<16xf32>
        %mul3A_894 = arith.constant 64 : i32
        %mul3A_895 = arith.muli %scan3A_678, %mul3A_894 : i32
        %add3A_896 = arith.constant 32 : i32
        %add3A_897 = arith.addi %mul3A_895, %add3A_896 : i32
        %swap3A_898 = arith.index_cast %add3A_897 : i32 to index
        %swap3A_899 = tpu.vector_load %arg10[%swap3A_898] {strides = array<i32>} : memref<4096xf32, #tpu.memory_space<vmem>>, vector<16xf32>,
        %swap3A_900 = vector.shape_cast %swap3A_899 : vector<16xf32> to vector<16xf32>
        %swap3A_901 = vector.shape_cast %add3A_893 : vector<16xf32> to vector<16xf32>
        tpu.vector_store %arg10[%swap3A_898], %swap3A_901 {strides = array<i32>} : memref<4096xf32, #tpu.memory_space<vmem>>, vector<16xf32>,
        %get3A_902 = arith.index_cast %scan3A_678 : i32 to index
        %get3A_903 = arith.constant 48 : index
        %get3A_904 = tpu.vector_load %arg8[%get3A_902, %get3A_903] {strides = array<i32>} : memref<640x64xf32, #tpu.memory_space<vmem>>, vector<1x16xf32>,
        %get3A_905 = vector.shape_cast %get3A_904 : vector<1x16xf32> to vector<16xf32>
        %add3A_906 = arith.constant 64 : i32
        %add3A_907 = arith.addi %add3A_906, %scan3A_678 : i32
        %get3A_908 = arith.index_cast %add3A_907 : i32 to index
        %get3A_909 = arith.constant 48 : index
        %get3A_910 = tpu.vector_load %arg8[%get3A_908, %get3A_909] {strides = array<i32>} : memref<640x64xf32, #tpu.memory_space<vmem>>, vector<1x16xf32>,
        %get3A_911 = vector.shape_cast %get3A_910 : vector<1x16xf32> to vector<16xf32>
        %add3A_912 = arith.addf %get3A_905, %get3A_911 : vector<16xf32>
        %add3A_913 = arith.constant 128 : i32
        %add3A_914 = arith.addi %add3A_913, %scan3A_678 : i32
        %get3A_915 = arith.index_cast %add3A_914 : i32 to index
        %get3A_916 = arith.constant 48 : index
        %get3A_917 = tpu.vector_load %arg8[%get3A_915, %get3A_916] {strides = array<i32>} : memref<640x64xf32, #tpu.memory_space<vmem>>, vector<1x16xf32>,
        %get3A_918 = vector.shape_cast %get3A_917 : vector<1x16xf32> to vector<16xf32>
        %add3A_919 = arith.addf %add3A_912, %get3A_918 : vector<16xf32>
        %add3A_920 = arith.constant 192 : i32
        %add3A_921 = arith.addi %add3A_920, %scan3A_678 : i32
        %get3A_922 = arith.index_cast %add3A_921 : i32 to index
        %get3A_923 = arith.constant 48 : index
        %get3A_924 = tpu.vector_load %arg8[%get3A_922, %get3A_923] {strides = array<i32>} : memref<640x64xf32, #tpu.memory_space<vmem>>, vector<1x16xf32>,
        %get3A_925 = vector.shape_cast %get3A_924 : vector<1x16xf32> to vector<16xf32>
        %add3A_926 = arith.addf %add3A_919, %get3A_925 : vector<16xf32>
        %add3A_927 = arith.constant 256 : i32
        %add3A_928 = arith.addi %add3A_927, %scan3A_678 : i32
        %get3A_929 = arith.index_cast %add3A_928 : i32 to index
        %get3A_930 = arith.constant 48 : index
        %get3A_931 = tpu.vector_load %arg8[%get3A_929, %get3A_930] {strides = array<i32>} : memref<640x64xf32, #tpu.memory_space<vmem>>, vector<1x16xf32>,
        %get3A_932 = vector.shape_cast %get3A_931 : vector<1x16xf32> to vector<16xf32>
        %add3A_933 = arith.addf %add3A_926, %get3A_932 : vector<16xf32>
        %add3A_934 = arith.constant 320 : i32
        %add3A_935 = arith.addi %add3A_934, %scan3A_678 : i32
        %get3A_936 = arith.index_cast %add3A_935 : i32 to index
        %get3A_937 = arith.constant 48 : index
        %get3A_938 = tpu.vector_load %arg8[%get3A_936, %get3A_937] {strides = array<i32>} : memref<640x64xf32, #tpu.memory_space<vmem>>, vector<1x16xf32>,
        %get3A_939 = vector.shape_cast %get3A_938 : vector<1x16xf32> to vector<16xf32>
        %add3A_940 = arith.addf %add3A_933, %get3A_939 : vector<16xf32>
        %add3A_941 = arith.constant 384 : i32
        %add3A_942 = arith.addi %add3A_941, %scan3A_678 : i32
        %get3A_943 = arith.index_cast %add3A_942 : i32 to index
        %get3A_944 = arith.constant 48 : index
        %get3A_945 = tpu.vector_load %arg8[%get3A_943, %get3A_944] {strides = array<i32>} : memref<640x64xf32, #tpu.memory_space<vmem>>, vector<1x16xf32>,
        %get3A_946 = vector.shape_cast %get3A_945 : vector<1x16xf32> to vector<16xf32>
        %add3A_947 = arith.addf %add3A_940, %get3A_946 : vector<16xf32>
        %add3A_948 = arith.constant 448 : i32
        %add3A_949 = arith.addi %add3A_948, %scan3A_678 : i32
        %get3A_950 = arith.index_cast %add3A_949 : i32 to index
        %get3A_951 = arith.constant 48 : index
        %get3A_952 = tpu.vector_load %arg8[%get3A_950, %get3A_951] {strides = array<i32>} : memref<640x64xf32, #tpu.memory_space<vmem>>, vector<1x16xf32>,
        %get3A_953 = vector.shape_cast %get3A_952 : vector<1x16xf32> to vector<16xf32>
        %add3A_954 = arith.addf %add3A_947, %get3A_953 : vector<16xf32>
        %add3A_955 = arith.constant 512 : i32
        %add3A_956 = arith.addi %add3A_955, %scan3A_678 : i32
        %get3A_957 = arith.index_cast %add3A_956 : i32 to index
        %get3A_958 = arith.constant 48 : index
        %get3A_959 = tpu.vector_load %arg8[%get3A_957, %get3A_958] {strides = array<i32>} : memref<640x64xf32, #tpu.memory_space<vmem>>, vector<1x16xf32>,
        %get3A_960 = vector.shape_cast %get3A_959 : vector<1x16xf32> to vector<16xf32>
        %add3A_961 = arith.addf %add3A_954, %get3A_960 : vector<16xf32>
        %add3A_962 = arith.constant 576 : i32
        %add3A_963 = arith.addi %add3A_962, %scan3A_678 : i32
        %get3A_964 = arith.index_cast %add3A_963 : i32 to index
        %get3A_965 = arith.constant 48 : index
        %get3A_966 = tpu.vector_load %arg8[%get3A_964, %get3A_965] {strides = array<i32>} : memref<640x64xf32, #tpu.memory_space<vmem>>, vector<1x16xf32>,
        %get3A_967 = vector.shape_cast %get3A_966 : vector<1x16xf32> to vector<16xf32>
        %add3A_968 = arith.addf %add3A_961, %get3A_967 : vector<16xf32>
        %mul3A_969 = arith.constant 64 : i32
        %mul3A_970 = arith.muli %scan3A_678, %mul3A_969 : i32
        %add3A_971 = arith.constant 48 : i32
        %add3A_972 = arith.addi %mul3A_970, %add3A_971 : i32
        %swap3A_973 = arith.index_cast %add3A_972 : i32 to index
        %swap3A_974 = tpu.vector_load %arg10[%swap3A_973] {strides = array<i32>} : memref<4096xf32, #tpu.memory_space<vmem>>, vector<16xf32>,
        %swap3A_975 = vector.shape_cast %swap3A_974 : vector<16xf32> to vector<16xf32>
        %swap3A_976 = vector.shape_cast %add3A_968 : vector<16xf32> to vector<16xf32>
        tpu.vector_store %arg10[%swap3A_973], %swap3A_976 {strides = array<i32>} : memref<4096xf32, #tpu.memory_space<vmem>>, vector<16xf32>,
      }
      %scan3A_656 = arith.constant 64 : i32
      %lt3A_657 = arith.constant 8 : i32
      %lt3A_658 = arith.cmpi slt, %add3A_632, %lt3A_657 : i32
      %mul3A_659 = arith.constant 512 : i32
      %mul3A_660 = arith.muli %add3A, %mul3A_659 : i32
      %mul3A_661 = arith.constant 64 : i32
      %mul3A_662 = arith.muli %add3A_632, %mul3A_661 : i32
      %add3A_663 = arith.addi %mul3A_660, %mul3A_662 : i32
      %mul3A_664 = arith.constant 2560 : i32
      %mul3A_665 = arith.muli %add3A, %mul3A_664 : i32
      %add3A_666 = arith.constant 16384 : i32
      %add3A_667 = arith.addi %add3A_666, %mul3A_665 : i32
      %sub3A_668 = arith.constant 8 : i32
      %sub3A_669 = arith.subi %add3A_632, %sub3A_668 : i32
      %mul3A_670 = arith.constant 64 : i32
      %mul3A_671 = arith.muli %sub3A_669, %mul3A_670 : i32
      %add3A_672 = arith.addi %add3A_667, %mul3A_671 : i32
      %select_n3A_673 = arith.select %lt3A_658, %add3A_663, %add3A_672 : i32
      %mul3A_674 = arith.constant 64 : i32
      %mul3A_675 = arith.muli %select_n3A_673, %mul3A_674 : i32
      %dma_start3A_676 = tpu.memref_slice %arg5[%mul3A_675] : memref<6291456xf32, #tpu.memory_space<hbm>> -> memref<4096xf32, #tpu.memory_space<hbm>>
      %dma_start3A_677 = tpu.memref_slice %arg5[%mul3A_675] : memref<6291456xf32, #tpu.memory_space<hbm>> -> memref<4096xf32, #tpu.memory_space<hbm>>
      tpu.enqueue_dma source(%arg10 : memref<4096xf32, #tpu.memory_space<vmem>>) target(%dma_start3A_677 : memref<4096xf32, #tpu.memory_space<hbm>>) target_semaphore(%arg14 : memref<!tpu.dma_semaphore, #tpu.memory_space<semaphore_mem>>)
    }
    %scan3A_575 = arith.constant 24 : i32
    %dma_wait3A_576 = arith.constant 0 : i32
    %dma_wait3A_577 = tpu.memref_slice %arg5[%dma_wait3A_576] : memref<6291456xf32, #tpu.memory_space<hbm>> -> memref<4096xf32, #tpu.memory_space<hbm>>
    %dma_wait3A_578 = arith.constant 0 : i32
    %dma_wait3A_579 = tpu.memref_slice %arg5[%dma_wait3A_578] : memref<6291456xf32, #tpu.memory_space<hbm>> -> memref<4096xf32, #tpu.memory_space<hbm>>
    tpu.wait_dma2 semaphore(%arg13 : memref<!tpu.dma_semaphore, #tpu.memory_space<semaphore_mem>>) src(%arg9 : memref<4096xf32, #tpu.memory_space<vmem>>) dst(%dma_wait3A_579 : memref<4096xf32, #tpu.memory_space<hbm>>)
    %dma_wait3A_580 = arith.constant 0 : i32
    %dma_wait3A_581 = tpu.memref_slice %arg5[%dma_wait3A_580] : memref<6291456xf32, #tpu.memory_space<hbm>> -> memref<4096xf32, #tpu.memory_space<hbm>>
    %dma_wait3A_582 = arith.constant 0 : i32
    %dma_wait3A_583 = tpu.memref_slice %arg5[%dma_wait3A_582] : memref<6291456xf32, #tpu.memory_space<hbm>> -> memref<4096xf32, #tpu.memory_space<hbm>>
    tpu.wait_dma2 semaphore(%arg14 : memref<!tpu.dma_semaphore, #tpu.memory_space<semaphore_mem>>) src(%arg10 : memref<4096xf32, #tpu.memory_space<vmem>>) dst(%dma_wait3A_583 : memref<4096xf32, #tpu.memory_space<hbm>>)
    return
  }
}

module attributes {stable_mosaic.version = 14 : i64} {
  func.func @_prep_idx_body(%arg0: memref<10x16384xi32, #tpu.memory_space<vmem>>, %arg1: memref<10x81920xi32, #tpu.memory_space<vmem>>, %arg2: memref<16x16384xi32, #tpu.memory_space<vmem>>, %arg3: memref<16x81920xi32, #tpu.memory_space<vmem>>) attributes {dimension_semantics = [], scalar_prefetch = 0 : i64, scratch_operands = 0 : i64, tpu.core_type = #tpu.core_type<tc>} {
    %get3A = arith.constant 0 : index
    %get3A_0 = arith.constant 0 : index
    %get3A_1 = vector.load %arg0[%get3A, %get3A_0] : memref<10x16384xi32, #tpu.memory_space<vmem>>, vector<10x16384xi32>
    %jit3A = arith.constant 0 : i32
    %pad3A = vector.broadcast %jit3A : i32 to vector<6x16384xi32>
    %pad3A_2 = tpu.concatenate %get3A_1, %pad3A in 0 : vector<10x16384xi32>, vector<6x16384xi32> -> vector<16x16384xi32>
    %swap3A = arith.constant 0 : index
    %swap3A_3 = arith.constant 0 : index
    %swap3A_4 = vector.load %arg2[%swap3A, %swap3A_3] : memref<16x16384xi32, #tpu.memory_space<vmem>>, vector<16x16384xi32>
    tpu.vector_store %arg2[%swap3A, %swap3A_3], %pad3A_2 {strides = array<i32>} : memref<16x16384xi32, #tpu.memory_space<vmem>>, vector<16x16384xi32>,
    %get3A_5 = arith.constant 0 : index
    %get3A_6 = arith.constant 0 : index
    %get3A_7 = vector.load %arg1[%get3A_5, %get3A_6] : memref<10x81920xi32, #tpu.memory_space<vmem>>, vector<10x81920xi32>
    %jit3A_8 = arith.constant 0 : i32
    %pad3A_9 = vector.broadcast %jit3A_8 : i32 to vector<6x81920xi32>
    %pad3A_10 = tpu.concatenate %get3A_7, %pad3A_9 in 0 : vector<10x81920xi32>, vector<6x81920xi32> -> vector<16x81920xi32>
    %swap3A_11 = arith.constant 0 : index
    %swap3A_12 = arith.constant 0 : index
    %swap3A_13 = vector.load %arg3[%swap3A_11, %swap3A_12] : memref<16x81920xi32, #tpu.memory_space<vmem>>, vector<16x81920xi32>
    tpu.vector_store %arg3[%swap3A_11, %swap3A_12], %pad3A_10 {strides = array<i32>} : memref<16x81920xi32, #tpu.memory_space<vmem>>, vector<16x81920xi32>,
    return
  }
}

module attributes {stable_mosaic.version = 14 : i64} {
  func.func @_tc_body(%arg0: memref<12288x128xf32, #tpu.memory_space<vmem>>, %arg1: memref<1x1xf32, #tpu.memory_space<smem>>) attributes {dimension_semantics = [], scalar_prefetch = 0 : i64, scratch_operands = 0 : i64, tpu.core_type = #tpu.core_type<tc>} {
    %get3A = arith.constant 0 : index
    %get3A_0 = arith.constant 0 : index
    %get3A_1 = vector.load %arg0[%get3A, %get3A_0] : memref<12288x128xf32, #tpu.memory_space<vmem>>, vector<12288x128xf32>
    %iota3A = tpu.iota {dimensions = array<i32: 0>} : vector<128x8xi32>
    %jit3A = arith.constant 16 : i32
    %div3A = vector.broadcast %jit3A : i32 to vector<128x8xi32>
    %div3A_2 = arith.divsi %iota3A, %div3A : vector<128x8xi32>
    %sign3A = arith.constant 0 : i32
    %sign3A_3 = vector.broadcast %sign3A : i32 to vector<128x8xi32>
    %sign3A_4 = arith.cmpi sgt, %iota3A, %sign3A_3 : vector<128x8xi32>
    %sign3A_5 = arith.extui %sign3A_4 : vector<128x8xi1> to vector<128x8xi32>
    %sign3A_6 = arith.constant 0 : i32
    %sign3A_7 = vector.broadcast %sign3A_6 : i32 to vector<128x8xi32>
    %sign3A_8 = arith.cmpi slt, %iota3A, %sign3A_7 : vector<128x8xi32>
    %sign3A_9 = arith.extui %sign3A_8 : vector<128x8xi1> to vector<128x8xi32>
    %sign3A_10 = arith.subi %sign3A_5, %sign3A_9 : vector<128x8xi32>
    %sign3A_11 = arith.constant 0 : i32
    %sign3A_12 = arith.cmpi sgt, %jit3A, %sign3A_11 : i32
    %sign3A_13 = arith.extui %sign3A_12 : i1 to i32
    %sign3A_14 = arith.constant 0 : i32
    %sign3A_15 = arith.cmpi slt, %jit3A, %sign3A_14 : i32
    %sign3A_16 = arith.extui %sign3A_15 : i1 to i32
    %sign3A_17 = arith.subi %sign3A_13, %sign3A_16 : i32
    %ne3A = vector.broadcast %sign3A_17 : i32 to vector<128x8xi32>
    %ne3A_18 = arith.cmpi ne, %sign3A_10, %ne3A : vector<128x8xi32>
    %rem3A = vector.broadcast %jit3A : i32 to vector<128x8xi32>
    %rem3A_19 = arith.remsi %iota3A, %rem3A : vector<128x8xi32>
    %ne3A_20 = arith.constant 0 : i32
    %ne3A_21 = vector.broadcast %ne3A_20 : i32 to vector<128x8xi32>
    %ne3A_22 = arith.cmpi ne, %rem3A_19, %ne3A_21 : vector<128x8xi32>
    %and3A = arith.andi %ne3A_18, %ne3A_22 : vector<128x8xi1>
    %sub3A = arith.constant 1 : i32
    %sub3A_23 = vector.broadcast %sub3A : i32 to vector<128x8xi32>
    %sub3A_24 = arith.subi %div3A_2, %sub3A_23 : vector<128x8xi32>
    %select_n3A = arith.select %and3A, %sub3A_24, %div3A_2 : vector<128x8xi1>, vector<128x8xi32>
    %iota3A_25 = tpu.iota {dimensions = array<i32: 1>} : vector<128x8xi32>
    %eq3A = arith.cmpi eq, %select_n3A, %iota3A_25 : vector<128x8xi32>
    %convert_element_type3A = arith.extui %eq3A : vector<128x8xi1> to vector<128x8xi32>
    %convert_element_type3A_26 = arith.sitofp %convert_element_type3A : vector<128x8xi32> to vector<128x8xf32>
    %dot_general3A = arith.constant dense<0.000000e+00> : vector<12288x8xf32>
    %dot_general3A_27 = tpu.matmul %get3A_1, %convert_element_type3A_26, %dot_general3A {dimension_numbers = #tpu.dot_dimension_numbers<[1], [0], [0], [1], [0, 0, 1, 1], [], []>, transpose_lhs_hint = false} : vector<12288x128xf32>, vector<128x8xf32>, vector<12288x8xf32> -> vector<12288x8xf32>
    %iota3A_28 = tpu.iota {dimensions = array<i32: 0>} : vector<12288x8xi32>
    %lt3A = arith.constant 2048 : i32
    %lt3A_29 = vector.broadcast %lt3A : i32 to vector<12288x8xi32>
    %lt3A_30 = arith.cmpi slt, %iota3A_28, %lt3A_29 : vector<12288x8xi32>
    %jit3A_31 = arith.constant 1.000000e+00 : f32
    %jit3A_32 = arith.constant -1.000000e+00 : f32
    %broadcast_in_dim3A = vector.broadcast %jit3A_31 : f32 to vector<12288x8xf32>
    %broadcast_in_dim3A_33 = vector.broadcast %jit3A_32 : f32 to vector<12288x8xf32>
    %select_n3A_34 = arith.select %lt3A_30, %broadcast_in_dim3A, %broadcast_in_dim3A_33 : vector<12288x8xi1>, vector<12288x8xf32>
    %mul3A = arith.mulf %dot_general3A_27, %select_n3A_34 : vector<12288x8xf32>
    %min3A = arith.constant 0.000000e+00 : f32
    %min3A_35 = vector.broadcast %min3A : f32 to vector<12288x8xf32>
    %min3A_36 = arith.minimumf %mul3A, %min3A_35 : vector<12288x8xf32>
    %abs3A = math.absf %mul3A : vector<12288x8xf32>
    %neg3A = arith.constant 0.000000e+00 : f32
    %neg3A_37 = vector.broadcast %neg3A : f32 to vector<12288x8xf32>
    %neg3A_38 = arith.subf %neg3A_37, %abs3A : vector<12288x8xf32>
    %exp3A = math.exp %neg3A_38 : vector<12288x8xf32>
    %add3A = arith.constant 1.000000e+00 : f32
    %add3A_39 = vector.broadcast %add3A : f32 to vector<12288x8xf32>
    %add3A_40 = arith.addf %add3A_39, %exp3A : vector<12288x8xf32>
    %log3A = math.log %add3A_40 : vector<12288x8xf32>
    %sub3A_41 = arith.subf %min3A_36, %log3A : vector<12288x8xf32>
    %reduce_sum3A = vector.shape_cast %sub3A_41 : vector<12288x8xf32> to vector<1x12288x8xf32>
    %reduce_sum3A_42 = arith.constant dense<0.000000e+00> : vector<1xf32>
    %reduce_sum3A_43 = vector.multi_reduction <add>, %reduce_sum3A, %reduce_sum3A_42 [1, 2] : vector<1x12288x8xf32> to vector<1xf32>
    %reduce_sum3A_44 = vector.shape_cast %reduce_sum3A_43 : vector<1xf32> to vector<1x1x1xf32>
    %reduce_sum3A_45 = vector.extract %reduce_sum3A_44[0, 0, 0] : f32 from vector<1x1x1xf32>
    %neg3A_46 = arith.constant 0.000000e+00 : f32
    %neg3A_47 = arith.subf %neg3A_46, %reduce_sum3A_45 : f32
    %swap3A = arith.constant 0 : index
    %swap3A_48 = arith.constant 0 : index
    %swap3A_49 = memref.load %arg1[%swap3A, %swap3A_48] : memref<1x1xf32, #tpu.memory_space<smem>>
    memref.store %neg3A_47, %arg1[%swap3A, %swap3A_48] : memref<1x1xf32, #tpu.memory_space<smem>>
    return
  }
}

</mosaic_0001>

<sc_bundles>
// kernel: kernel.6.cloned.1.call-start
scs
__scs_entry_jumppad:
0x0: {  	(pc) =	sbr.rel $0x88, $3  }
0x1: {  	(tag) =	ssettag $0x0;
	lr =	simm.s32 $0x1  }
0x2: {  	[smem:$0x3F9B] =	sst lr;
	_ =	strace $0xD0000000  }
0x3: {  	_ = 	snop  }
0x4: {  	_ = 	snop  }
0x5: {  	_ = 	snop  }
0x6: {  	_ = 	snop  }
0x7: {  	_ = 	snop  }
__scs_overlays_trampoline_lowered:
0x8: {  	[smem:$0x3FAA] =	sst s0  }
0x9: {  	[smem:$0x3FAB] =	sst s1  }
0xa: {  	[smem:$0x3FAC] =	sst s2  }
0xb: {  	[smem:$0x3FAD] =	sst s3  }
0xc: {  	[smem:$0x3FAE] =	sst s4  }
0xd: {  	[smem:$0x3FAF] =	sst s5  }
0xe: {  	[smem:$0x3FB0] =	sst s6  }
0xf: {  	[smem:$0x3FB1] =	sst s7  }
0x10: {  	[smem:$0x3FB2] =	sst s8  }
0x11: {  	[smem:$0x3FB3] =	sst s9;
	s0 =	simm.s32 @!p0 $0x0  }
0x12: {  	s1 =	sld [smem:$0x3F99];
	s0 =	simm.s32 @p0 $0x1  }
0x13: {  	[smem:$0x3FB4] =	sst s0;
	s0 =	simm.s32 @!p1 $0x0  }
0x14: {  	s2 =	sld [smem:$0x3F98];
	s0 =	simm.s32 @p1 $0x1  }
0x15: {  	[smem:$0x3FB5] =	sst s0;
	s0 =	simm.s32 @!p2 $0x0  }
0x16: {  	s3 =	sld [smem:$0x3FDB];
	s0 =	simm.s32 @p2 $0x1  }
0x17: {  	s4 =	simm.s32 $0x1BF5;
	[smem:$0x3FB7] =	sst s0  }
0x18: {  	s0 =	sld [smem:$0x3F9A];
	_ =	swait.ge [sflag:s4], $0x0  }
0x19: {  	s7 =	sld [smem:$0x3F9B]  }
0x1a: {  	s8 =	sadd.s32 $0xFFFFE003, lr  }
0x1b: {  	s9 =	sadd.s32 $0xFFFFFEF7, lr;
	s5 =	simm.s32 $0xFFFFFFFF;
	p2 =	slt.u32 s8, $0xFFFFF086  }
0x1c: {  	p1 =	slt.u32 s9, $0xF7A;
	s5 =	simm.s32 @!p2 $0x0  }
0x1d: {  	s5 =	simm.s32 @p1 $0x1;
	p0 =	seq.s32 s7, s2  }
0x1e: {  	s7 =	smul.u32 @!p0 $0xF7A, s2;
	p2 =	seq.s32 @!p0 s5, $0x0  }
0x1f: {  	s9 =	smul.u32 $0xF7A, s1;
	s8 =	simm.s32 @!p0 $0x1BF5;
	p2 =	por !p2, p0  }
0x20: {  	[sflag:s8] =	ssyncset.s32 @!p0 $0xFFFFF086;
	s6 =	sadd.s32 @!p0 s3, s7;
	s7 =	simm.s32 @!p0 $0x108  }
0x21: {  	s3 =	sadd.s32 s3, s9;
	s6 =	sadd.s32 @!p0 $0x88, s6;
	s7 =	simm.s32 @p2 $0x1082  }
0x22: {  	[simem:s7], [sflag:s8] =	dma.local @!p0 [hbm:s6], $0xF7A  }
0x23: {  	s9 =	sor.u32 $0xD0000000, s2;
	s6 =	simm.s32 $0x108;
	_ =	swait.ge @!p0 [sflag:s8], $0x0  }
0x24: {  	s3 =	sadd.s32 $0x88, s3;
	s6 =	simm.s32 @!p1 $0x1082;
	[sflag:s4] =	ssyncset.s32 $0xFFFFF086  }
0x25: {  	[simem:s6], [sflag:s4] =	dma.local [hbm:s3], $0xF7A  }
0x26: {  	[smem:$0x3F9B] =	sst s1;
	(tag) =	ssettag s2;
	_ =	strace s9  }
0x27: {  	s1 =	sld [smem:$0x3FAB]  }
0x28: {  	s2 =	sld [smem:$0x3FAC]  }
0x29: {  	s4 =	sld [smem:$0x3FAE]  }
0x2a: {  	p0 =	seq.s32 s5, $0x0;
	s5 =	sld [smem:$0x3FAF]  }
0x2b: {  	s6 =	sld [smem:$0x3FB0]  }
0x2c: {  	s7 =	sld [smem:$0x3FB1]  }
0x2d: {  	s3 =	simm.s32 $0x108;
	s8 =	sld [smem:$0x3FB2]  }
0x2e: {  	s3 =	simm.s32 @!p0 $0x1082;
	s9 =	sld [smem:$0x3FB3]  }
0x2f: {  	lr =	sadd.s32 s0, s3;
	s0 =	sld [smem:$0x3FAA]  }
0x30: {  	s3 =	sld [smem:$0x3FAD]  }
0x31: {  	[smem:$0x3FB6] =	sst s10  }
0x32: {  	s10 =	sld [smem:$0x3FB4];
	_ =	sdelay $0x3  }
0x33: {  	p0 =	seq.s32 s10, $0x1;
	s10 =	sld [smem:$0x3FB6];
	_ =	sdelay $0x3  }
0x34: {  	[smem:$0x3FB6] =	sst s10  }
0x35: {  	s10 =	sld [smem:$0x3FB5];
	_ =	sdelay $0x3  }
0x36: {  	p1 =	seq.s32 s10, $0x1;
	s10 =	sld [smem:$0x3FB6];
	_ =	sdelay $0x3  }
0x37: {  	[smem:$0x3FB6] =	sst s10  }
0x38: {  	s10 =	sld [smem:$0x3FB7]  }
0x39: {  	_ = 	snop;
	(pc) =	sbr.ind lr, $3  }
0x3a: {  	_ = 	snop  }
0x3b: {  	_ = 	snop  }
0x3c: {  	p2 =	seq.s32 s10, $0x1;
	s10 =	sld [smem:$0x3FB6]  }
0x3d: {  	_ =	shalt  }
0x3e: {  	_ =	shalt  }
0x3f: {  	_ =	shalt  }
0x40: {  	_ =	shalt  }
0x41: {  	_ =	shalt  }
0x42: {  	_ =	shalt  }
0x43: {  	_ =	shalt  }
0x44: {  	_ =	shalt  }
0x45: {  	_ =	shalt  }
0x46: {  	_ =	shalt  }
0x47: {  	_ =	shalt  }
0x48: {  	_ =	shalt  }
0x49: {  	_ =	shalt  }
0x4a: {  	_ =	shalt  }
0x4b: {  	_ =	shalt  }
0x4c: {  	_ =	shalt  }
0x4d: {  	_ =	shalt  }
0x4e: {  	_ =	shalt  }
0x4f: {  	_ =	shalt  }
0x50: {  	_ =	shalt  }
0x51: {  	_ =	shalt  }
0x52: {  	_ =	shalt  }
0x53: {  	_ =	shalt  }
0x54: {  	_ =	shalt  }
0x55: {  	_ =	shalt  }
0x56: {  	_ =	shalt  }
0x57: {  	_ =	shalt  }
0x58: {  	_ =	shalt  }
0x59: {  	_ =	shalt  }
0x5a: {  	_ =	shalt  }
0x5b: {  	_ =	shalt  }
0x5c: {  	_ =	shalt  }
0x5d: {  	_ =	shalt  }
0x5e: {  	_ =	shalt  }
0x5f: {  	_ =	shalt  }
0x60: {  	_ =	shalt  }
0x61: {  	_ =	shalt  }
0x62: {  	_ =	shalt  }
0x63: {  	_ =	shalt  }
0x64: {  	_ =	shalt  }
0x65: {  	_ =	shalt  }
0x66: {  	_ =	shalt  }
0x67: {  	_ =	shalt  }
0x68: {  	_ =	shalt  }
0x69: {  	_ =	shalt  }
0x6a: {  	_ =	shalt  }
0x6b: {  	_ =	shalt  }
0x6c: {  	_ =	shalt  }
0x6d: {  	_ =	shalt  }
0x6e: {  	_ =	shalt  }
0x6f: {  	_ =	shalt  }
0x70: {  	_ =	shalt  }
0x71: {  	_ =	shalt  }
0x72: {  	_ =	shalt  }
0x73: {  	_ =	shalt  }
0x74: {  	_ =	shalt  }
0x75: {  	_ =	shalt  }
0x76: {  	_ =	shalt  }
0x77: {  	_ =	shalt  }
0x78: {  	_ =	shalt  }
0x79: {  	_ =	shalt  }
0x7a: {  	_ =	shalt  }
0x7b: {  	_ =	shalt  }
0x7c: {  	_ =	shalt  }
0x7d: {  	_ =	shalt  }
0x7e: {  	_ =	shalt  }
0x7f: {  	_ =	shalt  }
0x80: {  	_ =	shalt  }
0x81: {  	_ =	shalt  }
0x82: {  	_ =	shalt  }
0x83: {  	_ =	shalt  }
0x84: {  	_ =	shalt  }
0x85: {  	_ =	shalt  }
0x86: {  	_ =	shalt  }
0x87: {  	_ =	shalt  }
.Lfunc_end0:
.L_simem_size_0:
called_computation_lowered:
.L_overlay_start_0:
0x88: {  	s2 =	sld [smem:$0x3FD9]  }
0x89: {  	s3 =	sld [smem:$0x3FFE];
	_ =	sdelay $0x1  }
0x8a: {  	s1 =	srdreg.scid  }
0x8b: {  	s0 =	sand.u32 $0x1, s1  }
0x8c: {  	s16 =	sshll.u32 s0, $0xA;
	s2 =	sadd.s32 s3, s2  }
0x8d: {  	s2 =	sadd.s32 s2, s16  }
0x8e: {  	[smem:$0x3FC2] =	sst s2  }
0x8f: {  	_ = 	snop  }
0x90: {  	(tm) =	ssettm $0x1  }
0x91: {  	s17 =	sld [smem:$0x3FFB];
	_ =	sdelay $0x3  }
0x92: {  	_ =	strace s17  }
0x93: {  	s2 =	sld [smem:$0x3FFC];
	_ =	sdelay $0x3  }
0x94: {  	_ =	strace s2  }
0x95: {  	s2 =	sld [smem:$0x3FFD];
	_ =	sdelay $0x3  }
0x96: {  	_ =	strace s2  }
0x97: {  	_ =	strace $0x8FFFFFFF  }
0x98: {  	s18 =	sld [smem:$0x3FDB];
	_ =	sdelay $0x1  }
0x99: {  	s19 =	simm.s32 $_scs_section_size  }
0x9a: {  	s4 =	simm.s32 $_size__tile_overlayer_lowered;
	s5 =	simm.s32 $_tile_overlayer_lowered  }
0x9b: {  	s22 =	simm.s32 $0x1BFF;
	s21 =	sshll.u32 s5, $0x1;
	s2 =	sadd.s32 s19, s18  }
0x9c: {  	s6 =	simm.s32 $0x0;
	s20 =	sshll.u32 s4, $0x1;
	s4 =	sadd.s32 s21, s2  }
0x9d: {  	[timem:s6], [sflag:s22] =	dma.local [hbm:s4], s20  }
0x9e: {  	_ =	swait.ge [sflag:s22], s20  }
0x9f: {  	s3 =	ssub.s32 $0x0, s20;
	[sflag:s22] =	ssyncset.done $0x0  }
0xa0: {  	[sflag:s22] =	ssyncadd.s32 s3;
	_ =	sdelay $0x1  }
0xa1: {  	s23 =	simm.s32 $0x1B8B  }
0xa2: {  	_ =	swait.ge [sflag:s23], $0x1  }
0xa3: {  	[sflag:s23] =	ssyncset.done $0x0  }
0xa4: {  	s25 =	simm.s32 $0x1B8E;
	s24 =	sld [smem:$0x3FFE];
	[sflag:s23] =	ssyncadd.s32 $0xFFFFFFFF  }
0xa5: {  	s26 =	simm.s32 $execute0_lowered;
	[smem:$0x3FD2] =	sst s25  }
0xa6: {  	s4 =	sshll.u32 s26, $0x1;
	_ =	strace $0x80000046;
	[dreg:$0x1] =	wrdreg $0xFFFFFFFF  }
0xa7: {  	s28 =	simm.s32 $_size_execute0_lowered;
	s2 =	sadd.s32 s2, s4;
	[dreg:$0x0] =	wrdreg $0x0  }
0xa8: {  	s4 =	sshll.u32 s28, $0x1;
	[dreg:$0x2] =	wrdreg s2  }
0xa9: {  	[dreg:$0x3] =	wrdreg s4  }
0xaa: {  	[dreg:$0x4] =	wrdreg $0xC0  }
0xab: {  	_ =	task [dreg:s6], $0x5FFFF  }
0xac: {  	[dreg:$0x1] =	wrdreg $0xFFFFFFFF  }
0xad: {  	[dreg:$0x0] =	wrdreg $0x60  }
0xae: {  	[dreg:$0x2] =	wrdreg s24  }
0xaf: {  	[dreg:$0x3] =	wrdreg $0x9  }
0xb0: {  	_ =	task.clear_ibuf [dreg:s6], $0x4FFFF;
	_ =	strace $0x90000046  }
0xb1: {  	s29 =	simm.s32 $0x9;
	_ =	strace $0x80000048  }
0xb2: {  	_ =	swait.ge [sflag:s29], $0x1  }
0xb3: {  	[sflag:s29] =	ssyncadd.s32 $0xFFFFFFFF  }
0xb4: {  	_ =	strace $0x90000048  }
0xb5: {  	_ =	sfence  }
0xb6: {  	s30 =	sld [smem:$0x0];
	_ =	sdelay $0x2  }
0xb7: {  	s31 =	sshll.u32 s1, $0xD;
	s1 =	sshrl.u32 s1, $0x2  }
0xb8: {  	s3 =	sand.u32 $0x4000, s31;
	s1 =	sadd.s32 s1, s30  }
0xb9: {  	s0 =	sor.u32 s3, s0;
	s1 =	sshll.u32 s1, $0x11  }
0xba: {  	s0 =	sor.u32 s1, s0  }
0xbb: {  	s0 =	sadd.s32 $0x8F2B, s0  }
0xbc: {  	[sflag:s0] =	ssyncadd.remote.s32 $0x1  }
0xbd: {  	_ =	sfence.sel $0xFFFF  }
0xbe: {  	[dreg:$0x0] =	wrdreg $0xFFFFFFFF;
	(pc) =	sbr.abs _section_cstart, $3  }
0xbf: {  	[dreg:$0x1] =	wrdreg $0xFFFFFFFF  }
0xc0: {  	_ =	task.clear_ibuf [dreg:s6], $0x2FFFF;
	_ =	strace $0x9FFFFFFF  }
0xc1: {  	(tm) =	ssettm $0x7FFFFFFF  }
tec
execute0_lowered:
.L_overlay_start_1:
0x0: {  	(tag) =	ssettag $0x1  }
0x1: {  	s0 =	srdreg.scid;
	s2 =	stileid.u32  }
0x2: {  	s0 =	sand.u32 $0x1, s0;
	s3 =	sshll.u32 s2, $0x1  }
0x3: {  	s5 =	sor.u32 s0, s3  }
0x4: {  	s1 =	rddreg [dreg:$0x0];
	s4 =	sshll.u32 s5, $0x6  }
0x5: {  	s2 =	simm.s32 $0x0;
	s7 =	sadd.s32 s4, s1  }
0x6: {  	s30 =	simm.s32 $0x14800;
	[smem:$0x7FF] =	sst s2;
	s31 =	sadd.s32 $0x1000, s7  }
0x7: {  	_ =	strace $0x80000047;
	s10 =	sadd.s32 $0x1800, s7;
	[dreg:$0x2] =	wrdreg s31  }
0x8: {  	s29 =	simm.s32 $0x1A800;
	s12 =	sadd.s32 $0x2000, s7;
	[dreg:$0x4] =	wrdreg s10  }
0x9: {  	s3 =	sadd.s32 $0x33E400, s1;
	s14 =	sadd.s32 $0x2800, s7;
	[dreg:$0x6] =	wrdreg s12  }
0xa: {  	s0 =	ssub.s32 $0x2, s0;
	s16 =	sadd.s32 $0x3000, s7;
	[dreg:$0x8] =	wrdreg s14  }
0xb: {  	s6 =	smul.u32 $0xA00, s5;
	s18 =	sadd.s32 $0x3800, s7;
	[dreg:$0xa] =	wrdreg s16  }
0xc: {  	s26 =	sshrl.u32 s0, $0x1;
	s20 =	sadd.s32 $0x4000, s7;
	[dreg:$0xc] =	wrdreg s18  }
0xd: {  	s5 =	sshll.u32 s5, $0x9;
	s22 =	sadd.s32 $0x4800, s7;
	[dreg:$0xe] =	wrdreg s20  }
0xe: {  	s0 =	ssub.s32 s0, s26;
	s23 =	sadd.s32 $0x5000, s7;
	[dreg:$0x10] =	wrdreg s22  }
0xf: {  	s25 =	sshrl.u32 s6, $0x3;
	s24 =	sadd.s32 $0x5800, s7;
	[dreg:$0x11] =	wrdreg s23  }
0x10: {  	s0 =	smax.u32 s0, $0x1;
	s8 =	sadd.s32 s25, s1;
	[dreg:$0x12] =	wrdreg s24  }
0x11: {  	s4 =	sadd.s32 $0x31000, s1;
	[dreg:$0x16] =	wrdreg s0;
	s9 =	sadd.s32 $0x9000, s8  }
0x12: {  	s28 =	sadd.s32 $0x3E40, s6;
	s11 =	sadd.s32 $0xB800, s8;
	[dreg:$0x3] =	wrdreg s9  }
0x13: {  	s7 =	simm.s32 $0x19800;
	s13 =	sadd.s32 $0xE000, s8;
	[dreg:$0x5] =	wrdreg s11  }
0x14: {  	s12 =	simm.s32 $0x40;
	s15 =	sadd.s32 $0x10800, s8;
	[dreg:$0x7] =	wrdreg s13  }
0x15: {  	s1 =	simm.s32 $0x11800;
	s17 =	sadd.s32 $0x13000, s8;
	[dreg:$0x9] =	wrdreg s15  }
0x16: {  	s22 =	simm.s32 $0x13800;
	s19 =	sadd.s32 $0x15800, s8;
	[dreg:$0xb] =	wrdreg s17  }
0x17: {  	s23 =	simm.s32 $0x15800;
	s21 =	sadd.s32 $0x18000, s8;
	[dreg:$0xd] =	wrdreg s19  }
0x18: {  	s24 =	simm.s32 $0x16800;
	s25 =	sadd.s32 $0x1A800, s8;
	[dreg:$0xf] =	wrdreg s21  }
0x19: {  	s10 =	simm.s32 $0x4;
	s26 =	sadd.s32 $0x1D000, s8;
	[dreg:$0x13] =	wrdreg s25  }
0x1a: {  	s14 =	simm.s32 $0x0;
	s31 =	sadd.s32 $0x1F800, s8;
	[dreg:$0x14] =	wrdreg s26  }
0x1b: {  	s8 =	simm.s32 $0x1B800;
	[dreg:$0x15] =	wrdreg s31;
	s26 =	sadd.s32 $0x3E00, s6  }
0x1c: {  	s11 =	simm.s32 $0x1;
	s21 =	simm.s32 $0x12800;
	s6 =	simm.s32 $0x17800  }
0x1d: {  	s25 =	simm.s32 $0x18800;
	s9 =	simm.s32 $0x2;
	s13 =	simm.s32 $0x1C800  }
.LBB2_1:
0x1e: {  	[dreg:$0x17] =	wrdreg s14  }
0x1f: {  	s0 =	rddreg [dreg:$0x2]  }
0x20: {  	[tilespmem:s2], [sflag:$0x1] =	stream.linear.gather [hbm4b:s0+s2], $0x200, $0x38;
	[tilespmem:$0x1D800] =	vst v63  }
0x21: {  	s20 =	rddreg [dreg:$0x3];
	s31 =	simm.s32 $0x1400  }
0x22: {  	[tilespmem:s31], [sflag:$0x1] =	stream.linear.gather [hbm4b:s20+s2], $0xA00, $0x38;
	[tilespmem:$0x1D800] =	vst v63  }
0x23: {  	s14 =	rddreg [dreg:$0x4];
	s15 =	simm.s32 $0x200  }
0x24: {  	[tilespmem:s15], [sflag:$0x1] =	stream.linear.gather [hbm4b:s14+s2], $0x200, $0x38;
	[tilespmem:$0x1D800] =	vst v63  }
0x25: {  	s16 =	rddreg [dreg:$0x5];
	s15 =	simm.s32 $0x1E00  }
0x26: {  	[tilespmem:s15], [sflag:$0x1] =	stream.linear.gather [hbm4b:s16+s2], $0xA00, $0x38;
	[tilespmem:$0x1D800] =	vst v63  }
0x27: {  	s17 =	rddreg [dreg:$0x6];
	s18 =	simm.s32 $0x400  }
0x28: {  	[tilespmem:s18], [sflag:$0x1] =	stream.linear.gather [hbm4b:s17+s2], $0x200, $0x38;
	[tilespmem:$0x1D800] =	vst v63  }
0x29: {  	s19 =	rddreg [dreg:$0x7];
	s16 =	simm.s32 $0x2800  }
0x2a: {  	[tilespmem:s16], [sflag:$0x1] =	stream.linear.gather [hbm4b:s19+s2], $0xA00, $0x38;
	[tilespmem:$0x1D800] =	vst v63  }
0x2b: {  	s20 =	rddreg [dreg:$0x8];
	s16 =	simm.s32 $0x600  }
0x2c: {  	[tilespmem:s16], [sflag:$0x1] =	stream.linear.gather [hbm4b:s20+s2], $0x200, $0x38;
	[tilespmem:$0x1D800] =	vst v63  }
0x2d: {  	s31 =	rddreg [dreg:$0x9];
	s17 =	simm.s32 $0x3200  }
0x2e: {  	[tilespmem:s17], [sflag:$0x1] =	stream.linear.gather [hbm4b:s31+s2], $0xA00, $0x38;
	[tilespmem:$0x1D800] =	vst v63  }
0x2f: {  	s14 =	rddreg [dreg:$0xa];
	s17 =	simm.s32 $0x800  }
0x30: {  	[tilespmem:s17], [sflag:$0x1] =	stream.linear.gather [hbm4b:s14+s2], $0x200, $0x38;
	[tilespmem:$0x1D800] =	vst v63  }
0x31: {  	s15 =	rddreg [dreg:$0xb];
	s18 =	simm.s32 $0x3C00  }
0x32: {  	[tilespmem:s18], [sflag:$0x1] =	stream.linear.gather [hbm4b:s15+s2], $0xA00, $0x38;
	[tilespmem:$0x1D800] =	vst v63  }
0x33: {  	s19 =	rddreg [dreg:$0xc];
	s18 =	simm.s32 $0xA00  }
0x34: {  	[tilespmem:s18], [sflag:$0x1] =	stream.linear.gather [hbm4b:s19+s2], $0x200, $0x38;
	[tilespmem:$0x1D800] =	vst v63  }
0x35: {  	s20 =	rddreg [dreg:$0xd];
	s31 =	simm.s32 $0x4600  }
0x36: {  	[tilespmem:s31], [sflag:$0x1] =	stream.linear.gather [hbm4b:s20+s2], $0xA00, $0x38;
	[tilespmem:$0x1D800] =	vst v63  }
0x37: {  	s14 =	rddreg [dreg:$0xe];
	s31 =	simm.s32 $0xC00  }
0x38: {  	[tilespmem:s31], [sflag:$0x1] =	stream.linear.gather [hbm4b:s14+s2], $0x200, $0x38;
	[tilespmem:$0x1D800] =	vst v63  }
0x39: {  	s15 =	rddreg [dreg:$0xf];
	s19 =	simm.s32 $0x5000  }
0x3a: {  	[tilespmem:s19], [sflag:$0x1] =	stream.linear.gather [hbm4b:s15+s2], $0xA00, $0x38;
	[tilespmem:$0x1D800] =	vst v63  }
0x3b: {  	s20 =	rddreg [dreg:$0x10];
	s19 =	simm.s32 $0xE00  }
0x3c: {  	[tilespmem:s19], [sflag:$0x1] =	stream.linear.gather [hbm4b:s20+s2], $0x200, $0x38;
	[tilespmem:$0x1D800] =	vst v63  }
0x3d: {  	s14 =	rddreg [dreg:$0x13];
	s20 =	simm.s32 $0x5A00  }
0x3e: {  	[tilespmem:s20], [sflag:$0x1] =	stream.linear.gather [hbm4b:s14+s2], $0xA00, $0x38;
	[tilespmem:$0x1D800] =	vst v63  }
0x3f: {  	s15 =	rddreg [dreg:$0x11];
	s20 =	simm.s32 $0x1000  }
0x40: {  	[tilespmem:s20], [sflag:$0x1] =	stream.linear.gather [hbm4b:s15+s2], $0x200, $0x38;
	[tilespmem:$0x1D800] =	vst v63  }
0x41: {  	s14 =	rddreg [dreg:$0x14];
	s15 =	simm.s32 $0x6400  }
0x42: {  	[tilespmem:s15], [sflag:$0x1] =	stream.linear.gather [hbm4b:s14+s2], $0xA00, $0x38;
	[tilespmem:$0x1D800] =	vst v63  }
0x43: {  	s15 =	rddreg [dreg:$0x12];
	s14 =	simm.s32 $0x1200  }
0x44: {  	[tilespmem:s14], [sflag:$0x1] =	stream.linear.gather [hbm4b:s15+s2], $0x200, $0x38;
	[tilespmem:$0x1D800] =	vst v63  }
0x45: {  	s0 =	rddreg [dreg:$0x15];
	s15 =	simm.s32 $0x6E00  }
0x46: {  	[tilespmem:s15], [sflag:$0x1] =	stream.linear.gather [hbm4b:s0+s2], $0xA00, $0x38;
	[tilespmem:$0x1D800] =	vst v63  }
0x47: {  	_ =	swait.ge [sflag:s11], $0x200  }
0x48: {  	[sflag:s11] =	ssyncset.done $0x0  }
0x49: {  	[sflag:s11] =	ssyncadd.s32 $0xFFFFFE00  }
0x4a: {  	_ =	swait.ge [sflag:s11], $0xA00  }
0x4b: {  	[sflag:s11] =	ssyncset.done $0x0  }
0x4c: {  	[sflag:s11] =	ssyncadd.s32 $0xFFFFF600  }
0x4d: {  	_ =	swait.ge [sflag:s11], $0x200  }
0x4e: {  	[sflag:s11] =	ssyncset.done $0x0  }
0x4f: {  	[sflag:s11] =	ssyncadd.s32 $0xFFFFFE00  }
0x50: {  	_ =	swait.ge [sflag:s11], $0xA00  }
0x51: {  	[sflag:s11] =	ssyncset.done $0x0  }
0x52: {  	[sflag:s11] =	ssyncadd.s32 $0xFFFFF600  }
0x53: {  	_ =	swait.ge [sflag:s11], $0x200  }
0x54: {  	[sflag:s11] =	ssyncset.done $0x0  }
0x55: {  	[sflag:s11] =	ssyncadd.s32 $0xFFFFFE00  }
0x56: {  	_ =	swait.ge [sflag:s11], $0xA00  }
0x57: {  	[sflag:s11] =	ssyncset.done $0x0  }
0x58: {  	[sflag:s11] =	ssyncadd.s32 $0xFFFFF600  }
0x59: {  	_ =	swait.ge [sflag:s11], $0x200  }
0x5a: {  	[sflag:s11] =	ssyncset.done $0x0  }
0x5b: {  	[sflag:s11] =	ssyncadd.s32 $0xFFFFFE00  }
0x5c: {  	_ =	swait.ge [sflag:s11], $0xA00  }
0x5d: {  	[sflag:s11] =	ssyncset.done $0x0  }
0x5e: {  	[sflag:s11] =	ssyncadd.s32 $0xFFFFF600  }
0x5f: {  	_ =	swait.ge [sflag:s11], $0x200  }
0x60: {  	[sflag:s11] =	ssyncset.done $0x0  }
0x61: {  	[sflag:s11] =	ssyncadd.s32 $0xFFFFFE00  }
0x62: {  	_ =	swait.ge [sflag:s11], $0xA00  }
0x63: {  	[sflag:s11] =	ssyncset.done $0x0  }
0x64: {  	[sflag:s11] =	ssyncadd.s32 $0xFFFFF600  }
0x65: {  	_ =	swait.ge [sflag:s11], $0x200  }
0x66: {  	[sflag:s11] =	ssyncset.done $0x0  }
0x67: {  	[sflag:s11] =	ssyncadd.s32 $0xFFFFFE00  }
0x68: {  	_ =	swait.ge [sflag:s11], $0xA00  }
0x69: {  	[sflag:s11] =	ssyncset.done $0x0  }
0x6a: {  	[sflag:s11] =	ssyncadd.s32 $0xFFFFF600  }
0x6b: {  	_ =	swait.ge [sflag:s11], $0x200  }
0x6c: {  	[sflag:s11] =	ssyncset.done $0x0  }
0x6d: {  	[sflag:s11] =	ssyncadd.s32 $0xFFFFFE00  }
0x6e: {  	_ =	swait.ge [sflag:s11], $0xA00  }
0x6f: {  	[sflag:s11] =	ssyncset.done $0x0  }
0x70: {  	[sflag:s11] =	ssyncadd.s32 $0xFFFFF600  }
0x71: {  	_ =	swait.ge [sflag:s11], $0x200  }
0x72: {  	[sflag:s11] =	ssyncset.done $0x0  }
0x73: {  	[sflag:s11] =	ssyncadd.s32 $0xFFFFFE00  }
0x74: {  	_ =	swait.ge [sflag:s11], $0xA00  }
0x75: {  	[sflag:s11] =	ssyncset.done $0x0  }
0x76: {  	[sflag:s11] =	ssyncadd.s32 $0xFFFFF600  }
0x77: {  	_ =	swait.ge [sflag:s11], $0x200  }
0x78: {  	[sflag:s11] =	ssyncset.done $0x0  }
0x79: {  	[sflag:s11] =	ssyncadd.s32 $0xFFFFFE00  }
0x7a: {  	_ =	swait.ge [sflag:s11], $0xA00  }
0x7b: {  	[sflag:s11] =	ssyncset.done $0x0  }
0x7c: {  	[sflag:s11] =	ssyncadd.s32 $0xFFFFF600  }
0x7d: {  	_ =	swait.ge [sflag:s11], $0x200  }
0x7e: {  	[sflag:s11] =	ssyncset.done $0x0  }
0x7f: {  	[sflag:s11] =	ssyncadd.s32 $0xFFFFFE00  }
0x80: {  	_ =	swait.ge [sflag:s11], $0xA00  }
0x81: {  	[sflag:s11] =	ssyncset.done $0x0  }
0x82: {  	s15 =	simm.s32 $0x7800;
	[sflag:s11] =	ssyncadd.s32 $0xFFFFF600  }
0x83: {  	[tilespmem:s15], [sflag:$0x1] =	stream.indirect.gather [hbm4b:s3+s12], $0x40, s2, s12, $0xb8;
	[tilespmem:$0x1D800] =	vst v63  }
0x84: {  	s0 =	simm.s32 $0x8800;
	s15 =	simm.s32 $0x200  }
0x85: {  	[tilespmem:s0], [sflag:$0x1] =	stream.indirect.gather [hbm4b:s3+s12], $0x40, s15, s12, $0xb8;
	[tilespmem:$0x1D800] =	vst v63  }
0x86: {  	s0 =	simm.s32 $0x9800;
	s15 =	simm.s32 $0x400  }
0x87: {  	[tilespmem:s0], [sflag:$0x1] =	stream.indirect.gather [hbm4b:s3+s12], $0x40, s15, s12, $0xb8;
	[tilespmem:$0x1D800] =	vst v63  }
0x88: {  	s15 =	simm.s32 $0xA800  }
0x89: {  	[tilespmem:s15], [sflag:$0x1] =	stream.indirect.gather [hbm4b:s3+s12], $0x40, s16, s12, $0xb8;
	[tilespmem:$0x1D800] =	vst v63  }
0x8a: {  	s16 =	simm.s32 $0xB800  }
0x8b: {  	[tilespmem:s16], [sflag:$0x1] =	stream.indirect.gather [hbm4b:s3+s12], $0x40, s17, s12, $0xb8;
	[tilespmem:$0x1D800] =	vst v63  }
0x8c: {  	s15 =	simm.s32 $0xC800  }
0x8d: {  	[tilespmem:s15], [sflag:$0x1] =	stream.indirect.gather [hbm4b:s3+s12], $0x40, s18, s12, $0xb8;
	[tilespmem:$0x1D800] =	vst v63  }
0x8e: {  	s16 =	simm.s32 $0xD800  }
0x8f: {  	[tilespmem:s16], [sflag:$0x1] =	stream.indirect.gather [hbm4b:s3+s12], $0x40, s31, s12, $0xb8;
	[tilespmem:$0x1D800] =	vst v63  }
0x90: {  	s17 =	simm.s32 $0xE800  }
0x91: {  	[tilespmem:s17], [sflag:$0x1] =	stream.indirect.gather [hbm4b:s3+s12], $0x40, s19, s12, $0xb8;
	[tilespmem:$0x1D800] =	vst v63  }
0x92: {  	s18 =	simm.s32 $0xF800  }
0x93: {  	[tilespmem:s18], [sflag:$0x1] =	stream.indirect.gather [hbm4b:s3+s12], $0x40, s20, s12, $0xb8;
	[tilespmem:$0x1D800] =	vst v63  }
0x94: {  	s31 =	simm.s32 $0x10800  }
0x95: {  	[tilespmem:s31], [sflag:$0x1] =	stream.indirect.gather [hbm4b:s3+s12], $0x40, s14, s12, $0xb8;
	[tilespmem:$0x1D800] =	vst v63  }
0x96: {  	s19 =	simm.s32 $0x7800;
	s20 =	simm.s32 $0x8800;
	s14 =	simm.s32 $0x0  }
.LBB2_2:
0x97: {  	s31 =	sshll.u32 s14, $0x1  }
0x98: {  	s15 =	sshllo.u32 s14, $0x1;
	s16 =	smax.u32 s31, $0x7  }
0x99: {  	s17 =	smin.u32 s15, $0x7;
	s16 =	sshll.u32 s16, $0x6  }
0x9a: {  	p0 =	slt.u32 s14, $0x4;
	s17 =	sshll.u32 s17, $0x6;
	s18 =	sadd.s32 $0x1240, s16  }
0x9b: {  	s18 =	smov.u32 @p0 s17  }
0x9c: {  	[tilespmem:s1], [sflag:$0x2] =	stream.indirect.gather [hbm4b:s3+s12], $0x40, s18, s12, $0xb8;
	[tilespmem:$0x1D800] =	vst v63  }
0x9d: {  	s0 =	sadd.s32 $0x1C40, s16;
	s18 =	sor.u32 $0x200, s17  }
0x9e: {  	s0 =	smov.u32 @p0 s18  }
0x9f: {  	[tilespmem:s21], [sflag:$0x2] =	stream.indirect.gather [hbm4b:s3+s12], $0x40, s0, s12, $0xb8;
	[tilespmem:$0x1D800] =	vst v63  }
0xa0: {  	s18 =	sadd.s32 $0x2640, s16;
	s0 =	sor.u32 $0x400, s17  }
0xa1: {  	s18 =	smov.u32 @p0 s0  }
0xa2: {  	[tilespmem:s22], [sflag:$0x2] =	stream.indirect.gather [hbm4b:s3+s12], $0x40, s18, s12, $0xb8;
	[tilespmem:$0x1D800] =	vst v63  }
0xa3: {  	s0 =	sor.u32 $0x600, s17;
	s18 =	sadd.s32 $0x3040, s16  }
0xa4: {  	s18 =	smov.u32 @p0 s0  }
0xa5: {  	[tilespmem:s30], [sflag:$0x2] =	stream.indirect.gather [hbm4b:s3+s12], $0x40, s18, s12, $0xb8;
	[tilespmem:$0x1D800] =	vst v63  }
0xa6: {  	s0 =	sor.u32 $0x800, s17;
	s18 =	sadd.s32 $0x3A40, s16  }
0xa7: {  	s18 =	smov.u32 @p0 s0  }
0xa8: {  	[tilespmem:s23], [sflag:$0x2] =	stream.indirect.gather [hbm4b:s3+s12], $0x40, s18, s12, $0xb8;
	[tilespmem:$0x1D800] =	vst v63  }
0xa9: {  	s0 =	sor.u32 $0xA00, s17;
	s18 =	sadd.s32 $0x4440, s16  }
0xaa: {  	s18 =	smov.u32 @p0 s0  }
0xab: {  	[tilespmem:s24], [sflag:$0x2] =	stream.indirect.gather [hbm4b:s3+s12], $0x40, s18, s12, $0xb8;
	[tilespmem:$0x1D800] =	vst v63  }
0xac: {  	s0 =	sor.u32 $0xC00, s17;
	s18 =	sadd.s32 $0x4E40, s16  }
0xad: {  	s18 =	smov.u32 @p0 s0  }
0xae: {  	[tilespmem:s6], [sflag:$0x2] =	stream.indirect.gather [hbm4b:s3+s12], $0x40, s18, s12, $0xb8;
	[tilespmem:$0x1D800] =	vst v63  }
0xaf: {  	s0 =	sor.u32 $0xE00, s17;
	s18 =	sadd.s32 $0x5840, s16  }
0xb0: {  	s18 =	smov.u32 @p0 s0  }
0xb1: {  	[tilespmem:s25], [sflag:$0x2] =	stream.indirect.gather [hbm4b:s3+s12], $0x40, s18, s12, $0xb8;
	[tilespmem:$0x1D800] =	vst v63  }
0xb2: {  	s0 =	sor.u32 $0x1000, s17;
	s18 =	sadd.s32 $0x6240, s16  }
0xb3: {  	s16 =	sadd.s32 $0x6C40, s16;
	s18 =	smov.u32 @p0 s0;
	s0 =	sor.u32 $0x1200, s17  }
0xb4: {  	[tilespmem:s7], [sflag:$0x2] =	stream.indirect.gather [hbm4b:s3+s12], $0x40, s18, s12, $0xb8;
	[tilespmem:$0x1D800] =	vst v63  }
0xb5: {  	s16 =	smov.u32 @p0 s0  }
0xb6: {  	[tilespmem:s29], [sflag:$0x2] =	stream.indirect.gather [hbm4b:s3+s12], $0x40, s16, s12, $0xb8;
	[tilespmem:$0x1D800] =	vst v63  }
0xb7: {  	_ =	swait.ge [sflag:s11], $0xA000  }
0xb8: {  	p1 =	seq.s32 s14, $0x0;
	[sflag:s11] =	ssyncset.done $0x0  }
0xb9: {  	s0 =	simm.s32 @!p1 $0x3;
	[sflag:s11] =	ssyncadd.s32 $0xFFFF6000  }
0xba: {  	_ =	swait.ge @!p1 [sflag:s0], $0x1000  }
0xbb: {  	[sflag:s0] =	ssyncset.done @!p1 $0x0  }
0xbc: {  	s16 =	simm.s32 $0x0;
	[sflag:s0] =	ssyncadd.s32 @!p1 $0xFFFFF000  }
0xbd: {  	v0 =	vld [tilespmem:s16+$0x7830]  }
0xbe: {  	v1 =	vld [tilespmem:s16+$0x8830]  }
0xbf: {  	v2 =	vld [tilespmem:s16+$0x7800]  }
0xc0: {  	v3 =	vld [tilespmem:s16+$0x9830]  }
0xc1: {  	v4 =	vld [tilespmem:s16+$0x8800]  }
0xc2: {  	v5 =	vld [tilespmem:s16+$0xA830]  }
0xc3: {  	v6 =	vld [tilespmem:s16+$0x7810]  }
0xc4: {  	v7 =	vld [tilespmem:s16+$0x8810]  }
0xc5: {  	v8 =	vld [tilespmem:s16+$0x7820]  }
0xc6: {  	v9 =	vld [tilespmem:s16+$0x8820]  }
0xc7: {  	v10 =	vld [tilespmem:s16+$0x9800]  }
0xc8: {  	v11 =	vld [tilespmem:s16+$0x9810];
	v0 =	vadd.f32 v1, v0  }
0xc9: {  	v1 =	vld [tilespmem:s16+$0xB830]  }
0xca: {  	v12 =	vld [tilespmem:s16+$0x9820];
	v0 =	vadd.f32 v3, v0  }
0xcb: {  	v3 =	vld [tilespmem:s16+$0xC830]  }
0xcc: {  	v13 =	vld [tilespmem:s16+$0xA810];
	v0 =	vadd.f32 v5, v0  }
0xcd: {  	v5 =	vld [tilespmem:s16+$0xD830]  }
0xce: {  	v14 =	vld [tilespmem:s16+$0xB800];
	v0 =	vadd.f32 v1, v0  }
0xcf: {  	v1 =	vld [tilespmem:s16+$0xE830]  }
0xd0: {  	v15 =	vld [tilespmem:s16+$0xB820];
	v0 =	vadd.f32 v3, v0  }
0xd1: {  	v3 =	vld [tilespmem:s16+$0xF830]  }
0xd2: {  	v60 =	vld [tilespmem:s16+$0xD800];
	v0 =	vadd.f32 v5, v0  }
0xd3: {  	v5 =	vld [tilespmem:s16+$0x10830]  }
0xd4: {  	v61 =	vld [tilespmem:s16+$0xD810];
	v0 =	vadd.f32 v1, v0  }
0xd5: {  	v62 =	vld [tilespmem:s16+$0xE820]  }
0xd6: {  	v1 =	vld [tilespmem:s16+$0xA800];
	v0 =	vadd.f32 v3, v0  }
0xd7: {  	v2 =	vadd.f32 v4, v2;
	v4 =	vadd.f32 v7, v6;
	v3 =	vld [tilespmem:s16+$0xA820]  }
0xd8: {  	v7 =	vadd.f32 v9, v8;
	v0 =	vadd.f32 v5, v0;
	v5 =	vld [tilespmem:s16+$0xB810]  }
0xd9: {  	v6 =	vld [tilespmem:s16+$0xC810];
	v2 =	vadd.f32 v10, v2;
	v4 =	vadd.f32 v11, v4  }
0xda: {  	v7 =	vadd.f32 v12, v7;
	[tilespmem:s16+$0x1B830] =	vst v0;
	v0 =	vld [tilespmem:s16+$0xC800]  }
0xdb: {  	v8 =	vld [tilespmem:s16+$0xC820];
	v1 =	vadd.f32 v1, v2;
	v2 =	vadd.f32 v13, v4  }
0xdc: {  	v4 =	vld [tilespmem:s16+$0xD820];
	v3 =	vadd.f32 v3, v7  }
0xdd: {  	v7 =	vld [tilespmem:s16+$0xE800];
	v1 =	vadd.f32 v14, v1;
	v2 =	vadd.f32 v5, v2  }
0xde: {  	v5 =	vld [tilespmem:s16+$0xE810];
	v3 =	vadd.f32 v15, v3  }
0xdf: {  	v0 =	vadd.f32 v0, v1;
	v1 =	vadd.f32 v6, v2;
	v6 =	vld [tilespmem:s16+$0xF800]  }
0xe0: {  	v2 =	vadd.f32 v8, v3;
	v8 =	vld [tilespmem:s16+$0xF810]  }
0xe1: {  	v0 =	vadd.f32 v60, v0;
	v63 =	vadd.f32 v61, v1;
	v1 =	vld [tilespmem:s16+$0xF820]  }
0xe2: {  	v3 =	vld [tilespmem:s16+$0x10800];
	v4 =	vadd.f32 v4, v2  }
0xe3: {  	v2 =	vld [tilespmem:s16+$0x10810];
	v0 =	vadd.f32 v7, v0;
	v7 =	vadd.f32 v5, v63  }
0xe4: {  	s17 =	simm.s32 $0x40;
	v5 =	vadd.f32 v62, v4;
	v4 =	vld [tilespmem:s16+$0x10820]  }
0xe5: {  	s18 =	simm.s32 $0x200;
	v6 =	vadd.f32 v6, v0;
	v0 =	vld [tilespmem:s17+$0x7830];
	v7 =	vadd.f32 v8, v7  }
.LBB2_3:
0xe6: {  	p2 =	sne.s32 s18, $0x3F00;
	v8 =	vld [tilespmem:s17+$0x8830];
	v1 =	vadd.f32 v1, v5  }
0xe7: {  	v5 =	vld [tilespmem:s17+$0x7800];
	v3 =	vadd.f32 v3, v6  }
0xe8: {  	v6 =	vld [tilespmem:s17+$0x9830];
	v2 =	vadd.f32 v2, v7  }
0xe9: {  	v7 =	vld [tilespmem:s17+$0x8800];
	[tilespmem:s16+$0x1B800] =	vst v3;
	v1 =	vadd.f32 v4, v1  }
0xea: {  	v3 =	vld [tilespmem:s17+$0xA830];
	[tilespmem:s16+$0x1B810] =	vst v2  }
0xeb: {  	v2 =	vld [tilespmem:s17+$0x7810];
	v0 =	vadd.f32 v8, v0;
	[tilespmem:s16+$0x1B820] =	vst v1;
	s16 =	smov.u32 s17  }
0xec: {  	v1 =	vld [tilespmem:s16+$0xB830]  }
0xed: {  	v4 =	vld [tilespmem:s16+$0x8810];
	v0 =	vadd.f32 v6, v0  }
0xee: {  	v5 =	vadd.f32 v7, v5;
	v6 =	vld [tilespmem:s16+$0xC830]  }
0xef: {  	v7 =	vld [tilespmem:s16+$0x7820];
	v0 =	vadd.f32 v3, v0  }
0xf0: {  	v3 =	vld [tilespmem:s16+$0xD830]  }
0xf1: {  	v8 =	vld [tilespmem:s16+$0x8820];
	v0 =	vadd.f32 v1, v0  }
0xf2: {  	v1 =	vadd.f32 v4, v2;
	v2 =	vld [tilespmem:s16+$0xE830]  }
0xf3: {  	v4 =	vld [tilespmem:s16+$0x9800];
	v0 =	vadd.f32 v6, v0  }
0xf4: {  	v6 =	vld [tilespmem:s16+$0xF830]  }
0xf5: {  	v9 =	vld [tilespmem:s16+$0x9810];
	v0 =	vadd.f32 v3, v0  }
0xf6: {  	v3 =	vadd.f32 v8, v7;
	v7 =	vld [tilespmem:s16+$0x10830]  }
0xf7: {  	v8 =	vld [tilespmem:s16+$0x9820];
	v0 =	vadd.f32 v2, v0  }
0xf8: {  	v2 =	vadd.f32 v4, v5;
	v4 =	vld [tilespmem:s16+$0xA800]  }
0xf9: {  	v5 =	vld [tilespmem:s16+$0xA810];
	v0 =	vadd.f32 v6, v0  }
0xfa: {  	v1 =	vadd.f32 v9, v1;
	v6 =	vld [tilespmem:s16+$0xA820]  }
0xfb: {  	v9 =	vld [tilespmem:s16+$0xB800];
	v0 =	vadd.f32 v7, v0  }
0xfc: {  	v7 =	vld [tilespmem:s16+$0xB810];
	v3 =	vadd.f32 v8, v3  }
0xfd: {  	v2 =	vadd.f32 v4, v2;
	v4 =	vld [tilespmem:s16+$0xB820];
	[tilespmem:s16+$0x1B830] =	vst v0  }
0xfe: {  	v0 =	vld [tilespmem:s16+$0xC800];
	v1 =	vadd.f32 v5, v1  }
0xff: {  	v5 =	vld [tilespmem:s16+$0xC810];
	v3 =	vadd.f32 v6, v3  }
0x100: {  	v2 =	vadd.f32 v9, v2;
	v6 =	vld [tilespmem:s16+$0xC820]  }
0x101: {  	v8 =	vld [tilespmem:s16+$0xD800];
	v1 =	vadd.f32 v7, v1  }
0x102: {  	v7 =	vld [tilespmem:s16+$0xD810];
	v3 =	vadd.f32 v4, v3  }
0x103: {  	v0 =	vadd.f32 v0, v2;
	v2 =	vld [tilespmem:s16+$0xD820]  }
0x104: {  	v4 =	vld [tilespmem:s16+$0xE800];
	v1 =	vadd.f32 v5, v1  }
0x105: {  	v5 =	vld [tilespmem:s16+$0xE810];
	v3 =	vadd.f32 v6, v3  }
0x106: {  	v0 =	vadd.f32 v8, v0;
	v6 =	vld [tilespmem:s16+$0xE820]  }
0x107: {  	v8 =	vld [tilespmem:s16+$0xF800];
	v7 =	vadd.f32 v7, v1  }
0x108: {  	v9 =	vld [tilespmem:s16+$0xF810];
	v10 =	vadd.f32 v2, v3  }
.Ltmp0:
0x109: {  	v0 =	vadd.f32 v4, v0;
	v1 =	vld [tilespmem:s16+$0xF820];
	(pc) =	sbr.rel @p2 .LBB2_3-.Ltmp0, $4  }
0x10a: {  	v3 =	vld [tilespmem:s16+$0x10800];
	v7 =	vadd.f32 v5, v7  }
0x10b: {  	v2 =	vld [tilespmem:s16+$0x10810];
	v5 =	vadd.f32 v6, v10  }
0x10c: {  	s17 =	sshra.s32 s18, $0x2;
	v6 =	vadd.f32 v8, v0;
	v4 =	vld [tilespmem:s16+$0x10820]  }
0x10d: {  	s18 =	sadd.s32 $0x100, s18;
	v0 =	vld [tilespmem:s17+$0x7830];
	v7 =	vadd.f32 v9, v7  }
0x10e: {  	v8 =	vld [tilespmem:s17+$0x8830]  }
0x10f: {  	v9 =	vld [tilespmem:s17+$0x7800];
	v1 =	vadd.f32 v1, v5;
	v3 =	vadd.f32 v3, v6  }
0x110: {  	v32 =	vld [tilespmem:s17+$0x9830];
	v2 =	vadd.f32 v2, v7  }
0x111: {  	v10 =	vld [tilespmem:s17+$0x8800];
	[tilespmem:s16+$0x1B800] =	vst v3;
	v1 =	vadd.f32 v4, v1  }
0x112: {  	v3 =	vld [tilespmem:s17+$0xA830];
	[tilespmem:s16+$0x1B810] =	vst v2  }
0x113: {  	v2 =	vld [tilespmem:s17+$0x7810];
	[tilespmem:s16+$0x1B820] =	vst v1  }
0x114: {  	v1 =	vld [tilespmem:s17+$0xB830]  }
0x115: {  	v33 =	vld [tilespmem:s17+$0x8810]  }
0x116: {  	v34 =	vld [tilespmem:s17+$0xC830]  }
0x117: {  	v35 =	vld [tilespmem:s17+$0x7820]  }
0x118: {  	v36 =	vld [tilespmem:s17+$0xD830]  }
0x119: {  	v37 =	vld [tilespmem:s17+$0x8820]  }
0x11a: {  	v38 =	vld [tilespmem:s17+$0xE830]  }
0x11b: {  	v39 =	vld [tilespmem:s17+$0x9800]  }
0x11c: {  	v40 =	vld [tilespmem:s17+$0xF830]  }
0x11d: {  	v11 =	vld [tilespmem:s17+$0x9810]  }
0x11e: {  	v41 =	vld [tilespmem:s17+$0x10830]  }
0x11f: {  	v0 =	vadd.f32 v8, v0;
	v12 =	vld [tilespmem:s17+$0x9820]  }
0x120: {  	v42 =	vld [tilespmem:s17+$0xA800]  }
0x121: {  	v13 =	vld [tilespmem:s17+$0xA810];
	v0 =	vadd.f32 v32, v0  }
0x122: {  	v43 =	vld [tilespmem:s17+$0xA820]  }
0x123: {  	v14 =	vld [tilespmem:s17+$0xB800];
	v0 =	vadd.f32 v3, v0  }
0x124: {  	v44 =	vld [tilespmem:s17+$0xB810]  }
0x125: {  	v15 =	vld [tilespmem:s17+$0xB820];
	v0 =	vadd.f32 v1, v0  }
0x126: {  	v45 =	vld [tilespmem:s17+$0xC800]  }
0x127: {  	v46 =	vld [tilespmem:s17+$0xC810];
	v2 =	vadd.f32 v33, v2;
	v0 =	vadd.f32 v34, v0  }
0x128: {  	v9 =	vadd.f32 v10, v9;
	v47 =	vld [tilespmem:s17+$0xC820];
	v6 =	vadd.f32 v37, v35  }
0x129: {  	v49 =	vld [tilespmem:s17+$0xD800];
	v2 =	vadd.f32 v11, v2;
	v0 =	vadd.f32 v36, v0  }
0x12a: {  	v50 =	vld [tilespmem:s17+$0xD810];
	v48 =	vadd.f32 v39, v9;
	v6 =	vadd.f32 v12, v6  }
0x12b: {  	v51 =	vld [tilespmem:s17+$0xD820];
	v2 =	vadd.f32 v13, v2;
	v0 =	vadd.f32 v38, v0  }
0x12c: {  	v52 =	vld [tilespmem:s17+$0xE800];
	v1 =	vadd.f32 v42, v48;
	v5 =	vadd.f32 v43, v6  }
0x12d: {  	v53 =	vld [tilespmem:s17+$0xE810];
	v2 =	vadd.f32 v44, v2;
	v0 =	vadd.f32 v40, v0  }
0x12e: {  	v54 =	vld [tilespmem:s17+$0xE820];
	v1 =	vadd.f32 v14, v1;
	v5 =	vadd.f32 v15, v5  }
0x12f: {  	v55 =	vld [tilespmem:s17+$0xF800];
	v2 =	vadd.f32 v46, v2;
	v0 =	vadd.f32 v41, v0  }
0x130: {  	v56 =	vld [tilespmem:s17+$0xF810];
	v4 =	vadd.f32 v47, v5  }
0x131: {  	v57 =	vld [tilespmem:s17+$0xF820];
	v2 =	vadd.f32 v50, v2;
	[tilespmem:s17+$0x1B830] =	vst v0;
	v0 =	vadd.f32 v45, v1  }
0x132: {  	v59 =	vld [tilespmem:s17+$0x10810];
	v4 =	vadd.f32 v51, v4  }
0x133: {  	v60 =	vld [tilespmem:s17+$0x10820];
	v2 =	vadd.f32 v53, v2;
	v0 =	vadd.f32 v49, v0  }
0x134: {  	v58 =	vld [tilespmem:s17+$0x10800];
	v3 =	vadd.f32 v54, v4  }
0x135: {  	v61 =	vadd.f32 v56, v2;
	v0 =	vadd.f32 v52, v0  }
0x136: {  	s0 =	smov.u32 s26;
	v62 =	vadd.f32 v57, v3  }
0x137: {  	p2 =	sne.s32 s14, $0x17;
	s0 =	smov.u32 @p0 s5;
	s16 =	sshll.u32 s14, $0x7;
	v1 =	vadd.f32 v59, v61;
	v0 =	vadd.f32 v55, v0  }
.Ltmp1:
0x138: {  	s0 =	sadd.s32 s0, s16;
	v63 =	vadd.f32 v60, v62;
	(pc) =	sbr.rel @p2 .LBB2_6-.Ltmp1, $4  }
0x139: {  	s0 =	sshll.u32 s0, $0x3;
	[tilespmem:s17+$0x1B810] =	vst v1;
	v0 =	vadd.f32 v58, v0  }
0x13a: {  	s0 =	sand.u32 $0x1FFFFC00, s0;
	[tilespmem:s17+$0x1B820] =	vst v63  }
0x13b: {  	s0 =	sadd.s32 s4, s0;
	[tilespmem:s17+$0x1B800] =	vst v0  }
0x13c: {  	[hbm4b:s0+s2] =	stream.linear.scatter [tilespmem:s8], [sflag:$0x3], $0x1000, $0x38;
	[tilespmem:$0x1D800] =	vst v63  }
.Ltmp2:
0x13d: {  	(pc) =	sbr.rel .LBB2_7-.Ltmp2, $4  }
0x13e: {  	_ = 	snop  }
0x13f: {  	_ =	swait.ge [sflag:s9], $0xA000  }
0x140: {  	[sflag:s9] =	ssyncset.done $0x0  }
0x141: {  	[sflag:s9] =	ssyncadd.s32 $0xFFFF6000  }
.LBB2_6:
0x142: {  	s0 =	smin.u32 s31, $0x5;
	s17 =	smax.u32 s31, $0x6  }
0x143: {  	s0 =	sshll.u32 s0, $0x6;
	s17 =	sshll.u32 s17, $0x6  }
0x144: {  	p2 =	slt.u32 s14, $0x3;
	s18 =	sadd.s32 $0x80, s0;
	s31 =	sadd.s32 $0x1280, s17  }
0x145: {  	s31 =	smov.u32 @p2 s18  }
0x146: {  	[tilespmem:s19], [sflag:$0x1] =	stream.indirect.gather [hbm4b:s3+s12], $0x40, s31, s12, $0xb8;
	[tilespmem:$0x1D800] =	vst v63  }
0x147: {  	s18 =	sadd.s32 $0x280, s0;
	s31 =	sadd.s32 $0x1C80, s17  }
0x148: {  	s31 =	smov.u32 @p2 s18  }
0x149: {  	[tilespmem:s20], [sflag:$0x1] =	stream.indirect.gather [hbm4b:s3+s12], $0x40, s31, s12, $0xb8;
	[tilespmem:$0x1D800] =	vst v63  }
0x14a: {  	s18 =	sadd.s32 $0x480, s0;
	s31 =	sadd.s32 $0x2680, s17  }
0x14b: {  	s31 =	smov.u32 @p2 s18;
	s18 =	simm.s32 $0x9800  }
0x14c: {  	[tilespmem:s18], [sflag:$0x1] =	stream.indirect.gather [hbm4b:s3+s12], $0x40, s31, s12, $0xb8;
	[tilespmem:$0x1D800] =	vst v63  }
0x14d: {  	s18 =	sadd.s32 $0x680, s0;
	s31 =	sadd.s32 $0x3080, s17  }
0x14e: {  	s31 =	smov.u32 @p2 s18;
	s18 =	simm.s32 $0xA800  }
0x14f: {  	[tilespmem:s18], [sflag:$0x1] =	stream.indirect.gather [hbm4b:s3+s12], $0x40, s31, s12, $0xb8;
	[tilespmem:$0x1D800] =	vst v63  }
0x150: {  	s18 =	sadd.s32 $0x880, s0;
	s31 =	sadd.s32 $0x3A80, s17  }
0x151: {  	s31 =	smov.u32 @p2 s18;
	s18 =	simm.s32 $0xB800  }
0x152: {  	[tilespmem:s18], [sflag:$0x1] =	stream.indirect.gather [hbm4b:s3+s12], $0x40, s31, s12, $0xb8;
	[tilespmem:$0x1D800] =	vst v63  }
0x153: {  	s18 =	sadd.s32 $0xA80, s0;
	s31 =	sadd.s32 $0x4480, s17  }
0x154: {  	s31 =	smov.u32 @p2 s18;
	s18 =	simm.s32 $0xC800  }
0x155: {  	[tilespmem:s18], [sflag:$0x1] =	stream.indirect.gather [hbm4b:s3+s12], $0x40, s31, s12, $0xb8;
	[tilespmem:$0x1D800] =	vst v63  }
0x156: {  	s18 =	sadd.s32 $0xC80, s0;
	s31 =	sadd.s32 $0x4E80, s17  }
0x157: {  	s31 =	smov.u32 @p2 s18;
	s18 =	simm.s32 $0xD800  }
0x158: {  	[tilespmem:s18], [sflag:$0x1] =	stream.indirect.gather [hbm4b:s3+s12], $0x40, s31, s12, $0xb8;
	[tilespmem:$0x1D800] =	vst v63  }
0x159: {  	s18 =	sadd.s32 $0xE80, s0;
	s31 =	sadd.s32 $0x5880, s17  }
0x15a: {  	s31 =	smov.u32 @p2 s18;
	s18 =	simm.s32 $0xE800  }
0x15b: {  	[tilespmem:s18], [sflag:$0x1] =	stream.indirect.gather [hbm4b:s3+s12], $0x40, s31, s12, $0xb8;
	[tilespmem:$0x1D800] =	vst v63  }
0x15c: {  	s18 =	sadd.s32 $0x1080, s0;
	s31 =	sadd.s32 $0x6280, s17;
	s0 =	sadd.s32 $0x1280, s0  }
0x15d: {  	s17 =	sadd.s32 $0x6C80, s17;
	s31 =	smov.u32 @p2 s18;
	s18 =	simm.s32 $0xF800  }
0x15e: {  	[tilespmem:s18], [sflag:$0x1] =	stream.indirect.gather [hbm4b:s3+s12], $0x40, s31, s12, $0xb8;
	[tilespmem:$0x1D800] =	vst v63  }
.Ltmp3:
0x15f: {  	s17 =	smov.u32 @p2 s0;
	s31 =	simm.s32 $0x10800;
	(pc) =	sbr.rel @p1 .LBB2_8-.Ltmp3, $4  }
0x160: {  	[tilespmem:s31], [sflag:$0x1] =	stream.indirect.gather [hbm4b:s3+s12], $0x40, s17, s12, $0xb8;
	[tilespmem:$0x1D800] =	vst v63  }
0x161: {  	_ =	swait.ge [sflag:s9], $0xA000  }
0x162: {  	[sflag:s9] =	ssyncset.done $0x0  }
0x163: {  	[sflag:s9] =	ssyncadd.s32 $0xFFFF6000  }
.LBB2_7:
0x164: {  	_ =	swait.ge [sflag:s10], $0x1000  }
0x165: {  	[sflag:s10] =	ssyncset.done $0x0  }
0x166: {  	[sflag:s10] =	ssyncadd.s32 $0xFFFFF000  }
.LBB2_8:
0x167: {  	s31 =	simm.s32 $0x0  }
0x168: {  	v0 =	vld [tilespmem:s31+$0x11830]  }
0x169: {  	v1 =	vld [tilespmem:s31+$0x12830]  }
0x16a: {  	v2 =	vld [tilespmem:s31+$0x11800]  }
0x16b: {  	v3 =	vld [tilespmem:s31+$0x13830]  }
0x16c: {  	v4 =	vld [tilespmem:s31+$0x12800]  }
0x16d: {  	v5 =	vld [tilespmem:s31+$0x14830]  }
0x16e: {  	v6 =	vld [tilespmem:s31+$0x11810]  }
0x16f: {  	v7 =	vld [tilespmem:s31+$0x12810]  }
0x170: {  	v8 =	vld [tilespmem:s31+$0x11820]  }
0x171: {  	v9 =	vld [tilespmem:s31+$0x12820]  }
0x172: {  	v10 =	vld [tilespmem:s31+$0x13800]  }
0x173: {  	v11 =	vld [tilespmem:s31+$0x13810];
	v0 =	vadd.f32 v1, v0  }
0x174: {  	v1 =	vld [tilespmem:s31+$0x15830]  }
0x175: {  	v12 =	vld [tilespmem:s31+$0x13820];
	v0 =	vadd.f32 v3, v0  }
0x176: {  	v3 =	vld [tilespmem:s31+$0x16830]  }
0x177: {  	v13 =	vld [tilespmem:s31+$0x14810];
	v0 =	vadd.f32 v5, v0  }
0x178: {  	v5 =	vld [tilespmem:s31+$0x17830]  }
0x179: {  	v14 =	vld [tilespmem:s31+$0x15800];
	v0 =	vadd.f32 v1, v0  }
0x17a: {  	v1 =	vld [tilespmem:s31+$0x18830]  }
0x17b: {  	v15 =	vld [tilespmem:s31+$0x15820];
	v0 =	vadd.f32 v3, v0  }
0x17c: {  	v3 =	vld [tilespmem:s31+$0x19830]  }
0x17d: {  	v60 =	vld [tilespmem:s31+$0x17800];
	v0 =	vadd.f32 v5, v0  }
0x17e: {  	v5 =	vld [tilespmem:s31+$0x1A830]  }
0x17f: {  	v61 =	vld [tilespmem:s31+$0x17810];
	v0 =	vadd.f32 v1, v0  }
0x180: {  	v62 =	vld [tilespmem:s31+$0x18820]  }
0x181: {  	v1 =	vld [tilespmem:s31+$0x14800];
	v0 =	vadd.f32 v3, v0  }
0x182: {  	v2 =	vadd.f32 v4, v2;
	v4 =	vadd.f32 v7, v6;
	v3 =	vld [tilespmem:s31+$0x14820]  }
0x183: {  	v7 =	vadd.f32 v9, v8;
	v0 =	vadd.f32 v5, v0;
	v5 =	vld [tilespmem:s31+$0x15810]  }
0x184: {  	v6 =	vld [tilespmem:s31+$0x16810];
	v2 =	vadd.f32 v10, v2;
	v4 =	vadd.f32 v11, v4  }
0x185: {  	v7 =	vadd.f32 v12, v7;
	[tilespmem:s31+$0x1C830] =	vst v0;
	v0 =	vld [tilespmem:s31+$0x16800]  }
0x186: {  	v8 =	vld [tilespmem:s31+$0x16820];
	v1 =	vadd.f32 v1, v2;
	v2 =	vadd.f32 v13, v4  }
0x187: {  	v4 =	vld [tilespmem:s31+$0x17820];
	v3 =	vadd.f32 v3, v7  }
0x188: {  	v7 =	vld [tilespmem:s31+$0x18800];
	v1 =	vadd.f32 v14, v1;
	v2 =	vadd.f32 v5, v2  }
0x189: {  	v5 =	vld [tilespmem:s31+$0x18810];
	v3 =	vadd.f32 v15, v3  }
0x18a: {  	v0 =	vadd.f32 v0, v1;
	v1 =	vadd.f32 v6, v2;
	v6 =	vld [tilespmem:s31+$0x19800]  }
0x18b: {  	v2 =	vadd.f32 v8, v3;
	v8 =	vld [tilespmem:s31+$0x19810]  }
0x18c: {  	v0 =	vadd.f32 v60, v0;
	v63 =	vadd.f32 v61, v1;
	v1 =	vld [tilespmem:s31+$0x19820]  }
0x18d: {  	v3 =	vld [tilespmem:s31+$0x1A800];
	v4 =	vadd.f32 v4, v2  }
0x18e: {  	v2 =	vld [tilespmem:s31+$0x1A810];
	v0 =	vadd.f32 v7, v0;
	v7 =	vadd.f32 v5, v63  }
0x18f: {  	s17 =	simm.s32 $0x40;
	v5 =	vadd.f32 v62, v4;
	v4 =	vld [tilespmem:s31+$0x1A820]  }
0x190: {  	s18 =	simm.s32 $0x200;
	v6 =	vadd.f32 v6, v0;
	v0 =	vld [tilespmem:s17+$0x11830];
	v7 =	vadd.f32 v8, v7  }
.LBB2_9:
0x191: {  	p1 =	sne.s32 s18, $0x3F00;
	v8 =	vld [tilespmem:s17+$0x12830];
	v1 =	vadd.f32 v1, v5  }
0x192: {  	v5 =	vld [tilespmem:s17+$0x11800];
	v3 =	vadd.f32 v3, v6  }
0x193: {  	v6 =	vld [tilespmem:s17+$0x13830];
	v2 =	vadd.f32 v2, v7  }
0x194: {  	v7 =	vld [tilespmem:s17+$0x12800];
	[tilespmem:s31+$0x1C800] =	vst v3;
	v1 =	vadd.f32 v4, v1  }
0x195: {  	v3 =	vld [tilespmem:s17+$0x14830];
	[tilespmem:s31+$0x1C810] =	vst v2  }
0x196: {  	v2 =	vld [tilespmem:s17+$0x11810];
	v0 =	vadd.f32 v8, v0;
	[tilespmem:s31+$0x1C820] =	vst v1;
	s31 =	smov.u32 s17  }
0x197: {  	v1 =	vld [tilespmem:s31+$0x15830]  }
0x198: {  	v4 =	vld [tilespmem:s31+$0x12810];
	v0 =	vadd.f32 v6, v0  }
0x199: {  	v5 =	vadd.f32 v7, v5;
	v6 =	vld [tilespmem:s31+$0x16830]  }
0x19a: {  	v7 =	vld [tilespmem:s31+$0x11820];
	v0 =	vadd.f32 v3, v0  }
0x19b: {  	v3 =	vld [tilespmem:s31+$0x17830]  }
0x19c: {  	v8 =	vld [tilespmem:s31+$0x12820];
	v0 =	vadd.f32 v1, v0  }
0x19d: {  	v1 =	vadd.f32 v4, v2;
	v2 =	vld [tilespmem:s31+$0x18830]  }
0x19e: {  	v4 =	vld [tilespmem:s31+$0x13800];
	v0 =	vadd.f32 v6, v0  }
0x19f: {  	v6 =	vld [tilespmem:s31+$0x19830]  }
0x1a0: {  	v9 =	vld [tilespmem:s31+$0x13810];
	v0 =	vadd.f32 v3, v0  }
0x1a1: {  	v3 =	vadd.f32 v8, v7;
	v7 =	vld [tilespmem:s31+$0x1A830]  }
0x1a2: {  	v8 =	vld [tilespmem:s31+$0x13820];
	v0 =	vadd.f32 v2, v0  }
0x1a3: {  	v2 =	vadd.f32 v4, v5;
	v4 =	vld [tilespmem:s31+$0x14800]  }
0x1a4: {  	v5 =	vld [tilespmem:s31+$0x14810];
	v0 =	vadd.f32 v6, v0  }
0x1a5: {  	v1 =	vadd.f32 v9, v1;
	v6 =	vld [tilespmem:s31+$0x14820]  }
0x1a6: {  	v9 =	vld [tilespmem:s31+$0x15800];
	v0 =	vadd.f32 v7, v0  }
0x1a7: {  	v7 =	vld [tilespmem:s31+$0x15810];
	v3 =	vadd.f32 v8, v3  }
0x1a8: {  	v2 =	vadd.f32 v4, v2;
	v4 =	vld [tilespmem:s31+$0x15820];
	[tilespmem:s31+$0x1C830] =	vst v0  }
0x1a9: {  	v0 =	vld [tilespmem:s31+$0x16800];
	v1 =	vadd.f32 v5, v1  }
0x1aa: {  	v5 =	vld [tilespmem:s31+$0x16810];
	v3 =	vadd.f32 v6, v3  }
0x1ab: {  	v2 =	vadd.f32 v9, v2;
	v6 =	vld [tilespmem:s31+$0x16820]  }
0x1ac: {  	v8 =	vld [tilespmem:s31+$0x17800];
	v1 =	vadd.f32 v7, v1  }
0x1ad: {  	v7 =	vld [tilespmem:s31+$0x17810];
	v3 =	vadd.f32 v4, v3  }
0x1ae: {  	v0 =	vadd.f32 v0, v2;
	v2 =	vld [tilespmem:s31+$0x17820]  }
0x1af: {  	v4 =	vld [tilespmem:s31+$0x18800];
	v1 =	vadd.f32 v5, v1  }
0x1b0: {  	v5 =	vld [tilespmem:s31+$0x18810];
	v3 =	vadd.f32 v6, v3  }
0x1b1: {  	v0 =	vadd.f32 v8, v0;
	v6 =	vld [tilespmem:s31+$0x18820]  }
0x1b2: {  	v8 =	vld [tilespmem:s31+$0x19800];
	v7 =	vadd.f32 v7, v1  }
0x1b3: {  	v9 =	vld [tilespmem:s31+$0x19810];
	v10 =	vadd.f32 v2, v3  }
.Ltmp4:
0x1b4: {  	v0 =	vadd.f32 v4, v0;
	v1 =	vld [tilespmem:s31+$0x19820];
	(pc) =	sbr.rel @p1 .LBB2_9-.Ltmp4, $4  }
0x1b5: {  	v3 =	vld [tilespmem:s31+$0x1A800];
	v7 =	vadd.f32 v5, v7  }
0x1b6: {  	v2 =	vld [tilespmem:s31+$0x1A810];
	v5 =	vadd.f32 v6, v10  }
0x1b7: {  	s17 =	sshra.s32 s18, $0x2;
	v6 =	vadd.f32 v8, v0;
	v4 =	vld [tilespmem:s31+$0x1A820]  }
0x1b8: {  	s18 =	sadd.s32 $0x100, s18;
	v0 =	vld [tilespmem:s17+$0x11830];
	v7 =	vadd.f32 v9, v7  }
0x1b9: {  	v8 =	vld [tilespmem:s17+$0x12830]  }
0x1ba: {  	v9 =	vld [tilespmem:s17+$0x11800];
	v1 =	vadd.f32 v1, v5;
	v3 =	vadd.f32 v3, v6  }
0x1bb: {  	v32 =	vld [tilespmem:s17+$0x13830];
	v2 =	vadd.f32 v2, v7  }
0x1bc: {  	v10 =	vld [tilespmem:s17+$0x12800];
	[tilespmem:s31+$0x1C800] =	vst v3;
	v1 =	vadd.f32 v4, v1  }
0x1bd: {  	v3 =	vld [tilespmem:s17+$0x14830];
	[tilespmem:s31+$0x1C810] =	vst v2  }
0x1be: {  	v2 =	vld [tilespmem:s17+$0x11810];
	[tilespmem:s31+$0x1C820] =	vst v1  }
0x1bf: {  	v1 =	vld [tilespmem:s17+$0x15830]  }
0x1c0: {  	v33 =	vld [tilespmem:s17+$0x12810]  }
0x1c1: {  	v34 =	vld [tilespmem:s17+$0x16830]  }
0x1c2: {  	v35 =	vld [tilespmem:s17+$0x11820]  }
0x1c3: {  	v36 =	vld [tilespmem:s17+$0x17830]  }
0x1c4: {  	v37 =	vld [tilespmem:s17+$0x12820]  }
0x1c5: {  	v38 =	vld [tilespmem:s17+$0x18830]  }
0x1c6: {  	v39 =	vld [tilespmem:s17+$0x13800]  }
0x1c7: {  	v40 =	vld [tilespmem:s17+$0x19830]  }
0x1c8: {  	v11 =	vld [tilespmem:s17+$0x13810]  }
0x1c9: {  	v41 =	vld [tilespmem:s17+$0x1A830]  }
0x1ca: {  	v0 =	vadd.f32 v8, v0;
	v12 =	vld [tilespmem:s17+$0x13820]  }
0x1cb: {  	v42 =	vld [tilespmem:s17+$0x14800]  }
0x1cc: {  	v13 =	vld [tilespmem:s17+$0x14810];
	v0 =	vadd.f32 v32, v0  }
0x1cd: {  	v43 =	vld [tilespmem:s17+$0x14820]  }
0x1ce: {  	v14 =	vld [tilespmem:s17+$0x15800];
	v0 =	vadd.f32 v3, v0  }
0x1cf: {  	v44 =	vld [tilespmem:s17+$0x15810]  }
0x1d0: {  	v15 =	vld [tilespmem:s17+$0x15820];
	v0 =	vadd.f32 v1, v0  }
0x1d1: {  	v45 =	vld [tilespmem:s17+$0x16800]  }
0x1d2: {  	v46 =	vld [tilespmem:s17+$0x16810];
	v2 =	vadd.f32 v33, v2;
	v0 =	vadd.f32 v34, v0  }
0x1d3: {  	v9 =	vadd.f32 v10, v9;
	v47 =	vld [tilespmem:s17+$0x16820];
	v6 =	vadd.f32 v37, v35  }
0x1d4: {  	v49 =	vld [tilespmem:s17+$0x17800];
	v2 =	vadd.f32 v11, v2;
	v0 =	vadd.f32 v36, v0  }
0x1d5: {  	v50 =	vld [tilespmem:s17+$0x17810];
	v48 =	vadd.f32 v39, v9;
	v6 =	vadd.f32 v12, v6  }
0x1d6: {  	v51 =	vld [tilespmem:s17+$0x17820];
	v2 =	vadd.f32 v13, v2;
	v0 =	vadd.f32 v38, v0  }
0x1d7: {  	v52 =	vld [tilespmem:s17+$0x18800];
	v1 =	vadd.f32 v42, v48;
	v5 =	vadd.f32 v43, v6  }
0x1d8: {  	v53 =	vld [tilespmem:s17+$0x18810];
	v2 =	vadd.f32 v44, v2;
	v0 =	vadd.f32 v40, v0  }
0x1d9: {  	v54 =	vld [tilespmem:s17+$0x18820];
	v1 =	vadd.f32 v14, v1;
	v5 =	vadd.f32 v15, v5  }
0x1da: {  	v55 =	vld [tilespmem:s17+$0x19800];
	v2 =	vadd.f32 v46, v2;
	v0 =	vadd.f32 v41, v0  }
0x1db: {  	v56 =	vld [tilespmem:s17+$0x19810];
	v4 =	vadd.f32 v47, v5  }
0x1dc: {  	v57 =	vld [tilespmem:s17+$0x19820];
	v2 =	vadd.f32 v50, v2;
	[tilespmem:s17+$0x1C830] =	vst v0;
	v0 =	vadd.f32 v45, v1  }
0x1dd: {  	v59 =	vld [tilespmem:s17+$0x1A810];
	v4 =	vadd.f32 v51, v4  }
0x1de: {  	v60 =	vld [tilespmem:s17+$0x1A820];
	v2 =	vadd.f32 v53, v2;
	v0 =	vadd.f32 v49, v0  }
0x1df: {  	v58 =	vld [tilespmem:s17+$0x1A800];
	v3 =	vadd.f32 v54, v4  }
0x1e0: {  	s0 =	sshll.u32 s15, $0x6;
	v61 =	vadd.f32 v56, v2;
	v0 =	vadd.f32 v52, v0  }
0x1e1: {  	s15 =	sadd.s32 s28, s16;
	s14 =	sadd.s32 $0x1, s14;
	s0 =	sadd.s32 s5, s0;
	v62 =	vadd.f32 v57, v3  }
0x1e2: {  	s15 =	smov.u32 @p0 s0;
	p0 =	sne.s32 s14, $0x18;
	v1 =	vadd.f32 v59, v61;
	v0 =	vadd.f32 v55, v0  }
.Ltmp5:
0x1e3: {  	v63 =	vadd.f32 v60, v62;
	(pc) =	sbr.rel @p0 .LBB2_2-.Ltmp5, $4  }
0x1e4: {  	s0 =	sshll.u32 s15, $0x3;
	[tilespmem:s17+$0x1C810] =	vst v1;
	v0 =	vadd.f32 v58, v0  }
0x1e5: {  	s0 =	sand.u32 $0x1FFFFE00, s0;
	[tilespmem:s17+$0x1C820] =	vst v63  }
0x1e6: {  	s0 =	sadd.s32 s4, s0;
	[tilespmem:s17+$0x1C800] =	vst v0  }
0x1e7: {  	[hbm4b:s0+s2] =	stream.linear.scatter [tilespmem:s13], [sflag:$0x4], $0x1000, $0x38;
	[tilespmem:$0x1D800] =	vst v63  }
0x1e8: {  	s0 =	simm.s32 $0x3  }
0x1e9: {  	_ =	swait.ge [sflag:s0], $0x1000  }
0x1ea: {  	[sflag:s0] =	ssyncset.done $0x0  }
0x1eb: {  	[sflag:s0] =	ssyncadd.s32 $0xFFFFF000  }
0x1ec: {  	_ =	swait.ge [sflag:s10], $0x1000  }
0x1ed: {  	s14 =	rddreg [dreg:$0x17]  }
0x1ee: {  	s31 =	rddreg [dreg:$0x16];
	s14 =	sadd.s32 $0x1, s14  }
0x1ef: {  	p0 =	sne.s32 s14, s31  }
.Ltmp6:
0x1f0: {  	_ = 	snop;
	(pc) =	sbr.rel @p0 .LBB2_1-.Ltmp6, $3  }
0x1f1: {  	_ =	sdelay $0x1  }
0x1f2: {  	[sflag:s10] =	ssyncset.done $0x0  }
0x1f3: {  	[sflag:s10] =	ssyncadd.s32 $0xFFFFF000  }
0x1f4: {  	_ =	sfence.sel $0x180000  }
0x1f5: {  	[bflag:$0x0] =	sbarrier.arrive $0xFFFF  }
0x1f6: {  	_ =	strace $0x90000047  }
0x1f7: {  	s0 =	stileid.u32;
	[bflag:$0x2] =	sbarrier.arrive $0xFFFF  }
0x1f8: {  	p0 =	sne.s32 s0, $0x0;
	s0 =	rddreg [dreg:$0x1]  }
0x1f9: {  	s0 =	sadd.s32 @!p0 $0x100000, s0  }
0x1fa: {  	[sflag:s0] =	ssyncadd.tile.s32 @!p0 $0x1;
	_ =	shalt  }
.Lfunc_end2:
_tile_overlayer_lowered:
.L_overlay_start_2:
0x1fb: {  	(tag) =	ssettag $0x2  }
0x1fc: {  	s0 =	rddreg [dreg:$0x0];
	s2 =	stileid.u32  }
0x1fd: {  	s1 =	rddreg [dreg:$0x1];
	p0 =	sne.s32 s2, $0x0  }
0x1fe: {  	s3 =	rddreg [dreg:$0x2];
	[bflag:$0x3] =	sbarrier.arrive $0xFFFF;
	s2 =	simm.s32 @!p0 $0x1C05  }
0x1ff: {  	[timem:s3], [sflag:s2] =	dma.local @!p0 [hbm:s0], s1  }
0x200: {  	s0 =	simm.s32 @!p0 $0x5  }
0x201: {  	_ =	swait.ge @!p0 [sflag:s0], s1  }
0x202: {  	s1 =	ssub.s32 @!p0 $0x0, s1;
	[sflag:s0] =	ssyncset.done @!p0 $0x0  }
0x203: {  	[sflag:s0] =	ssyncadd.s32 @!p0 s1  }
0x204: {  	[bflag:$0x3] =	sbarrier.arrive $0xFFFF  }
0x205: {  	_ =	shalt  }

// kernel: kernel.9.cloned.1.call-start
scs
__scs_entry_jumppad:
0x0: {  	(pc) =	sbr.rel $0x88, $3  }
0x1: {  	(tag) =	ssettag $0x0;
	lr =	simm.s32 $0x1  }
0x2: {  	[smem:$0x3F9B] =	sst lr;
	_ =	strace $0xD0000000  }
0x3: {  	_ = 	snop  }
0x4: {  	_ = 	snop  }
0x5: {  	_ = 	snop  }
0x6: {  	_ = 	snop  }
0x7: {  	_ = 	snop  }
__scs_overlays_trampoline_lowered:
0x8: {  	[smem:$0x3FAA] =	sst s0  }
0x9: {  	[smem:$0x3FAB] =	sst s1  }
0xa: {  	[smem:$0x3FAC] =	sst s2  }
0xb: {  	[smem:$0x3FAD] =	sst s3  }
0xc: {  	[smem:$0x3FAE] =	sst s4  }
0xd: {  	[smem:$0x3FAF] =	sst s5  }
0xe: {  	[smem:$0x3FB0] =	sst s6  }
0xf: {  	[smem:$0x3FB1] =	sst s7  }
0x10: {  	[smem:$0x3FB2] =	sst s8  }
0x11: {  	[smem:$0x3FB3] =	sst s9;
	s0 =	simm.s32 @!p0 $0x0  }
0x12: {  	s1 =	sld [smem:$0x3F99];
	s0 =	simm.s32 @p0 $0x1  }
0x13: {  	[smem:$0x3FB4] =	sst s0;
	s0 =	simm.s32 @!p1 $0x0  }
0x14: {  	s2 =	sld [smem:$0x3F98];
	s0 =	simm.s32 @p1 $0x1  }
0x15: {  	[smem:$0x3FB5] =	sst s0;
	s0 =	simm.s32 @!p2 $0x0  }
0x16: {  	s3 =	sld [smem:$0x3FDB];
	s0 =	simm.s32 @p2 $0x1  }
0x17: {  	s4 =	simm.s32 $0x1BF5;
	[smem:$0x3FB7] =	sst s0  }
0x18: {  	s0 =	sld [smem:$0x3F9A];
	_ =	swait.ge [sflag:s4], $0x0  }
0x19: {  	s7 =	sld [smem:$0x3F9B]  }
0x1a: {  	s8 =	sadd.s32 $0xFFFFE003, lr  }
0x1b: {  	s9 =	sadd.s32 $0xFFFFFEF7, lr;
	s5 =	simm.s32 $0xFFFFFFFF;
	p2 =	slt.u32 s8, $0xFFFFF086  }
0x1c: {  	p1 =	slt.u32 s9, $0xF7A;
	s5 =	simm.s32 @!p2 $0x0  }
0x1d: {  	s5 =	simm.s32 @p1 $0x1;
	p0 =	seq.s32 s7, s2  }
0x1e: {  	s7 =	smul.u32 @!p0 $0xF7A, s2;
	p2 =	seq.s32 @!p0 s5, $0x0  }
0x1f: {  	s9 =	smul.u32 $0xF7A, s1;
	s8 =	simm.s32 @!p0 $0x1BF5;
	p2 =	por !p2, p0  }
0x20: {  	[sflag:s8] =	ssyncset.s32 @!p0 $0xFFFFF086;
	s6 =	sadd.s32 @!p0 s3, s7;
	s7 =	simm.s32 @!p0 $0x108  }
0x21: {  	s3 =	sadd.s32 s3, s9;
	s6 =	sadd.s32 @!p0 $0x88, s6;
	s7 =	simm.s32 @p2 $0x1082  }
0x22: {  	[simem:s7], [sflag:s8] =	dma.local @!p0 [hbm:s6], $0xF7A  }
0x23: {  	s9 =	sor.u32 $0xD0000000, s2;
	s6 =	simm.s32 $0x108;
	_ =	swait.ge @!p0 [sflag:s8], $0x0  }
0x24: {  	s3 =	sadd.s32 $0x88, s3;
	s6 =	simm.s32 @!p1 $0x1082;
	[sflag:s4] =	ssyncset.s32 $0xFFFFF086  }
0x25: {  	[simem:s6], [sflag:s4] =	dma.local [hbm:s3], $0xF7A  }
0x26: {  	[smem:$0x3F9B] =	sst s1;
	(tag) =	ssettag s2;
	_ =	strace s9  }
0x27: {  	s1 =	sld [smem:$0x3FAB]  }
0x28: {  	s2 =	sld [smem:$0x3FAC]  }
0x29: {  	s4 =	sld [smem:$0x3FAE]  }
0x2a: {  	p0 =	seq.s32 s5, $0x0;
	s5 =	sld [smem:$0x3FAF]  }
0x2b: {  	s6 =	sld [smem:$0x3FB0]  }
0x2c: {  	s7 =	sld [smem:$0x3FB1]  }
0x2d: {  	s3 =	simm.s32 $0x108;
	s8 =	sld [smem:$0x3FB2]  }
0x2e: {  	s3 =	simm.s32 @!p0 $0x1082;
	s9 =	sld [smem:$0x3FB3]  }
0x2f: {  	lr =	sadd.s32 s0, s3;
	s0 =	sld [smem:$0x3FAA]  }
0x30: {  	s3 =	sld [smem:$0x3FAD]  }
0x31: {  	[smem:$0x3FB6] =	sst s10  }
0x32: {  	s10 =	sld [smem:$0x3FB4];
	_ =	sdelay $0x3  }
0x33: {  	p0 =	seq.s32 s10, $0x1;
	s10 =	sld [smem:$0x3FB6];
	_ =	sdelay $0x3  }
0x34: {  	[smem:$0x3FB6] =	sst s10  }
0x35: {  	s10 =	sld [smem:$0x3FB5];
	_ =	sdelay $0x3  }
0x36: {  	p1 =	seq.s32 s10, $0x1;
	s10 =	sld [smem:$0x3FB6];
	_ =	sdelay $0x3  }
0x37: {  	[smem:$0x3FB6] =	sst s10  }
0x38: {  	s10 =	sld [smem:$0x3FB7]  }
0x39: {  	_ = 	snop;
	(pc) =	sbr.ind lr, $3  }
0x3a: {  	_ = 	snop  }
0x3b: {  	_ = 	snop  }
0x3c: {  	p2 =	seq.s32 s10, $0x1;
	s10 =	sld [smem:$0x3FB6]  }
0x3d: {  	_ =	shalt  }
0x3e: {  	_ =	shalt  }
0x3f: {  	_ =	shalt  }
0x40: {  	_ =	shalt  }
0x41: {  	_ =	shalt  }
0x42: {  	_ =	shalt  }
0x43: {  	_ =	shalt  }
0x44: {  	_ =	shalt  }
0x45: {  	_ =	shalt  }
0x46: {  	_ =	shalt  }
0x47: {  	_ =	shalt  }
0x48: {  	_ =	shalt  }
0x49: {  	_ =	shalt  }
0x4a: {  	_ =	shalt  }
0x4b: {  	_ =	shalt  }
0x4c: {  	_ =	shalt  }
0x4d: {  	_ =	shalt  }
0x4e: {  	_ =	shalt  }
0x4f: {  	_ =	shalt  }
0x50: {  	_ =	shalt  }
0x51: {  	_ =	shalt  }
0x52: {  	_ =	shalt  }
0x53: {  	_ =	shalt  }
0x54: {  	_ =	shalt  }
0x55: {  	_ =	shalt  }
0x56: {  	_ =	shalt  }
0x57: {  	_ =	shalt  }
0x58: {  	_ =	shalt  }
0x59: {  	_ =	shalt  }
0x5a: {  	_ =	shalt  }
0x5b: {  	_ =	shalt  }
0x5c: {  	_ =	shalt  }
0x5d: {  	_ =	shalt  }
0x5e: {  	_ =	shalt  }
0x5f: {  	_ =	shalt  }
0x60: {  	_ =	shalt  }
0x61: {  	_ =	shalt  }
0x62: {  	_ =	shalt  }
0x63: {  	_ =	shalt  }
0x64: {  	_ =	shalt  }
0x65: {  	_ =	shalt  }
0x66: {  	_ =	shalt  }
0x67: {  	_ =	shalt  }
0x68: {  	_ =	shalt  }
0x69: {  	_ =	shalt  }
0x6a: {  	_ =	shalt  }
0x6b: {  	_ =	shalt  }
0x6c: {  	_ =	shalt  }
0x6d: {  	_ =	shalt  }
0x6e: {  	_ =	shalt  }
0x6f: {  	_ =	shalt  }
0x70: {  	_ =	shalt  }
0x71: {  	_ =	shalt  }
0x72: {  	_ =	shalt  }
0x73: {  	_ =	shalt  }
0x74: {  	_ =	shalt  }
0x75: {  	_ =	shalt  }
0x76: {  	_ =	shalt  }
0x77: {  	_ =	shalt  }
0x78: {  	_ =	shalt  }
0x79: {  	_ =	shalt  }
0x7a: {  	_ =	shalt  }
0x7b: {  	_ =	shalt  }
0x7c: {  	_ =	shalt  }
0x7d: {  	_ =	shalt  }
0x7e: {  	_ =	shalt  }
0x7f: {  	_ =	shalt  }
0x80: {  	_ =	shalt  }
0x81: {  	_ =	shalt  }
0x82: {  	_ =	shalt  }
0x83: {  	_ =	shalt  }
0x84: {  	_ =	shalt  }
0x85: {  	_ =	shalt  }
0x86: {  	_ =	shalt  }
0x87: {  	_ =	shalt  }
.Lfunc_end0:
.L_simem_size_0:
called_computation.1_lowered:
.L_overlay_start_0:
0x88: {  	s2 =	sld [smem:$0x3FD9]  }
0x89: {  	s3 =	sld [smem:$0x3FFE];
	_ =	sdelay $0x1  }
0x8a: {  	s1 =	srdreg.scid  }
0x8b: {  	s0 =	sand.u32 $0x1, s1  }
0x8c: {  	s17 =	sshll.u32 s0, $0xA;
	s2 =	sadd.s32 s3, s2  }
0x8d: {  	s2 =	sadd.s32 s2, s17  }
0x8e: {  	[smem:$0x3FC2] =	sst s2  }
0x8f: {  	_ = 	snop  }
0x90: {  	s2 =	sld [smem:$0x3FC9]  }
0x91: {  	s18 =	sld [smem:$0x3FC7];
	(tm) =	ssettm $0x1  }
0x92: {  	s4 =	sld [smem:$0x3FFB];
	_ =	sdelay $0x3  }
0x93: {  	_ =	strace s4  }
0x94: {  	s4 =	sld [smem:$0x3FFC];
	_ =	sdelay $0x3  }
0x95: {  	_ =	strace s4  }
0x96: {  	s4 =	sld [smem:$0x3FFD];
	_ =	sdelay $0x3  }
0x97: {  	_ =	strace s4  }
0x98: {  	_ =	strace $0x8FFFFFFF  }
0x99: {  	s19 =	sld [smem:$0x3FDB];
	_ =	sdelay $0x1  }
0x9a: {  	s5 =	simm.s32 $_scs_section_size  }
0x9b: {  	s6 =	simm.s32 $_size__tile_overlayer_lowered;
	s7 =	simm.s32 $_tile_overlayer_lowered  }
0x9c: {  	s22 =	simm.s32 $0x1BFF;
	s21 =	sshll.u32 s7, $0x1;
	s4 =	sadd.s32 s5, s19  }
0x9d: {  	s8 =	simm.s32 $0x0;
	s20 =	sshll.u32 s6, $0x1;
	s6 =	sadd.s32 s21, s4  }
0x9e: {  	[timem:s8], [sflag:s22] =	dma.local [hbm:s6], s20  }
0x9f: {  	_ =	swait.ge [sflag:s22], s20  }
0xa0: {  	s5 =	ssub.s32 $0x0, s20;
	[sflag:s22] =	ssyncset.done $0x0  }
0xa1: {  	[sflag:s22] =	ssyncadd.s32 s5;
	_ =	sdelay $0x1  }
0xa2: {  	s23 =	simm.s32 $0x1B8B  }
0xa3: {  	_ =	swait.ge [sflag:s23], $0x1  }
0xa4: {  	[sflag:s23] =	ssyncset.done $0x0  }
0xa5: {  	s25 =	simm.s32 $0x1B8E;
	s24 =	sld [smem:$0x3FFE];
	[sflag:s23] =	ssyncadd.s32 $0xFFFFFFFF  }
0xa6: {  	s26 =	simm.s32 $execute0_lowered;
	[smem:$0x3FD2] =	sst s25  }
0xa7: {  	s6 =	sshll.u32 s26, $0x1;
	_ =	strace $0x80000049;
	[dreg:$0x1] =	wrdreg $0xFFFFFFFF  }
0xa8: {  	s28 =	simm.s32 $_size_execute0_lowered;
	s4 =	sadd.s32 s4, s6;
	[dreg:$0x0] =	wrdreg $0x0  }
0xa9: {  	s6 =	sshll.u32 s28, $0x1;
	[dreg:$0x2] =	wrdreg s4  }
0xaa: {  	[dreg:$0x3] =	wrdreg s6  }
0xab: {  	[dreg:$0x4] =	wrdreg $0xC0  }
0xac: {  	_ =	task [dreg:s8], $0x5FFFF  }
0xad: {  	[dreg:$0x1] =	wrdreg $0xFFFFFFFF  }
0xae: {  	[dreg:$0x0] =	wrdreg $0x60  }
0xaf: {  	[dreg:$0x2] =	wrdreg s24  }
0xb0: {  	[dreg:$0x3] =	wrdreg s2  }
0xb1: {  	[dreg:$0x4] =	wrdreg s18  }
0xb2: {  	[dreg:$0x5] =	wrdreg $0x9  }
0xb3: {  	_ =	task.clear_ibuf [dreg:s8], $0x6FFFF;
	_ =	strace $0x90000049  }
0xb4: {  	s29 =	simm.s32 $0x9;
	_ =	strace $0x8000004B  }
0xb5: {  	_ =	swait.ge [sflag:s29], $0x1  }
0xb6: {  	[sflag:s29] =	ssyncadd.s32 $0xFFFFFFFF  }
0xb7: {  	_ =	strace $0x9000004B  }
0xb8: {  	_ =	sfence  }
0xb9: {  	s30 =	sld [smem:$0x0];
	_ =	sdelay $0x2  }
0xba: {  	s31 =	sshll.u32 s1, $0xD;
	s1 =	sshrl.u32 s1, $0x2  }
0xbb: {  	s3 =	sand.u32 $0x4000, s31;
	s1 =	sadd.s32 s1, s30  }
0xbc: {  	s0 =	sor.u32 s3, s0;
	s1 =	sshll.u32 s1, $0x11  }
0xbd: {  	s0 =	sor.u32 s1, s0  }
0xbe: {  	s0 =	sadd.s32 $0x8F2B, s0  }
0xbf: {  	[sflag:s0] =	ssyncadd.remote.s32 $0x1  }
0xc0: {  	_ =	sfence.sel $0xFFFF  }
0xc1: {  	[dreg:$0x0] =	wrdreg $0xFFFFFFFF;
	(pc) =	sbr.abs _section_cstart, $3  }
0xc2: {  	[dreg:$0x1] =	wrdreg $0xFFFFFFFF  }
0xc3: {  	_ =	task.clear_ibuf [dreg:s8], $0x2FFFF;
	_ =	strace $0x9FFFFFFF  }
0xc4: {  	(tm) =	ssettm $0x7FFFFFFF  }
0xc5: {  	_ =	shalt  }
tec
execute0_lowered:
.L_overlay_start_1:
0x0: {  	(tag) =	ssettag $0x1  }
0x1: {  	s0 =	rddreg [dreg:$0x0]  }
0x2: {  	s1 =	rddreg [dreg:$0x1]  }
0x3: {  	s8 =	rddreg [dreg:$0x2]  }
0x4: {  	s2 =	simm.s32 $0x0;
	s3 =	srdreg.scid;
	s5 =	stileid.u32  }
0x5: {  	s16 =	simm.s32 $0x1;
	s17 =	simm.s32 $0x80;
	s18 =	simm.s32 $0x4C00  }
0x6: {  	s19 =	simm.s32 $0xC00;
	s20 =	simm.s32 $0x6C00;
	s21 =	simm.s32 $0x2C00  }
0x7: {  	s22 =	simm.s32 $0x8C00;
	s23 =	simm.s32 $0x2;
	s24 =	simm.s32 $0x9400  }
0x8: {  	s25 =	simm.s32 $0x3;
	s26 =	simm.s32 $0x4;
	s28 =	simm.s32 $0x0  }
0x9: {  	[smem:$0x7FF] =	sst s2;
	s4 =	sand.u32 $0x1, s3;
	s5 =	sshll.u32 s5, $0x1  }
0xa: {  	s3 =	sadd.s32 $0xF1000, s0;
	_ =	strace $0x8000004A;
	s6 =	ssub.s32 $0x2, s4  }
0xb: {  	s7 =	sor.u32 s4, s5;
	s4 =	sadd.s32 $0x31000, s0;
	s5 =	sadd.s32 $0x1000, s0  }
0xc: {  	s9 =	sshrl.u32 s6, $0x1;
	s13 =	smul.u32 $0xA00, s7;
	s31 =	sshll.u32 s7, $0x6  }
0xd: {  	s11 =	sshll.u32 s7, $0xC;
	s30 =	ssub.s32 s6, s9;
	s6 =	sshll.u32 s7, $0x9  }
0xe: {  	s7 =	sadd.s32 s1, s31;
	s9 =	sadd.s32 s4, s11;
	s10 =	sshrl.u32 s13, $0x3  }
0xf: {  	s11 =	sadd.s32 $0x10003E00, s13;
	s12 =	sadd.s32 $0x3F00, s13;
	s14 =	smax.u32 s30, $0x1  }
0x10: {  	s8 =	sadd.s32 s8, s10;
	s10 =	sadd.s32 $0x3E80, s13;
	s13 =	sadd.s32 $0x10003E80, s13  }
.LBB2_1:
0x11: {  	[tilespmem:s2], [sflag:$0x1] =	stream.linear.gather [hbm4b:s7+s2], $0x200, $0x38;
	[tilespmem:$0x9C00] =	vst v63  }
0x12: {  	s0 =	simm.s32 $0x200  }
0x13: {  	[tilespmem:s0], [sflag:$0x1] =	stream.linear.gather [hbm4b:s8+s2], $0xA00, $0x38;
	[tilespmem:$0x9C00] =	vst v63  }
0x14: {  	_ =	swait.ge [sflag:s16], $0x200  }
0x15: {  	[sflag:s16] =	ssyncset.done $0x0  }
0x16: {  	[sflag:s16] =	ssyncadd.s32 $0xFFFFFE00  }
0x17: {  	_ =	swait.ge [sflag:s16], $0xA00  }
0x18: {  	[sflag:s16] =	ssyncset.done $0x0  }
0x19: {  	[sflag:s16] =	ssyncadd.s32 $0xFFFFF600  }
0x1a: {  	[tilespmem:s18], [sflag:$0x1] =	stream.indirect.gather [hbm4b:s3+s17], $0x40, s2, s17, $0xb8;
	[tilespmem:$0x9C00] =	vst v63  }
0x1b: {  	s29 =	simm.s32 $0x0  }
0x1c: {  	[tilespmem:s19], [sflag:$0x1] =	stream.linear.gather [hbm4b:s9+s2], $0x2000, $0x38;
	[tilespmem:$0x9C00] =	vst v63  }
.LBB2_2:
0x1d: {  	s30 =	sshll.u32 s29, $0x8  }
0x1e: {  	s0 =	sor.u32 $0x80, s30  }
0x1f: {  	[tilespmem:s20], [sflag:$0x2] =	stream.indirect.gather [hbm4b:s3+s17], $0x40, s0, s17, $0xb8;
	[tilespmem:$0x9C00] =	vst v63  }
0x20: {  	p0 =	slt.u32 s29, $0x2;
	s31 =	sadd.s32 s6, s0;
	s0 =	sadd.s32 s30, s10  }
0x21: {  	s0 =	smov.u32 @p0 s31  }
0x22: {  	s0 =	sshll.u32 s0, $0x3  }
0x23: {  	s0 =	sand.u32 $0x1FFFFC00, s0  }
0x24: {  	s0 =	sadd.s32 s4, s0  }
0x25: {  	[tilespmem:s21], [sflag:$0x2] =	stream.linear.gather [hbm4b:s0+s2], $0x2000, $0x38;
	[tilespmem:$0x9C00] =	vst v63  }
0x26: {  	_ =	swait.ge [sflag:s16], $0x2000  }
0x27: {  	[sflag:s16] =	ssyncset.done $0x0  }
0x28: {  	[sflag:s16] =	ssyncadd.s32 $0xFFFFE000  }
0x29: {  	_ =	swait.ge [sflag:s16], $0x2000  }
0x2a: {  	p1 =	seq.s32 s29, $0x0;
	[sflag:s16] =	ssyncset.done $0x0  }
0x2b: {  	s0 =	simm.s32 @!p1 $0x3;
	[sflag:s16] =	ssyncadd.s32 $0xFFFFE000  }
0x2c: {  	_ =	swait.ge @!p1 [sflag:s0], $0x800  }
0x2d: {  	[sflag:s0] =	ssyncset.done @!p1 $0x0  }
0x2e: {  	s15 =	simm.s32 $0x0;
	[sflag:s0] =	ssyncadd.s32 @!p1 $0xFFFFF800  }
0x2f: {  	v0 =	vld [tilespmem:s15+$0x4C00]  }
0x30: {  	v1 =	vld [tilespmem:s15+$0xC00]  }
0x31: {  	v2 =	vld [tilespmem:s15+$0xC10]  }
0x32: {  	v3 =	vld [tilespmem:s15+$0x4C10]  }
0x33: {  	v4 =	vld [tilespmem:s15+$0xC20]  }
0x34: {  	v5 =	vld [tilespmem:s15+$0x4C20]  }
0x35: {  	v6 =	vld [tilespmem:s15+$0xC30]  }
0x36: {  	v7 =	vld [tilespmem:s15+$0x4C30]  }
0x37: {  	v0 =	vmul.f32 v0, v1;
	v1 =	vmul.f32 v3, v2;
	_ =	sdelay $0x1  }
0x38: {  	v0 =	vadd.f32 v1, v0;
	v1 =	vmul.f32 v5, v4;
	_ =	sdelay $0x1  }
0x39: {  	v0 =	vadd.f32 v1, v0;
	v1 =	vmul.f32 v7, v6;
	_ =	sdelay $0x1  }
0x3a: {  	v0 =	vadd.f32 v1, v0  }
0x3b: {  	s0 =	simm.s32 $0x8C00  }
0x3c: {  	s15 =	simm.s32 $0x40;
	[tilespmem:s0+$0x0] =	vst v0  }
0x3d: {  	v0 =	vld [tilespmem:s15+$0x4C00]  }
0x3e: {  	v1 =	vld [tilespmem:s15+$0xC00]  }
0x3f: {  	s1 =	simm.s32 $0x200;
	v2 =	vld [tilespmem:s15+$0xC10]  }
.LBB2_3:
0x40: {  	p2 =	sne.s32 s1, $0x7F00;
	v3 =	vld [tilespmem:s15+$0x4C10]  }
0x41: {  	v4 =	vld [tilespmem:s15+$0xC20]  }
0x42: {  	v5 =	vld [tilespmem:s15+$0x4C20]  }
0x43: {  	v6 =	vld [tilespmem:s15+$0xC30]  }
0x44: {  	v7 =	vld [tilespmem:s15+$0x4C30]  }
0x45: {  	v0 =	vmul.f32 v0, v1;
	v1 =	vmul.f32 v3, v2;
	_ =	sdelay $0x1  }
0x46: {  	v0 =	vadd.f32 v1, v0;
	v1 =	vmul.f32 v5, v4;
	_ =	sdelay $0x1  }
0x47: {  	v0 =	vadd.f32 v1, v0;
	v1 =	vmul.f32 v7, v6;
	_ =	sdelay $0x1  }
0x48: {  	v0 =	vadd.f32 v1, v0  }
.Ltmp0:
0x49: {  	s0 =	sadd.s32 $0x10, s0;
	(pc) =	sbr.rel @p2 .LBB2_3-.Ltmp0, $4  }
0x4a: {  	s15 =	sshra.s32 s1, $0x2;
	[tilespmem:s0+$0x0] =	vst v0  }
0x4b: {  	v0 =	vld [tilespmem:s15+$0x4C00]  }
0x4c: {  	v1 =	vld [tilespmem:s15+$0xC00]  }
0x4d: {  	s1 =	sadd.s32 $0x100, s1;
	v2 =	vld [tilespmem:s15+$0xC10]  }
0x4e: {  	v3 =	vld [tilespmem:s15+$0x4C10]  }
0x4f: {  	v4 =	vld [tilespmem:s15+$0xC20]  }
0x50: {  	v5 =	vld [tilespmem:s15+$0x4C20]  }
0x51: {  	v6 =	vld [tilespmem:s15+$0xC30]  }
0x52: {  	v7 =	vld [tilespmem:s15+$0x4C30]  }
0x53: {  	v0 =	vmul.f32 v0, v1;
	v1 =	vmul.f32 v3, v2;
	_ =	sdelay $0x1  }
0x54: {  	v0 =	vadd.f32 v1, v0;
	v1 =	vmul.f32 v5, v4  }
0x55: {  	s1 =	smov.u32 s11  }
0x56: {  	s1 =	smov.u32 @p0 s6;
	v0 =	vadd.f32 v1, v0;
	v1 =	vmul.f32 v7, v6  }
0x57: {  	s1 =	sadd.s32 s1, s30  }
0x58: {  	s1 =	sshll.u32 s1, $0x1;
	v0 =	vadd.f32 v1, v0  }
0x59: {  	s0 =	sadd.s32 $0x10, s0;
	p2 =	seq.s32 s29, $0xB;
	s1 =	sand.u32 $0x1FFFFE00, s1  }
0x5a: {  	p3 =	seq.s32 @!p2 s29, $0x0;
	s1 =	sadd.s32 s5, s1;
	[tilespmem:s0+$0x0] =	vst v0  }
0x5b: {  	[hbm4b:s1+s2] =	stream.linear.scatter [tilespmem:s22], [sflag:$0x3], $0x800, $0x38;
	[tilespmem:$0x9C00] =	vst v63  }
0x5c: {  	s15 =	simm.s32 @!p2 $0x4C00;
	s0 =	sadd.s32 @!p2 $0x100, s30;
	s1 =	simm.s32 @!p2 $0x80  }
0x5d: {  	[tilespmem:s15], [sflag:$0x1] =	stream.indirect.gather @!p2 [hbm4b:s3+s1], $0x40, s0, s1, $0xb8;
	[tilespmem:$0x9C00] =	vst v63  }
0x5e: {  	p3 =	por !p3, p2;
	s0 =	sadd.s32 @!p2 s6, s0;
	s1 =	sadd.s32 @!p2 s30, s12  }
0x5f: {  	s0 =	smov.u32 @p3 s1  }
0x60: {  	s0 =	sshll.u32 @!p2 s0, $0x3  }
0x61: {  	s0 =	sand.u32 @!p2 $0x1FFFF800, s0  }
0x62: {  	s15 =	simm.s32 @!p2 $0xC00;
	s1 =	simm.s32 @!p2 $0x0;
	s0 =	sadd.s32 @!p2 s4, s0  }
0x63: {  	[tilespmem:s15], [sflag:$0x1] =	stream.linear.gather @!p2 [hbm4b:s0+s1], $0x2000, $0x38;
	[tilespmem:$0x9C00] =	vst v63  }
0x64: {  	_ =	swait.ge [sflag:s23], $0x2000  }
0x65: {  	[sflag:s23] =	ssyncset.done $0x0  }
0x66: {  	[sflag:s23] =	ssyncadd.s32 $0xFFFFE000  }
0x67: {  	_ =	swait.ge [sflag:s23], $0x2000  }
0x68: {  	[sflag:s23] =	ssyncset.done $0x0  }
0x69: {  	s0 =	simm.s32 @!p1 $0x4;
	[sflag:s23] =	ssyncadd.s32 $0xFFFFE000  }
0x6a: {  	_ =	swait.ge @!p1 [sflag:s0], $0x800  }
0x6b: {  	[sflag:s0] =	ssyncset.done @!p1 $0x0  }
0x6c: {  	s15 =	simm.s32 $0x0;
	[sflag:s0] =	ssyncadd.s32 @!p1 $0xFFFFF800  }
0x6d: {  	v0 =	vld [tilespmem:s15+$0x6C00]  }
0x6e: {  	v1 =	vld [tilespmem:s15+$0x2C00]  }
0x6f: {  	v2 =	vld [tilespmem:s15+$0x2C10]  }
0x70: {  	v3 =	vld [tilespmem:s15+$0x6C10]  }
0x71: {  	v60 =	vld [tilespmem:s15+$0x2C20]  }
0x72: {  	v61 =	vld [tilespmem:s15+$0x6C20]  }
0x73: {  	v62 =	vld [tilespmem:s15+$0x2C30]  }
0x74: {  	v63 =	vld [tilespmem:s15+$0x6C30]  }
0x75: {  	v0 =	vmul.f32 v0, v1;
	v1 =	vmul.f32 v3, v2;
	_ =	sdelay $0x1  }
0x76: {  	v0 =	vadd.f32 v1, v0;
	v1 =	vmul.f32 v61, v60;
	_ =	sdelay $0x1  }
0x77: {  	v0 =	vadd.f32 v1, v0;
	v1 =	vmul.f32 v63, v62;
	_ =	sdelay $0x1  }
0x78: {  	v0 =	vadd.f32 v1, v0  }
0x79: {  	s0 =	simm.s32 $0x9400  }
0x7a: {  	s15 =	simm.s32 $0x40;
	[tilespmem:s0+$0x0] =	vst v0  }
0x7b: {  	v0 =	vld [tilespmem:s15+$0x6C00]  }
0x7c: {  	v1 =	vld [tilespmem:s15+$0x2C00]  }
0x7d: {  	s1 =	simm.s32 $0x200;
	v2 =	vld [tilespmem:s15+$0x2C10]  }
.LBB2_5:
0x7e: {  	p1 =	sne.s32 s1, $0x7F00;
	v3 =	vld [tilespmem:s15+$0x6C10]  }
0x7f: {  	v4 =	vld [tilespmem:s15+$0x2C20]  }
0x80: {  	v5 =	vld [tilespmem:s15+$0x6C20]  }
0x81: {  	v6 =	vld [tilespmem:s15+$0x2C30]  }
0x82: {  	v7 =	vld [tilespmem:s15+$0x6C30]  }
0x83: {  	v0 =	vmul.f32 v0, v1;
	v1 =	vmul.f32 v3, v2;
	_ =	sdelay $0x1  }
0x84: {  	v0 =	vadd.f32 v1, v0;
	v1 =	vmul.f32 v5, v4;
	_ =	sdelay $0x1  }
0x85: {  	v0 =	vadd.f32 v1, v0;
	v1 =	vmul.f32 v7, v6;
	_ =	sdelay $0x1  }
0x86: {  	v0 =	vadd.f32 v1, v0  }
.Ltmp1:
0x87: {  	s0 =	sadd.s32 $0x10, s0;
	(pc) =	sbr.rel @p1 .LBB2_5-.Ltmp1, $4  }
0x88: {  	s15 =	sshra.s32 s1, $0x2;
	[tilespmem:s0+$0x0] =	vst v0  }
0x89: {  	v0 =	vld [tilespmem:s15+$0x6C00]  }
0x8a: {  	v1 =	vld [tilespmem:s15+$0x2C00]  }
0x8b: {  	s1 =	sadd.s32 $0x100, s1;
	v2 =	vld [tilespmem:s15+$0x2C10]  }
0x8c: {  	v3 =	vld [tilespmem:s15+$0x6C10]  }
0x8d: {  	v4 =	vld [tilespmem:s15+$0x2C20]  }
0x8e: {  	v5 =	vld [tilespmem:s15+$0x6C20]  }
0x8f: {  	v6 =	vld [tilespmem:s15+$0x2C30]  }
0x90: {  	v7 =	vld [tilespmem:s15+$0x6C30]  }
0x91: {  	v0 =	vmul.f32 v0, v1;
	v61 =	vmul.f32 v3, v2;
	_ =	sdelay $0x1  }
0x92: {  	v62 =	vmul.f32 v5, v4;
	v0 =	vadd.f32 v61, v0  }
0x93: {  	s1 =	sadd.s32 s30, s13;
	s29 =	sadd.s32 $0x1, s29  }
0x94: {  	s1 =	smov.u32 @p0 s31;
	p0 =	sne.s32 s29, $0xC;
	v63 =	vmul.f32 v7, v6;
	v0 =	vadd.f32 v62, v0  }
.Ltmp2:
0x95: {  	_ = 	snop;
	(pc) =	sbr.rel @p0 .LBB2_2-.Ltmp2, $4  }
0x96: {  	s1 =	sshll.u32 s1, $0x1;
	v0 =	vadd.f32 v63, v0  }
0x97: {  	s0 =	sadd.s32 $0x10, s0;
	s1 =	sand.u32 $0x1FFFFF00, s1  }
0x98: {  	s31 =	sadd.s32 s5, s1;
	[tilespmem:s0+$0x0] =	vst v0  }
0x99: {  	[hbm4b:s31+s2] =	stream.linear.scatter [tilespmem:s24], [sflag:$0x4], $0x800, $0x38;
	[tilespmem:$0x9C00] =	vst v63  }
0x9a: {  	s28 =	sadd.s32 $0x1, s28  }
0x9b: {  	_ =	swait.ge [sflag:s25], $0x800;
	p0 =	sne.s32 s28, s14  }
.Ltmp3:
0x9c: {  	[sflag:s25] =	ssyncset.done $0x0;
	(pc) =	sbr.rel @p0 .LBB2_1-.Ltmp3, $4  }
0x9d: {  	[sflag:s25] =	ssyncadd.s32 $0xFFFFF800  }
0x9e: {  	_ =	swait.ge [sflag:s26], $0x800  }
0x9f: {  	[sflag:s26] =	ssyncset.done $0x0  }
0xa0: {  	[sflag:s26] =	ssyncadd.s32 $0xFFFFF800  }
0xa1: {  	_ =	sfence.sel $0x180000  }
0xa2: {  	[bflag:$0x0] =	sbarrier.arrive $0xFFFF  }
0xa3: {  	_ =	strace $0x9000004A  }
0xa4: {  	s0 =	stileid.u32;
	[bflag:$0x2] =	sbarrier.arrive $0xFFFF  }
0xa5: {  	p0 =	sne.s32 s0, $0x0;
	s0 =	rddreg [dreg:$0x3]  }
0xa6: {  	s0 =	sadd.s32 @!p0 $0x100000, s0  }
0xa7: {  	[sflag:s0] =	ssyncadd.tile.s32 @!p0 $0x1;
	_ =	shalt  }
.Lfunc_end2:
_tile_overlayer_lowered:
.L_overlay_start_2:
0xa8: {  	(tag) =	ssettag $0x2  }
0xa9: {  	s0 =	rddreg [dreg:$0x0];
	s2 =	stileid.u32  }
0xaa: {  	s1 =	rddreg [dreg:$0x1];
	p0 =	sne.s32 s2, $0x0  }
0xab: {  	s3 =	rddreg [dreg:$0x2];
	[bflag:$0x3] =	sbarrier.arrive $0xFFFF;
	s2 =	simm.s32 @!p0 $0x1C05  }
0xac: {  	[timem:s3], [sflag:s2] =	dma.local @!p0 [hbm:s0], s1  }
0xad: {  	s0 =	simm.s32 @!p0 $0x5  }
0xae: {  	_ =	swait.ge @!p0 [sflag:s0], s1  }
0xaf: {  	s1 =	ssub.s32 @!p0 $0x0, s1;
	[sflag:s0] =	ssyncset.done @!p0 $0x0  }
0xb0: {  	[sflag:s0] =	ssyncadd.s32 @!p0 s1  }
0xb1: {  	[bflag:$0x3] =	sbarrier.arrive $0xFFFF  }
0xb2: {  	_ =	shalt  }

</sc_bundles>
